<compile_context>
chip_gen: v7x
topology: tpu7x:2x2x1
jax: 0.10.2.dev20260603
libtpu: 0.0.44.dev20260713+nightly
codegen_flags: <defaults>
</compile_context>

<pallas_src>
import functools

import jax
import jax.numpy as jnp
from jax import lax
from jax.experimental import pallas as pl
from jax.experimental.pallas import tpu as pltpu
from jax.experimental.pallas import tpu_sc as plsc

VOCAB_ = 100000
DIM_ = 64
B_ = 4096

_NC = 2
_NS = 16
_NW = _NC * _NS
_BPW = B_ // _NW

_f32 = jnp.float32


def _sc_rows_body(focal, context, hfe, hce, sfe, sce,
                  hf_o, hc_o, sf_o, sc_o,
                  idxf_v, idxc_v, rhf, rhc, rsf, rsc, sem):
    wid = lax.axis_index("s") * _NC + lax.axis_index("c")
    base = wid * _BPW
    pltpu.sync_copy(focal.at[pl.ds(base, _BPW)], idxf_v)
    pltpu.sync_copy(context.at[pl.ds(base, _BPW)], idxc_v)

    def fetch(j, _):
        cf = idxf_v[pl.ds(j * 16, 16)]
        cc = idxc_v[pl.ds(j * 16, 16)]
        for t in range(16):
            i_f = cf[t]
            i_c = cc[t]
            r = j * 16 + t
            pltpu.async_copy(hfe.at[i_f], rhf.at[r], sem)
            pltpu.async_copy(hce.at[i_c], rhc.at[r], sem)
            pltpu.async_copy(sfe.at[i_f], rsf.at[r], sem)
            pltpu.async_copy(sce.at[i_c], rsc.at[r], sem)
        return 0
    lax.fori_loop(0, _BPW // 16, fetch, 0)

    pltpu.make_async_copy(hfe.at[pl.ds(0, _BPW)], rhf, sem).wait()
    pltpu.make_async_copy(hce.at[pl.ds(0, _BPW)], rhc, sem).wait()
    pltpu.make_async_copy(sfe.at[pl.ds(0, _BPW)], rsf, sem).wait()
    pltpu.make_async_copy(sce.at[pl.ds(0, _BPW)], rsc, sem).wait()

    s = pl.ds(base, _BPW)
    pltpu.sync_copy(rhf, hf_o.at[s])
    pltpu.sync_copy(rhc, hc_o.at[s])
    pltpu.sync_copy(rsf, sf_o.at[s])
    pltpu.sync_copy(rsc, sc_o.at[s])


@functools.lru_cache(maxsize=1)
def _make_sc_rows():
    return functools.partial(
        pl.kernel,
        mesh=plsc.VectorSubcoreMesh(core_axis_name="c", subcore_axis_name="s"),
        out_type=[jax.ShapeDtypeStruct((B_, DIM_), _f32)] * 4,
        scratch_types=[
            pltpu.VMEM((_BPW,), jnp.int32),
            pltpu.VMEM((_BPW,), jnp.int32),
            pltpu.VMEM((_BPW, DIM_), _f32),
            pltpu.VMEM((_BPW, DIM_), _f32),
            pltpu.VMEM((_BPW, DIM_), _f32),
            pltpu.VMEM((_BPW, DIM_), _f32),
            pltpu.SemaphoreType.DMA,
        ],
    )(_sc_rows_body)


def _sc_bias_body(focal, context, bfe8, bce8, bfh8, bch8, bfs8, bcs8,
                  bfe_o, bce_o, bfh_o, bch_o, bfs_o, bcs_o,
                  idxf_v, idxc_v, idxf8_v, idxc8_v,
                  b0, b1, b2, b3, b4, b5, sem):
    wid = lax.axis_index("s") * _NC + lax.axis_index("c")
    base = wid * _BPW
    pltpu.sync_copy(focal.at[pl.ds(base, _BPW)], idxf_v)
    pltpu.sync_copy(context.at[pl.ds(base, _BPW)], idxc_v)

    def shift_chunk(j, _):
        sl = pl.ds(j * 16, 16)
        idxf8_v[sl] = lax.shift_right_logical(idxf_v[sl], 3)
        idxc8_v[sl] = lax.shift_right_logical(idxc_v[sl], 3)
        return 0
    lax.fori_loop(0, _BPW // 16, shift_chunk, 0)

    cps = [
        pltpu.async_copy(bfe8.at[idxf8_v], b0, sem),
        pltpu.async_copy(bce8.at[idxc8_v], b1, sem),
        pltpu.async_copy(bfh8.at[idxf8_v], b2, sem),
        pltpu.async_copy(bch8.at[idxc8_v], b3, sem),
        pltpu.async_copy(bfs8.at[idxf8_v], b4, sem),
        pltpu.async_copy(bcs8.at[idxc8_v], b5, sem),
    ]
    for cp in cps:
        cp.wait()

    s = pl.ds(base, _BPW)
    pltpu.sync_copy(b0, bfe_o.at[s])
    pltpu.sync_copy(b1, bce_o.at[s])
    pltpu.sync_copy(b2, bfh_o.at[s])
    pltpu.sync_copy(b3, bch_o.at[s])
    pltpu.sync_copy(b4, bfs_o.at[s])
    pltpu.sync_copy(b5, bcs_o.at[s])


@functools.lru_cache(maxsize=1)
def _make_sc_bias():
    return functools.partial(
        pl.kernel,
        mesh=plsc.VectorSubcoreMesh(core_axis_name="c", subcore_axis_name="s"),
        compiler_params=pltpu.CompilerParams(use_tc_tiling_on_sc=False),
        out_type=[jax.ShapeDtypeStruct((B_, 8), _f32)] * 6,
        scratch_types=[
            pltpu.VMEM((_BPW,), jnp.int32),
            pltpu.VMEM((_BPW,), jnp.int32),
            pltpu.VMEM((_BPW,), jnp.int32),
            pltpu.VMEM((_BPW,), jnp.int32),
            pltpu.VMEM((_BPW, 8), _f32),
            pltpu.VMEM((_BPW, 8), _f32),
            pltpu.VMEM((_BPW, 8), _f32),
            pltpu.VMEM((_BPW, 8), _f32),
            pltpu.VMEM((_BPW, 8), _f32),
            pltpu.VMEM((_BPW, 8), _f32),
            pltpu.SemaphoreType.DMA,
        ],
    )(_sc_bias_body)


_SK = 0.7071067811865476


def _atan_pos(z):
    big = z > 1.0
    w = jnp.where(big, 1.0 / jnp.maximum(z, 1e-30), z)
    w = w / (1.0 + jnp.sqrt(1.0 + w * w))
    w = w / (1.0 + jnp.sqrt(1.0 + w * w))
    w2 = w * w
    p = w * (1.0 + w2 * (-1.0 / 3.0 + w2 * (0.2 + w2 * (-1.0 / 7.0
                                                        + w2 / 9.0))))
    a = 4.0 * p
    return jnp.where(big, 1.5707963267948966 - a, a)


def _stereo_nm(xr, yr, k):
    x = xr / jnp.sqrt(jnp.sum(xr * xr, axis=1, keepdims=True))
    y = yr / jnp.sqrt(jnp.sum(yr * yr, axis=1, keepdims=True))
    x2 = jnp.sum(x * x, axis=-1, keepdims=True)
    y2 = jnp.sum(y * y, axis=-1, keepdims=True)
    xy = jnp.sum(x * y, axis=-1, keepdims=True)
    num = (1.0 + k * x2) * y - (1.0 + 2.0 * k * xy - k * y2) * x
    den = 1.0 + 2.0 * k * xy + (k * k) * x2 * y2
    m = num / jnp.maximum(den, 1e-15)
    return jnp.sqrt(jnp.sum(m * m, axis=-1, keepdims=True))


def _bsel(rows8, mod):
    lane = lax.broadcasted_iota(jnp.int32, (1, 8), 1)
    return jnp.sum(jnp.where(lane == mod, rows8, 0.0), axis=1,
                   keepdims=True)


def _rowmath_body(hf, hc, sf, sc_, bfe8, bce8, bfh8, bch8, bfs8, bcs8,
                  fidx, cidx, logc, r_o, u_o, v_o, s_o, dh_o, ds_o):
    lg = logc[...]
    modf = lax.bitwise_and(fidx[...], 7)
    modc = lax.bitwise_and(cidx[...], 7)
    th = _bsel(bfh8[...], modf) + _bsel(bch8[...], modc) - lg
    ts = _bsel(bfs8[...], modf) + _bsel(bcs8[...], modc) - lg
    te = _bsel(bfe8[...], modf) + _bsel(bce8[...], modc) - lg
    le = (te - 1.0) ** 2
    r_o[...] = 0.5 * le + 0.25 * (th * th + ts * ts)
    u_o[...] = -0.5 * th
    v_o[...] = -0.5 * ts

    nmh = _stereo_nm(hf[...], hc[...], -0.5)
    t = jnp.clip(_SK * nmh, -1.0 + 1e-5, 1.0 - 1e-5)
    dist = jnp.log((1.0 + t) / (1.0 - t)) / _SK
    e = jnp.exp(dist)
    ch = 0.5 * (e + 1.0 / e)
    vh = ch * ch
    dh = vh / jnp.sqrt(jnp.sum(vh * vh))
    dh_o[...] = dh

    nms = _stereo_nm(sf[...], sc_[...], 0.5)
    dsts = 2.0 * _atan_pos(_SK * nms) / _SK
    vs = 0.5 * dsts * dsts
    ds = vs / jnp.sqrt(jnp.sum(vs * vs))
    ds_o[...] = ds

    s_o[...] = 0.25 * (dh * dh + ds * ds)


_rowmath = pl.pallas_call(
    _rowmath_body,
    out_shape=[jax.ShapeDtypeStruct((B_, 1), _f32)] * 6,
)


_TI = 512


def _outer_body(r, u, v, s, dh, ds, out):
    out[...] = (r[...] + s[...]) + u[...] * dh[...] + v[...] * ds[...]


_outer = pl.pallas_call(
    _outer_body,
    grid=(B_ // _TI,),
    in_specs=[
        pl.BlockSpec((_TI, 1), lambda i: (i, 0)),
        pl.BlockSpec((_TI, 1), lambda i: (i, 0)),
        pl.BlockSpec((_TI, 1), lambda i: (i, 0)),
        pl.BlockSpec((1, B_), lambda i: (0, 0)),
        pl.BlockSpec((1, B_), lambda i: (0, 0)),
        pl.BlockSpec((1, B_), lambda i: (0, 0)),
    ],
    out_specs=pl.BlockSpec((_TI, B_), lambda i: (i, 0)),
    out_shape=jax.ShapeDtypeStruct((B_, B_), _f32),
)


def kernel(focal_input, context_input, log_coocurrence_count,
           euc_fe, euc_ce, euc_fb, euc_cb,
           hyp_fe, hyp_ce, hyp_fb, hyp_cb,
           sph_fe, sph_ce, sph_fb, sph_cb):
    f = focal_input.astype(jnp.int32)
    c = context_input.astype(jnp.int32)
    hf, hc, sf, sc_ = _make_sc_rows()(f, c, hyp_fe, hyp_ce, sph_fe, sph_ce)
    v8 = (VOCAB_ // 8, 8)
    bfe8, bce8, bfh8, bch8, bfs8, bcs8 = _make_sc_bias()(
        f, c, euc_fb.reshape(v8), euc_cb.reshape(v8),
        hyp_fb.reshape(v8), hyp_cb.reshape(v8),
        sph_fb.reshape(v8), sph_cb.reshape(v8))
    r, u, v, s, dh, ds = _rowmath(
        hf, hc, sf, sc_, bfe8, bce8, bfh8, bch8, bfs8, bcs8,
        f.reshape(B_, 1), c.reshape(B_, 1), log_coocurrence_count)
    return _outer(r, u, v, s.reshape(1, B_), dh.reshape(1, B_),
                  ds.reshape(1, B_))

# --- scband reference (transcript-rebuilt; emitter-appended) ---
"""Pipeline reference for scband-glo-ve-mixed-curvature-69329362092066 (READ-ONLY COPY).

The authoritative reference and input builder live on the scoring server;
editing this copy changes nothing except your own understanding.
"""

import jax, jax.numpy as jnp
import numpy as np

VOCAB = 100000
DIM = 64
B = 4096

def _normalize(a):
    return a / jnp.sqrt(jnp.sum(a ** 2, axis=1, keepdims=True))

def _mobius_add(x, y, k):
    x2 = jnp.sum(x * x, axis=-1, keepdims=True)
    y2 = jnp.sum(y * y, axis=-1, keepdims=True)
    xy = jnp.sum(x * y, axis=-1, keepdims=True)
    num = (1.0 - 2.0 * k * xy - k * y2) * x + (1.0 + k * x2) * y
    den = 1.0 - 2.0 * k * xy + (k ** 2) * x2 * y2
    return num / jnp.maximum(den, 1e-15)

def _stereo_dist(x, y, k):
    m = _mobius_add(-x, y, k)
    nm = jnp.sqrt(jnp.sum(m * m, axis=-1))
    sk = jnp.sqrt(jnp.abs(k))
    if k < 0:
        t = jnp.clip(sk * nm, -1.0 + 1e-5, 1.0 - 1e-5)
        return 2.0 * jnp.arctanh(t) / sk
    return 2.0 * jnp.arctan(sk * nm) / sk

def _manifold_loss(fe_t, ce_t, fb_t, cb_t, focal, context, logc, c):
    fe = _normalize(jnp.take(fe_t, focal, axis=0))
    ce = _normalize(jnp.take(ce_t, context, axis=0))
    fb = jnp.take(fb_t, focal, axis=0)
    cb = jnp.take(cb_t, context, axis=0)
    if c == 0:
        d = jnp.sqrt(jnp.sum((ce - fe) ** 2))
    else:
        d = _stereo_dist(fe, ce, c)
    if c < 0:
        d = jnp.cosh(d) ** 2
    else:
        d = d ** 2 / 2.0
    d = d / jnp.sqrt(jnp.sum(d ** 2))
    loss = -d + fb + cb - logc
    return loss ** 2

def setup_inputs(seed: int = 0):
    key = jax.random.key(seed)
    ks = jax.random.split(key, 16)
    inp = {
        "focal_input": jax.random.randint(ks[0], (B,), 0, VOCAB),
        "context_input": jax.random.randint(ks[1], (B,), 0, VOCAB),
        "log_coocurrence_count": jax.random.uniform(ks[2], (B, 1), dtype=jnp.float32),
    }
    names = ["euc_fe", "euc_ce", "euc_fb", "euc_cb", "hyp_fe", "hyp_ce", "hyp_fb", "hyp_cb", "sph_fe", "sph_ce", "sph_fb", "sph_cb"]
    for i, n in enumerate(names):
        dim = DIM if n.endswith("e") else 1
        inp[n] = jax.random.normal(ks[3 + i], (VOCAB, dim), dtype=jnp.float32)
    return inp

def reference(focal_input, context_input, log_coocurrence_count, euc_fe, euc_ce, euc_fb, euc_cb, hyp_fe, hyp_ce, hyp_fb, hyp_cb, sph_fe, sph_ce, sph_fb, sph_cb):
    w = jnp.array([0.5, 0.25, 0.25], dtype=jnp.float32)
    le = _manifold_loss(euc_fe, euc_ce, euc_fb, euc_cb, focal_input, context_input, log_coocurrence_count, 0.0)
    lh = _manifold_loss(hyp_fe, hyp_ce, hyp_fb, hyp_cb, focal_input, context_input, log_coocurrence_count, -0.5)
    ls = _manifold_loss(sph_fe, sph_ce, sph_fb, sph_cb, focal_input, context_input, log_coocurrence_count, 0.5)
    return w[0] * le + w[1] * lh + w[2] * ls

if __name__ == "__main__":
    import jax
    _d = setup_inputs()
    print(jax.jit(kernel)(*tuple(_d.values())))

</pallas_src>

<mosaic_0001>
#map = affine_map<(d0, d1) -> (0)>
#map1 = affine_map<(d0, d1) -> (0, 0)>
module attributes {stable_mosaic.version = 14 : i64} {
  func.func @_sc_rows_body(%arg0: i32, %arg1: i32, %arg2: memref<4096xi32, #tpu.memory_space<hbm>>, %arg3: memref<4096xi32, #tpu.memory_space<hbm>>, %arg4: memref<100000x64xf32, #tpu.memory_space<hbm>>, %arg5: memref<100000x64xf32, #tpu.memory_space<hbm>>, %arg6: memref<100000x64xf32, #tpu.memory_space<hbm>>, %arg7: memref<100000x64xf32, #tpu.memory_space<hbm>>, %arg8: memref<4096x64xf32, #tpu.memory_space<hbm>>, %arg9: memref<4096x64xf32, #tpu.memory_space<hbm>>, %arg10: memref<4096x64xf32, #tpu.memory_space<hbm>>, %arg11: memref<4096x64xf32, #tpu.memory_space<hbm>>, %arg12: memref<128xi32, #tpu.memory_space<vmem>>, %arg13: memref<128xi32, #tpu.memory_space<vmem>>, %arg14: memref<128x64xf32, #tpu.memory_space<vmem>>, %arg15: memref<128x64xf32, #tpu.memory_space<vmem>>, %arg16: memref<128x64xf32, #tpu.memory_space<vmem>>, %arg17: memref<128x64xf32, #tpu.memory_space<vmem>>, %arg18: memref<!tpu.dma_semaphore, #tpu.memory_space<semaphore_mem>>) attributes {dimension_semantics = [#tpu.dimension_semantics<core_parallel>, #tpu.dimension_semantics<subcore_parallel>], iteration_bounds = array<i64: 2, 16>, scalar_prefetch = 0 : i64, scratch_operands = 7 : i64, tpu.core_type = #tpu.core_type<sc_vector_subcore>, window_params = [{transform_indices = #map}, {transform_indices = #map}, {transform_indices = #map1}, {transform_indices = #map1}, {transform_indices = #map1}, {transform_indices = #map1}, {transform_indices = #map1}, {transform_indices = #map1}, {transform_indices = #map1}, {transform_indices = #map1}]} {
    %mul3A = arith.constant 2 : i32
    %mul3A_0 = arith.muli %arg1, %mul3A : i32
    %add3A = arith.addi %mul3A_0, %arg0 : i32
    %mul3A_1 = arith.constant 128 : i32
    %mul3A_2 = arith.muli %add3A, %mul3A_1 : i32
    "tpu.region"() ({
      %run_scoped3A = tpu.sem_alloc : memref<!tpu.dma_semaphore, #tpu.memory_space<semaphore_mem>>
      %dma_start3A = tpu.memref_slice %arg2[%mul3A_2] : memref<4096xi32, #tpu.memory_space<hbm>> -> memref<128xi32, #tpu.memory_space<hbm>>
      %dma_start3A_32 = tpu.memref_slice %arg2[%mul3A_2] : memref<4096xi32, #tpu.memory_space<hbm>> -> memref<128xi32, #tpu.memory_space<hbm>>
      tpu.enqueue_dma source(%dma_start3A_32 : memref<128xi32, #tpu.memory_space<hbm>>) target(%arg12 : memref<128xi32, #tpu.memory_space<vmem>>) target_semaphore(%run_scoped3A : memref<!tpu.dma_semaphore, #tpu.memory_space<semaphore_mem>>)
      %dma_wait3A_33 = tpu.memref_slice %arg2[%mul3A_2] : memref<4096xi32, #tpu.memory_space<hbm>> -> memref<128xi32, #tpu.memory_space<hbm>>
      %dma_wait3A_34 = tpu.memref_slice %arg2[%mul3A_2] : memref<4096xi32, #tpu.memory_space<hbm>> -> memref<128xi32, #tpu.memory_space<hbm>>
      tpu.wait_dma2 semaphore(%run_scoped3A : memref<!tpu.dma_semaphore, #tpu.memory_space<semaphore_mem>>) src(%dma_wait3A_34 : memref<128xi32, #tpu.memory_space<hbm>>) dst(%arg12 : memref<128xi32, #tpu.memory_space<vmem>>)
      tpu.yield
    }) : () -> ()
    "tpu.region"() ({
      %run_scoped3A = tpu.sem_alloc : memref<!tpu.dma_semaphore, #tpu.memory_space<semaphore_mem>>
      %dma_start3A = tpu.memref_slice %arg3[%mul3A_2] : memref<4096xi32, #tpu.memory_space<hbm>> -> memref<128xi32, #tpu.memory_space<hbm>>
      %dma_start3A_32 = tpu.memref_slice %arg3[%mul3A_2] : memref<4096xi32, #tpu.memory_space<hbm>> -> memref<128xi32, #tpu.memory_space<hbm>>
      tpu.enqueue_dma source(%dma_start3A_32 : memref<128xi32, #tpu.memory_space<hbm>>) target(%arg13 : memref<128xi32, #tpu.memory_space<vmem>>) target_semaphore(%run_scoped3A : memref<!tpu.dma_semaphore, #tpu.memory_space<semaphore_mem>>)
      %dma_wait3A_33 = tpu.memref_slice %arg3[%mul3A_2] : memref<4096xi32, #tpu.memory_space<hbm>> -> memref<128xi32, #tpu.memory_space<hbm>>
      %dma_wait3A_34 = tpu.memref_slice %arg3[%mul3A_2] : memref<4096xi32, #tpu.memory_space<hbm>> -> memref<128xi32, #tpu.memory_space<hbm>>
      tpu.wait_dma2 semaphore(%run_scoped3A : memref<!tpu.dma_semaphore, #tpu.memory_space<semaphore_mem>>) src(%dma_wait3A_34 : memref<128xi32, #tpu.memory_space<hbm>>) dst(%arg13 : memref<128xi32, #tpu.memory_space<vmem>>)
      tpu.yield
    }) : () -> ()
    %scan3A = arith.constant 0 : i32
    %scan3A_3 = arith.constant 0 : i32
    %scan3A_4 = arith.constant 8 : i32
    %scan3A_5 = arith.addi %scan3A_3, %scan3A_4 : i32
    %scan3A_6 = arith.constant 1 : i32
    %scan3A_7 = scf.for %scan3A_32 = %scan3A_3 to %scan3A_5 step %scan3A_6 iter_args(%scan3A_33 = %scan3A) -> (i32)  : i32 {
      %mul3A_34 = arith.constant 16 : i32
      %mul3A_35 = arith.muli %scan3A_32, %mul3A_34 : i32
      %get3A = arith.index_cast %mul3A_35 : i32 to index
      %get3A_36 = tpu.vector_load %arg12[%get3A] {strides = array<i32>} : memref<128xi32, #tpu.memory_space<vmem>>, vector<16xi32>,
      %get3A_37 = vector.shape_cast %get3A_36 : vector<16xi32> to vector<16xi32>
      %mul3A_38 = arith.constant 16 : i32
      %mul3A_39 = arith.muli %scan3A_32, %mul3A_38 : i32
      %get3A_40 = arith.index_cast %mul3A_39 : i32 to index
      %get3A_41 = tpu.vector_load %arg13[%get3A_40] {strides = array<i32>} : memref<128xi32, #tpu.memory_space<vmem>>, vector<16xi32>,
      %get3A_42 = vector.shape_cast %get3A_41 : vector<16xi32> to vector<16xi32>
      %slice3A = vector.extract_strided_slice %get3A_37 {offsets = [0], sizes = [1], strides = [1]} : vector<16xi32> to vector<1xi32>
      %squeeze3A = vector.extract %slice3A[0] : i32 from vector<1xi32>
      %slice3A_43 = vector.extract_strided_slice %get3A_42 {offsets = [0], sizes = [1], strides = [1]} : vector<16xi32> to vector<1xi32>
      %squeeze3A_44 = vector.extract %slice3A_43[0] : i32 from vector<1xi32>
      %mul3A_45 = arith.constant 16 : i32
      %mul3A_46 = arith.muli %scan3A_32, %mul3A_45 : i32
      %add3A_47 = arith.constant 0 : i32
      %add3A_48 = arith.addi %mul3A_46, %add3A_47 : i32
      %dma_start3A = arith.constant 0 : i32
      %dma_start3A_49 = tpu.memref_slice %arg14[%add3A_48, %dma_start3A] : memref<128x64xf32, #tpu.memory_space<vmem>> -> memref<1x64xf32, #tpu.memory_space<vmem>>
      %dma_start3A_50 = tpu.memref_squeeze %dma_start3A_49 : memref<1x64xf32, #tpu.memory_space<vmem>> -> memref<64xf32, #tpu.memory_space<vmem>>
      %dma_start3A_51 = arith.constant 0 : i32
      %dma_start3A_52 = tpu.memref_slice %arg4[%squeeze3A, %dma_start3A_51] : memref<100000x64xf32, #tpu.memory_space<hbm>> -> memref<1x64xf32, #tpu.memory_space<hbm>>
      %dma_start3A_53 = tpu.memref_squeeze %dma_start3A_52 : memref<1x64xf32, #tpu.memory_space<hbm>> -> memref<64xf32, #tpu.memory_space<hbm>>
      %dma_start3A_54 = arith.constant 0 : i32
      %dma_start3A_55 = tpu.memref_slice %arg14[%add3A_48, %dma_start3A_54] : memref<128x64xf32, #tpu.memory_space<vmem>> -> memref<1x64xf32, #tpu.memory_space<vmem>>
      %dma_start3A_56 = tpu.memref_squeeze %dma_start3A_55 : memref<1x64xf32, #tpu.memory_space<vmem>> -> memref<64xf32, #tpu.memory_space<vmem>>
      %dma_start3A_57 = arith.constant 0 : i32
      %dma_start3A_58 = tpu.memref_slice %arg4[%squeeze3A, %dma_start3A_57] : memref<100000x64xf32, #tpu.memory_space<hbm>> -> memref<1x64xf32, #tpu.memory_space<hbm>>
      %dma_start3A_59 = tpu.memref_squeeze %dma_start3A_58 : memref<1x64xf32, #tpu.memory_space<hbm>> -> memref<64xf32, #tpu.memory_space<hbm>>
      tpu.enqueue_dma source(%dma_start3A_59 : memref<64xf32, #tpu.memory_space<hbm>>) target(%dma_start3A_56 : memref<64xf32, #tpu.memory_space<vmem>>) target_semaphore(%arg18 : memref<!tpu.dma_semaphore, #tpu.memory_space<semaphore_mem>>)
      %dma_start3A_60 = arith.constant 0 : i32
      %dma_start3A_61 = tpu.memref_slice %arg15[%add3A_48, %dma_start3A_60] : memref<128x64xf32, #tpu.memory_space<vmem>> -> memref<1x64xf32, #tpu.memory_space<vmem>>
      %dma_start3A_62 = tpu.memref_squeeze %dma_start3A_61 : memref<1x64xf32, #tpu.memory_space<vmem>> -> memref<64xf32, #tpu.memory_space<vmem>>
      %dma_start3A_63 = arith.constant 0 : i32
      %dma_start3A_64 = tpu.memref_slice %arg5[%squeeze3A_44, %dma_start3A_63] : memref<100000x64xf32, #tpu.memory_space<hbm>> -> memref<1x64xf32, #tpu.memory_space<hbm>>
      %dma_start3A_65 = tpu.memref_squeeze %dma_start3A_64 : memref<1x64xf32, #tpu.memory_space<hbm>> -> memref<64xf32, #tpu.memory_space<hbm>>
      %dma_start3A_66 = arith.constant 0 : i32
      %dma_start3A_67 = tpu.memref_slice %arg15[%add3A_48, %dma_start3A_66] : memref<128x64xf32, #tpu.memory_space<vmem>> -> memref<1x64xf32, #tpu.memory_space<vmem>>
      %dma_start3A_68 = tpu.memref_squeeze %dma_start3A_67 : memref<1x64xf32, #tpu.memory_space<vmem>> -> memref<64xf32, #tpu.memory_space<vmem>>
      %dma_start3A_69 = arith.constant 0 : i32
      %dma_start3A_70 = tpu.memref_slice %arg5[%squeeze3A_44, %dma_start3A_69] : memref<100000x64xf32, #tpu.memory_space<hbm>> -> memref<1x64xf32, #tpu.memory_space<hbm>>
      %dma_start3A_71 = tpu.memref_squeeze %dma_start3A_70 : memref<1x64xf32, #tpu.memory_space<hbm>> -> memref<64xf32, #tpu.memory_space<hbm>>
      tpu.enqueue_dma source(%dma_start3A_71 : memref<64xf32, #tpu.memory_space<hbm>>) target(%dma_start3A_68 : memref<64xf32, #tpu.memory_space<vmem>>) target_semaphore(%arg18 : memref<!tpu.dma_semaphore, #tpu.memory_space<semaphore_mem>>)
      %dma_start3A_72 = arith.constant 0 : i32
      %dma_start3A_73 = tpu.memref_slice %arg16[%add3A_48, %dma_start3A_72] : memref<128x64xf32, #tpu.memory_space<vmem>> -> memref<1x64xf32, #tpu.memory_space<vmem>>
      %dma_start3A_74 = tpu.memref_squeeze %dma_start3A_73 : memref<1x64xf32, #tpu.memory_space<vmem>> -> memref<64xf32, #tpu.memory_space<vmem>>
      %dma_start3A_75 = arith.constant 0 : i32
      %dma_start3A_76 = tpu.memref_slice %arg6[%squeeze3A, %dma_start3A_75] : memref<100000x64xf32, #tpu.memory_space<hbm>> -> memref<1x64xf32, #tpu.memory_space<hbm>>
      %dma_start3A_77 = tpu.memref_squeeze %dma_start3A_76 : memref<1x64xf32, #tpu.memory_space<hbm>> -> memref<64xf32, #tpu.memory_space<hbm>>
      %dma_start3A_78 = arith.constant 0 : i32
      %dma_start3A_79 = tpu.memref_slice %arg16[%add3A_48, %dma_start3A_78] : memref<128x64xf32, #tpu.memory_space<vmem>> -> memref<1x64xf32, #tpu.memory_space<vmem>>
      %dma_start3A_80 = tpu.memref_squeeze %dma_start3A_79 : memref<1x64xf32, #tpu.memory_space<vmem>> -> memref<64xf32, #tpu.memory_space<vmem>>
      %dma_start3A_81 = arith.constant 0 : i32
      %dma_start3A_82 = tpu.memref_slice %arg6[%squeeze3A, %dma_start3A_81] : memref<100000x64xf32, #tpu.memory_space<hbm>> -> memref<1x64xf32, #tpu.memory_space<hbm>>
      %dma_start3A_83 = tpu.memref_squeeze %dma_start3A_82 : memref<1x64xf32, #tpu.memory_space<hbm>> -> memref<64xf32, #tpu.memory_space<hbm>>
      tpu.enqueue_dma source(%dma_start3A_83 : memref<64xf32, #tpu.memory_space<hbm>>) target(%dma_start3A_80 : memref<64xf32, #tpu.memory_space<vmem>>) target_semaphore(%arg18 : memref<!tpu.dma_semaphore, #tpu.memory_space<semaphore_mem>>)
      %dma_start3A_84 = arith.constant 0 : i32
      %dma_start3A_85 = tpu.memref_slice %arg17[%add3A_48, %dma_start3A_84] : memref<128x64xf32, #tpu.memory_space<vmem>> -> memref<1x64xf32, #tpu.memory_space<vmem>>
      %dma_start3A_86 = tpu.memref_squeeze %dma_start3A_85 : memref<1x64xf32, #tpu.memory_space<vmem>> -> memref<64xf32, #tpu.memory_space<vmem>>
      %dma_start3A_87 = arith.constant 0 : i32
      %dma_start3A_88 = tpu.memref_slice %arg7[%squeeze3A_44, %dma_start3A_87] : memref<100000x64xf32, #tpu.memory_space<hbm>> -> memref<1x64xf32, #tpu.memory_space<hbm>>
      %dma_start3A_89 = tpu.memref_squeeze %dma_start3A_88 : memref<1x64xf32, #tpu.memory_space<hbm>> -> memref<64xf32, #tpu.memory_space<hbm>>
      %dma_start3A_90 = arith.constant 0 : i32
      %dma_start3A_91 = tpu.memref_slice %arg17[%add3A_48, %dma_start3A_90] : memref<128x64xf32, #tpu.memory_space<vmem>> -> memref<1x64xf32, #tpu.memory_space<vmem>>
      %dma_start3A_92 = tpu.memref_squeeze %dma_start3A_91 : memref<1x64xf32, #tpu.memory_space<vmem>> -> memref<64xf32, #tpu.memory_space<vmem>>
      %dma_start3A_93 = arith.constant 0 : i32
      %dma_start3A_94 = tpu.memref_slice %arg7[%squeeze3A_44, %dma_start3A_93] : memref<100000x64xf32, #tpu.memory_space<hbm>> -> memref<1x64xf32, #tpu.memory_space<hbm>>
      %dma_start3A_95 = tpu.memref_squeeze %dma_start3A_94 : memref<1x64xf32, #tpu.memory_space<hbm>> -> memref<64xf32, #tpu.memory_space<hbm>>
      tpu.enqueue_dma source(%dma_start3A_95 : memref<64xf32, #tpu.memory_space<hbm>>) target(%dma_start3A_92 : memref<64xf32, #tpu.memory_space<vmem>>) target_semaphore(%arg18 : memref<!tpu.dma_semaphore, #tpu.memory_space<semaphore_mem>>)
      %slice3A_96 = vector.extract_strided_slice %get3A_37 {offsets = [1], sizes = [1], strides = [1]} : vector<16xi32> to vector<1xi32>
      %squeeze3A_97 = vector.extract %slice3A_96[0] : i32 from vector<1xi32>
      %slice3A_98 = vector.extract_strided_slice %get3A_42 {offsets = [1], sizes = [1], strides = [1]} : vector<16xi32> to vector<1xi32>
      %squeeze3A_99 = vector.extract %slice3A_98[0] : i32 from vector<1xi32>
      %mul3A_100 = arith.constant 16 : i32
      %mul3A_101 = arith.muli %scan3A_32, %mul3A_100 : i32
      %add3A_102 = arith.constant 1 : i32
      %add3A_103 = arith.addi %mul3A_101, %add3A_102 : i32
      %dma_start3A_104 = arith.constant 0 : i32
      %dma_start3A_105 = tpu.memref_slice %arg14[%add3A_103, %dma_start3A_104] : memref<128x64xf32, #tpu.memory_space<vmem>> -> memref<1x64xf32, #tpu.memory_space<vmem>>
      %dma_start3A_106 = tpu.memref_squeeze %dma_start3A_105 : memref<1x64xf32, #tpu.memory_space<vmem>> -> memref<64xf32, #tpu.memory_space<vmem>>
      %dma_start3A_107 = arith.constant 0 : i32
      %dma_start3A_108 = tpu.memref_slice %arg4[%squeeze3A_97, %dma_start3A_107] : memref<100000x64xf32, #tpu.memory_space<hbm>> -> memref<1x64xf32, #tpu.memory_space<hbm>>
      %dma_start3A_109 = tpu.memref_squeeze %dma_start3A_108 : memref<1x64xf32, #tpu.memory_space<hbm>> -> memref<64xf32, #tpu.memory_space<hbm>>
      %dma_start3A_110 = arith.constant 0 : i32
      %dma_start3A_111 = tpu.memref_slice %arg14[%add3A_103, %dma_start3A_110] : memref<128x64xf32, #tpu.memory_space<vmem>> -> memref<1x64xf32, #tpu.memory_space<vmem>>
      %dma_start3A_112 = tpu.memref_squeeze %dma_start3A_111 : memref<1x64xf32, #tpu.memory_space<vmem>> -> memref<64xf32, #tpu.memory_space<vmem>>
      %dma_start3A_113 = arith.constant 0 : i32
      %dma_start3A_114 = tpu.memref_slice %arg4[%squeeze3A_97, %dma_start3A_113] : memref<100000x64xf32, #tpu.memory_space<hbm>> -> memref<1x64xf32, #tpu.memory_space<hbm>>
      %dma_start3A_115 = tpu.memref_squeeze %dma_start3A_114 : memref<1x64xf32, #tpu.memory_space<hbm>> -> memref<64xf32, #tpu.memory_space<hbm>>
      tpu.enqueue_dma source(%dma_start3A_115 : memref<64xf32, #tpu.memory_space<hbm>>) target(%dma_start3A_112 : memref<64xf32, #tpu.memory_space<vmem>>) target_semaphore(%arg18 : memref<!tpu.dma_semaphore, #tpu.memory_space<semaphore_mem>>)
      %dma_start3A_116 = arith.constant 0 : i32
      %dma_start3A_117 = tpu.memref_slice %arg15[%add3A_103, %dma_start3A_116] : memref<128x64xf32, #tpu.memory_space<vmem>> -> memref<1x64xf32, #tpu.memory_space<vmem>>
      %dma_start3A_118 = tpu.memref_squeeze %dma_start3A_117 : memref<1x64xf32, #tpu.memory_space<vmem>> -> memref<64xf32, #tpu.memory_space<vmem>>
      %dma_start3A_119 = arith.constant 0 : i32
      %dma_start3A_120 = tpu.memref_slice %arg5[%squeeze3A_99, %dma_start3A_119] : memref<100000x64xf32, #tpu.memory_space<hbm>> -> memref<1x64xf32, #tpu.memory_space<hbm>>
      %dma_start3A_121 = tpu.memref_squeeze %dma_start3A_120 : memref<1x64xf32, #tpu.memory_space<hbm>> -> memref<64xf32, #tpu.memory_space<hbm>>
      %dma_start3A_122 = arith.constant 0 : i32
      %dma_start3A_123 = tpu.memref_slice %arg15[%add3A_103, %dma_start3A_122] : memref<128x64xf32, #tpu.memory_space<vmem>> -> memref<1x64xf32, #tpu.memory_space<vmem>>
      %dma_start3A_124 = tpu.memref_squeeze %dma_start3A_123 : memref<1x64xf32, #tpu.memory_space<vmem>> -> memref<64xf32, #tpu.memory_space<vmem>>
      %dma_start3A_125 = arith.constant 0 : i32
      %dma_start3A_126 = tpu.memref_slice %arg5[%squeeze3A_99, %dma_start3A_125] : memref<100000x64xf32, #tpu.memory_space<hbm>> -> memref<1x64xf32, #tpu.memory_space<hbm>>
      %dma_start3A_127 = tpu.memref_squeeze %dma_start3A_126 : memref<1x64xf32, #tpu.memory_space<hbm>> -> memref<64xf32, #tpu.memory_space<hbm>>
      tpu.enqueue_dma source(%dma_start3A_127 : memref<64xf32, #tpu.memory_space<hbm>>) target(%dma_start3A_124 : memref<64xf32, #tpu.memory_space<vmem>>) target_semaphore(%arg18 : memref<!tpu.dma_semaphore, #tpu.memory_space<semaphore_mem>>)
      %dma_start3A_128 = arith.constant 0 : i32
      %dma_start3A_129 = tpu.memref_slice %arg16[%add3A_103, %dma_start3A_128] : memref<128x64xf32, #tpu.memory_space<vmem>> -> memref<1x64xf32, #tpu.memory_space<vmem>>
      %dma_start3A_130 = tpu.memref_squeeze %dma_start3A_129 : memref<1x64xf32, #tpu.memory_space<vmem>> -> memref<64xf32, #tpu.memory_space<vmem>>
      %dma_start3A_131 = arith.constant 0 : i32
      %dma_start3A_132 = tpu.memref_slice %arg6[%squeeze3A_97, %dma_start3A_131] : memref<100000x64xf32, #tpu.memory_space<hbm>> -> memref<1x64xf32, #tpu.memory_space<hbm>>
      %dma_start3A_133 = tpu.memref_squeeze %dma_start3A_132 : memref<1x64xf32, #tpu.memory_space<hbm>> -> memref<64xf32, #tpu.memory_space<hbm>>
      %dma_start3A_134 = arith.constant 0 : i32
      %dma_start3A_135 = tpu.memref_slice %arg16[%add3A_103, %dma_start3A_134] : memref<128x64xf32, #tpu.memory_space<vmem>> -> memref<1x64xf32, #tpu.memory_space<vmem>>
      %dma_start3A_136 = tpu.memref_squeeze %dma_start3A_135 : memref<1x64xf32, #tpu.memory_space<vmem>> -> memref<64xf32, #tpu.memory_space<vmem>>
      %dma_start3A_137 = arith.constant 0 : i32
      %dma_start3A_138 = tpu.memref_slice %arg6[%squeeze3A_97, %dma_start3A_137] : memref<100000x64xf32, #tpu.memory_space<hbm>> -> memref<1x64xf32, #tpu.memory_space<hbm>>
      %dma_start3A_139 = tpu.memref_squeeze %dma_start3A_138 : memref<1x64xf32, #tpu.memory_space<hbm>> -> memref<64xf32, #tpu.memory_space<hbm>>
      tpu.enqueue_dma source(%dma_start3A_139 : memref<64xf32, #tpu.memory_space<hbm>>) target(%dma_start3A_136 : memref<64xf32, #tpu.memory_space<vmem>>) target_semaphore(%arg18 : memref<!tpu.dma_semaphore, #tpu.memory_space<semaphore_mem>>)
      %dma_start3A_140 = arith.constant 0 : i32
      %dma_start3A_141 = tpu.memref_slice %arg17[%add3A_103, %dma_start3A_140] : memref<128x64xf32, #tpu.memory_space<vmem>> -> memref<1x64xf32, #tpu.memory_space<vmem>>
      %dma_start3A_142 = tpu.memref_squeeze %dma_start3A_141 : memref<1x64xf32, #tpu.memory_space<vmem>> -> memref<64xf32, #tpu.memory_space<vmem>>
      %dma_start3A_143 = arith.constant 0 : i32
      %dma_start3A_144 = tpu.memref_slice %arg7[%squeeze3A_99, %dma_start3A_143] : memref<100000x64xf32, #tpu.memory_space<hbm>> -> memref<1x64xf32, #tpu.memory_space<hbm>>
      %dma_start3A_145 = tpu.memref_squeeze %dma_start3A_144 : memref<1x64xf32, #tpu.memory_space<hbm>> -> memref<64xf32, #tpu.memory_space<hbm>>
      %dma_start3A_146 = arith.constant 0 : i32
      %dma_start3A_147 = tpu.memref_slice %arg17[%add3A_103, %dma_start3A_146] : memref<128x64xf32, #tpu.memory_space<vmem>> -> memref<1x64xf32, #tpu.memory_space<vmem>>
      %dma_start3A_148 = tpu.memref_squeeze %dma_start3A_147 : memref<1x64xf32, #tpu.memory_space<vmem>> -> memref<64xf32, #tpu.memory_space<vmem>>
      %dma_start3A_149 = arith.constant 0 : i32
      %dma_start3A_150 = tpu.memref_slice %arg7[%squeeze3A_99, %dma_start3A_149] : memref<100000x64xf32, #tpu.memory_space<hbm>> -> memref<1x64xf32, #tpu.memory_space<hbm>>
      %dma_start3A_151 = tpu.memref_squeeze %dma_start3A_150 : memref<1x64xf32, #tpu.memory_space<hbm>> -> memref<64xf32, #tpu.memory_space<hbm>>
      tpu.enqueue_dma source(%dma_start3A_151 : memref<64xf32, #tpu.memory_space<hbm>>) target(%dma_start3A_148 : memref<64xf32, #tpu.memory_space<vmem>>) target_semaphore(%arg18 : memref<!tpu.dma_semaphore, #tpu.memory_space<semaphore_mem>>)
      %slice3A_152 = vector.extract_strided_slice %get3A_37 {offsets = [2], sizes = [1], strides = [1]} : vector<16xi32> to vector<1xi32>
      %squeeze3A_153 = vector.extract %slice3A_152[0] : i32 from vector<1xi32>
      %slice3A_154 = vector.extract_strided_slice %get3A_42 {offsets = [2], sizes = [1], strides = [1]} : vector<16xi32> to vector<1xi32>
      %squeeze3A_155 = vector.extract %slice3A_154[0] : i32 from vector<1xi32>
      %mul3A_156 = arith.constant 16 : i32
      %mul3A_157 = arith.muli %scan3A_32, %mul3A_156 : i32
      %add3A_158 = arith.constant 2 : i32
      %add3A_159 = arith.addi %mul3A_157, %add3A_158 : i32
      %dma_start3A_160 = arith.constant 0 : i32
      %dma_start3A_161 = tpu.memref_slice %arg14[%add3A_159, %dma_start3A_160] : memref<128x64xf32, #tpu.memory_space<vmem>> -> memref<1x64xf32, #tpu.memory_space<vmem>>
      %dma_start3A_162 = tpu.memref_squeeze %dma_start3A_161 : memref<1x64xf32, #tpu.memory_space<vmem>> -> memref<64xf32, #tpu.memory_space<vmem>>
      %dma_start3A_163 = arith.constant 0 : i32
      %dma_start3A_164 = tpu.memref_slice %arg4[%squeeze3A_153, %dma_start3A_163] : memref<100000x64xf32, #tpu.memory_space<hbm>> -> memref<1x64xf32, #tpu.memory_space<hbm>>
      %dma_start3A_165 = tpu.memref_squeeze %dma_start3A_164 : memref<1x64xf32, #tpu.memory_space<hbm>> -> memref<64xf32, #tpu.memory_space<hbm>>
      %dma_start3A_166 = arith.constant 0 : i32
      %dma_start3A_167 = tpu.memref_slice %arg14[%add3A_159, %dma_start3A_166] : memref<128x64xf32, #tpu.memory_space<vmem>> -> memref<1x64xf32, #tpu.memory_space<vmem>>
      %dma_start3A_168 = tpu.memref_squeeze %dma_start3A_167 : memref<1x64xf32, #tpu.memory_space<vmem>> -> memref<64xf32, #tpu.memory_space<vmem>>
      %dma_start3A_169 = arith.constant 0 : i32
      %dma_start3A_170 = tpu.memref_slice %arg4[%squeeze3A_153, %dma_start3A_169] : memref<100000x64xf32, #tpu.memory_space<hbm>> -> memref<1x64xf32, #tpu.memory_space<hbm>>
      %dma_start3A_171 = tpu.memref_squeeze %dma_start3A_170 : memref<1x64xf32, #tpu.memory_space<hbm>> -> memref<64xf32, #tpu.memory_space<hbm>>
      tpu.enqueue_dma source(%dma_start3A_171 : memref<64xf32, #tpu.memory_space<hbm>>) target(%dma_start3A_168 : memref<64xf32, #tpu.memory_space<vmem>>) target_semaphore(%arg18 : memref<!tpu.dma_semaphore, #tpu.memory_space<semaphore_mem>>)
      %dma_start3A_172 = arith.constant 0 : i32
      %dma_start3A_173 = tpu.memref_slice %arg15[%add3A_159, %dma_start3A_172] : memref<128x64xf32, #tpu.memory_space<vmem>> -> memref<1x64xf32, #tpu.memory_space<vmem>>
      %dma_start3A_174 = tpu.memref_squeeze %dma_start3A_173 : memref<1x64xf32, #tpu.memory_space<vmem>> -> memref<64xf32, #tpu.memory_space<vmem>>
      %dma_start3A_175 = arith.constant 0 : i32
      %dma_start3A_176 = tpu.memref_slice %arg5[%squeeze3A_155, %dma_start3A_175] : memref<100000x64xf32, #tpu.memory_space<hbm>> -> memref<1x64xf32, #tpu.memory_space<hbm>>
      %dma_start3A_177 = tpu.memref_squeeze %dma_start3A_176 : memref<1x64xf32, #tpu.memory_space<hbm>> -> memref<64xf32, #tpu.memory_space<hbm>>
      %dma_start3A_178 = arith.constant 0 : i32
      %dma_start3A_179 = tpu.memref_slice %arg15[%add3A_159, %dma_start3A_178] : memref<128x64xf32, #tpu.memory_space<vmem>> -> memref<1x64xf32, #tpu.memory_space<vmem>>
      %dma_start3A_180 = tpu.memref_squeeze %dma_start3A_179 : memref<1x64xf32, #tpu.memory_space<vmem>> -> memref<64xf32, #tpu.memory_space<vmem>>
      %dma_start3A_181 = arith.constant 0 : i32
      %dma_start3A_182 = tpu.memref_slice %arg5[%squeeze3A_155, %dma_start3A_181] : memref<100000x64xf32, #tpu.memory_space<hbm>> -> memref<1x64xf32, #tpu.memory_space<hbm>>
      %dma_start3A_183 = tpu.memref_squeeze %dma_start3A_182 : memref<1x64xf32, #tpu.memory_space<hbm>> -> memref<64xf32, #tpu.memory_space<hbm>>
      tpu.enqueue_dma source(%dma_start3A_183 : memref<64xf32, #tpu.memory_space<hbm>>) target(%dma_start3A_180 : memref<64xf32, #tpu.memory_space<vmem>>) target_semaphore(%arg18 : memref<!tpu.dma_semaphore, #tpu.memory_space<semaphore_mem>>)
      %dma_start3A_184 = arith.constant 0 : i32
      %dma_start3A_185 = tpu.memref_slice %arg16[%add3A_159, %dma_start3A_184] : memref<128x64xf32, #tpu.memory_space<vmem>> -> memref<1x64xf32, #tpu.memory_space<vmem>>
      %dma_start3A_186 = tpu.memref_squeeze %dma_start3A_185 : memref<1x64xf32, #tpu.memory_space<vmem>> -> memref<64xf32, #tpu.memory_space<vmem>>
      %dma_start3A_187 = arith.constant 0 : i32
      %dma_start3A_188 = tpu.memref_slice %arg6[%squeeze3A_153, %dma_start3A_187] : memref<100000x64xf32, #tpu.memory_space<hbm>> -> memref<1x64xf32, #tpu.memory_space<hbm>>
      %dma_start3A_189 = tpu.memref_squeeze %dma_start3A_188 : memref<1x64xf32, #tpu.memory_space<hbm>> -> memref<64xf32, #tpu.memory_space<hbm>>
      %dma_start3A_190 = arith.constant 0 : i32
      %dma_start3A_191 = tpu.memref_slice %arg16[%add3A_159, %dma_start3A_190] : memref<128x64xf32, #tpu.memory_space<vmem>> -> memref<1x64xf32, #tpu.memory_space<vmem>>
      %dma_start3A_192 = tpu.memref_squeeze %dma_start3A_191 : memref<1x64xf32, #tpu.memory_space<vmem>> -> memref<64xf32, #tpu.memory_space<vmem>>
      %dma_start3A_193 = arith.constant 0 : i32
      %dma_start3A_194 = tpu.memref_slice %arg6[%squeeze3A_153, %dma_start3A_193] : memref<100000x64xf32, #tpu.memory_space<hbm>> -> memref<1x64xf32, #tpu.memory_space<hbm>>
      %dma_start3A_195 = tpu.memref_squeeze %dma_start3A_194 : memref<1x64xf32, #tpu.memory_space<hbm>> -> memref<64xf32, #tpu.memory_space<hbm>>
      tpu.enqueue_dma source(%dma_start3A_195 : memref<64xf32, #tpu.memory_space<hbm>>) target(%dma_start3A_192 : memref<64xf32, #tpu.memory_space<vmem>>) target_semaphore(%arg18 : memref<!tpu.dma_semaphore, #tpu.memory_space<semaphore_mem>>)
      %dma_start3A_196 = arith.constant 0 : i32
      %dma_start3A_197 = tpu.memref_slice %arg17[%add3A_159, %dma_start3A_196] : memref<128x64xf32, #tpu.memory_space<vmem>> -> memref<1x64xf32, #tpu.memory_space<vmem>>
      %dma_start3A_198 = tpu.memref_squeeze %dma_start3A_197 : memref<1x64xf32, #tpu.memory_space<vmem>> -> memref<64xf32, #tpu.memory_space<vmem>>
      %dma_start3A_199 = arith.constant 0 : i32
      %dma_start3A_200 = tpu.memref_slice %arg7[%squeeze3A_155, %dma_start3A_199] : memref<100000x64xf32, #tpu.memory_space<hbm>> -> memref<1x64xf32, #tpu.memory_space<hbm>>
      %dma_start3A_201 = tpu.memref_squeeze %dma_start3A_200 : memref<1x64xf32, #tpu.memory_space<hbm>> -> memref<64xf32, #tpu.memory_space<hbm>>
      %dma_start3A_202 = arith.constant 0 : i32
      %dma_start3A_203 = tpu.memref_slice %arg17[%add3A_159, %dma_start3A_202] : memref<128x64xf32, #tpu.memory_space<vmem>> -> memref<1x64xf32, #tpu.memory_space<vmem>>
      %dma_start3A_204 = tpu.memref_squeeze %dma_start3A_203 : memref<1x64xf32, #tpu.memory_space<vmem>> -> memref<64xf32, #tpu.memory_space<vmem>>
      %dma_start3A_205 = arith.constant 0 : i32
      %dma_start3A_206 = tpu.memref_slice %arg7[%squeeze3A_155, %dma_start3A_205] : memref<100000x64xf32, #tpu.memory_space<hbm>> -> memref<1x64xf32, #tpu.memory_space<hbm>>
      %dma_start3A_207 = tpu.memref_squeeze %dma_start3A_206 : memref<1x64xf32, #tpu.memory_space<hbm>> -> memref<64xf32, #tpu.memory_space<hbm>>
      tpu.enqueue_dma source(%dma_start3A_207 : memref<64xf32, #tpu.memory_space<hbm>>) target(%dma_start3A_204 : memref<64xf32, #tpu.memory_space<vmem>>) target_semaphore(%arg18 : memref<!tpu.dma_semaphore, #tpu.memory_space<semaphore_mem>>)
      %slice3A_208 = vector.extract_strided_slice %get3A_37 {offsets = [3], sizes = [1], strides = [1]} : vector<16xi32> to vector<1xi32>
      %squeeze3A_209 = vector.extract %slice3A_208[0] : i32 from vector<1xi32>
      %slice3A_210 = vector.extract_strided_slice %get3A_42 {offsets = [3], sizes = [1], strides = [1]} : vector<16xi32> to vector<1xi32>
      %squeeze3A_211 = vector.extract %slice3A_210[0] : i32 from vector<1xi32>
      %mul3A_212 = arith.constant 16 : i32
      %mul3A_213 = arith.muli %scan3A_32, %mul3A_212 : i32
      %add3A_214 = arith.constant 3 : i32
      %add3A_215 = arith.addi %mul3A_213, %add3A_214 : i32
      %dma_start3A_216 = arith.constant 0 : i32
      %dma_start3A_217 = tpu.memref_slice %arg14[%add3A_215, %dma_start3A_216] : memref<128x64xf32, #tpu.memory_space<vmem>> -> memref<1x64xf32, #tpu.memory_space<vmem>>
      %dma_start3A_218 = tpu.memref_squeeze %dma_start3A_217 : memref<1x64xf32, #tpu.memory_space<vmem>> -> memref<64xf32, #tpu.memory_space<vmem>>
      %dma_start3A_219 = arith.constant 0 : i32
      %dma_start3A_220 = tpu.memref_slice %arg4[%squeeze3A_209, %dma_start3A_219] : memref<100000x64xf32, #tpu.memory_space<hbm>> -> memref<1x64xf32, #tpu.memory_space<hbm>>
      %dma_start3A_221 = tpu.memref_squeeze %dma_start3A_220 : memref<1x64xf32, #tpu.memory_space<hbm>> -> memref<64xf32, #tpu.memory_space<hbm>>
      %dma_start3A_222 = arith.constant 0 : i32
      %dma_start3A_223 = tpu.memref_slice %arg14[%add3A_215, %dma_start3A_222] : memref<128x64xf32, #tpu.memory_space<vmem>> -> memref<1x64xf32, #tpu.memory_space<vmem>>
      %dma_start3A_224 = tpu.memref_squeeze %dma_start3A_223 : memref<1x64xf32, #tpu.memory_space<vmem>> -> memref<64xf32, #tpu.memory_space<vmem>>
      %dma_start3A_225 = arith.constant 0 : i32
      %dma_start3A_226 = tpu.memref_slice %arg4[%squeeze3A_209, %dma_start3A_225] : memref<100000x64xf32, #tpu.memory_space<hbm>> -> memref<1x64xf32, #tpu.memory_space<hbm>>
      %dma_start3A_227 = tpu.memref_squeeze %dma_start3A_226 : memref<1x64xf32, #tpu.memory_space<hbm>> -> memref<64xf32, #tpu.memory_space<hbm>>
      tpu.enqueue_dma source(%dma_start3A_227 : memref<64xf32, #tpu.memory_space<hbm>>) target(%dma_start3A_224 : memref<64xf32, #tpu.memory_space<vmem>>) target_semaphore(%arg18 : memref<!tpu.dma_semaphore, #tpu.memory_space<semaphore_mem>>)
      %dma_start3A_228 = arith.constant 0 : i32
      %dma_start3A_229 = tpu.memref_slice %arg15[%add3A_215, %dma_start3A_228] : memref<128x64xf32, #tpu.memory_space<vmem>> -> memref<1x64xf32, #tpu.memory_space<vmem>>
      %dma_start3A_230 = tpu.memref_squeeze %dma_start3A_229 : memref<1x64xf32, #tpu.memory_space<vmem>> -> memref<64xf32, #tpu.memory_space<vmem>>
      %dma_start3A_231 = arith.constant 0 : i32
      %dma_start3A_232 = tpu.memref_slice %arg5[%squeeze3A_211, %dma_start3A_231] : memref<100000x64xf32, #tpu.memory_space<hbm>> -> memref<1x64xf32, #tpu.memory_space<hbm>>
      %dma_start3A_233 = tpu.memref_squeeze %dma_start3A_232 : memref<1x64xf32, #tpu.memory_space<hbm>> -> memref<64xf32, #tpu.memory_space<hbm>>
      %dma_start3A_234 = arith.constant 0 : i32
      %dma_start3A_235 = tpu.memref_slice %arg15[%add3A_215, %dma_start3A_234] : memref<128x64xf32, #tpu.memory_space<vmem>> -> memref<1x64xf32, #tpu.memory_space<vmem>>
      %dma_start3A_236 = tpu.memref_squeeze %dma_start3A_235 : memref<1x64xf32, #tpu.memory_space<vmem>> -> memref<64xf32, #tpu.memory_space<vmem>>
      %dma_start3A_237 = arith.constant 0 : i32
      %dma_start3A_238 = tpu.memref_slice %arg5[%squeeze3A_211, %dma_start3A_237] : memref<100000x64xf32, #tpu.memory_space<hbm>> -> memref<1x64xf32, #tpu.memory_space<hbm>>
      %dma_start3A_239 = tpu.memref_squeeze %dma_start3A_238 : memref<1x64xf32, #tpu.memory_space<hbm>> -> memref<64xf32, #tpu.memory_space<hbm>>
      tpu.enqueue_dma source(%dma_start3A_239 : memref<64xf32, #tpu.memory_space<hbm>>) target(%dma_start3A_236 : memref<64xf32, #tpu.memory_space<vmem>>) target_semaphore(%arg18 : memref<!tpu.dma_semaphore, #tpu.memory_space<semaphore_mem>>)
      %dma_start3A_240 = arith.constant 0 : i32
      %dma_start3A_241 = tpu.memref_slice %arg16[%add3A_215, %dma_start3A_240] : memref<128x64xf32, #tpu.memory_space<vmem>> -> memref<1x64xf32, #tpu.memory_space<vmem>>
      %dma_start3A_242 = tpu.memref_squeeze %dma_start3A_241 : memref<1x64xf32, #tpu.memory_space<vmem>> -> memref<64xf32, #tpu.memory_space<vmem>>
      %dma_start3A_243 = arith.constant 0 : i32
      %dma_start3A_244 = tpu.memref_slice %arg6[%squeeze3A_209, %dma_start3A_243] : memref<100000x64xf32, #tpu.memory_space<hbm>> -> memref<1x64xf32, #tpu.memory_space<hbm>>
      %dma_start3A_245 = tpu.memref_squeeze %dma_start3A_244 : memref<1x64xf32, #tpu.memory_space<hbm>> -> memref<64xf32, #tpu.memory_space<hbm>>
      %dma_start3A_246 = arith.constant 0 : i32
      %dma_start3A_247 = tpu.memref_slice %arg16[%add3A_215, %dma_start3A_246] : memref<128x64xf32, #tpu.memory_space<vmem>> -> memref<1x64xf32, #tpu.memory_space<vmem>>
      %dma_start3A_248 = tpu.memref_squeeze %dma_start3A_247 : memref<1x64xf32, #tpu.memory_space<vmem>> -> memref<64xf32, #tpu.memory_space<vmem>>
      %dma_start3A_249 = arith.constant 0 : i32
      %dma_start3A_250 = tpu.memref_slice %arg6[%squeeze3A_209, %dma_start3A_249] : memref<100000x64xf32, #tpu.memory_space<hbm>> -> memref<1x64xf32, #tpu.memory_space<hbm>>
      %dma_start3A_251 = tpu.memref_squeeze %dma_start3A_250 : memref<1x64xf32, #tpu.memory_space<hbm>> -> memref<64xf32, #tpu.memory_space<hbm>>
      tpu.enqueue_dma source(%dma_start3A_251 : memref<64xf32, #tpu.memory_space<hbm>>) target(%dma_start3A_248 : memref<64xf32, #tpu.memory_space<vmem>>) target_semaphore(%arg18 : memref<!tpu.dma_semaphore, #tpu.memory_space<semaphore_mem>>)
      %dma_start3A_252 = arith.constant 0 : i32
      %dma_start3A_253 = tpu.memref_slice %arg17[%add3A_215, %dma_start3A_252] : memref<128x64xf32, #tpu.memory_space<vmem>> -> memref<1x64xf32, #tpu.memory_space<vmem>>
      %dma_start3A_254 = tpu.memref_squeeze %dma_start3A_253 : memref<1x64xf32, #tpu.memory_space<vmem>> -> memref<64xf32, #tpu.memory_space<vmem>>
      %dma_start3A_255 = arith.constant 0 : i32
      %dma_start3A_256 = tpu.memref_slice %arg7[%squeeze3A_211, %dma_start3A_255] : memref<100000x64xf32, #tpu.memory_space<hbm>> -> memref<1x64xf32, #tpu.memory_space<hbm>>
      %dma_start3A_257 = tpu.memref_squeeze %dma_start3A_256 : memref<1x64xf32, #tpu.memory_space<hbm>> -> memref<64xf32, #tpu.memory_space<hbm>>
      %dma_start3A_258 = arith.constant 0 : i32
      %dma_start3A_259 = tpu.memref_slice %arg17[%add3A_215, %dma_start3A_258] : memref<128x64xf32, #tpu.memory_space<vmem>> -> memref<1x64xf32, #tpu.memory_space<vmem>>
      %dma_start3A_260 = tpu.memref_squeeze %dma_start3A_259 : memref<1x64xf32, #tpu.memory_space<vmem>> -> memref<64xf32, #tpu.memory_space<vmem>>
      %dma_start3A_261 = arith.constant 0 : i32
      %dma_start3A_262 = tpu.memref_slice %arg7[%squeeze3A_211, %dma_start3A_261] : memref<100000x64xf32, #tpu.memory_space<hbm>> -> memref<1x64xf32, #tpu.memory_space<hbm>>
      %dma_start3A_263 = tpu.memref_squeeze %dma_start3A_262 : memref<1x64xf32, #tpu.memory_space<hbm>> -> memref<64xf32, #tpu.memory_space<hbm>>
      tpu.enqueue_dma source(%dma_start3A_263 : memref<64xf32, #tpu.memory_space<hbm>>) target(%dma_start3A_260 : memref<64xf32, #tpu.memory_space<vmem>>) target_semaphore(%arg18 : memref<!tpu.dma_semaphore, #tpu.memory_space<semaphore_mem>>)
      %slice3A_264 = vector.extract_strided_slice %get3A_37 {offsets = [4], sizes = [1], strides = [1]} : vector<16xi32> to vector<1xi32>
      %squeeze3A_265 = vector.extract %slice3A_264[0] : i32 from vector<1xi32>
      %slice3A_266 = vector.extract_strided_slice %get3A_42 {offsets = [4], sizes = [1], strides = [1]} : vector<16xi32> to vector<1xi32>
      %squeeze3A_267 = vector.extract %slice3A_266[0] : i32 from vector<1xi32>
      %mul3A_268 = arith.constant 16 : i32
      %mul3A_269 = arith.muli %scan3A_32, %mul3A_268 : i32
      %add3A_270 = arith.constant 4 : i32
      %add3A_271 = arith.addi %mul3A_269, %add3A_270 : i32
      %dma_start3A_272 = arith.constant 0 : i32
      %dma_start3A_273 = tpu.memref_slice %arg14[%add3A_271, %dma_start3A_272] : memref<128x64xf32, #tpu.memory_space<vmem>> -> memref<1x64xf32, #tpu.memory_space<vmem>>
      %dma_start3A_274 = tpu.memref_squeeze %dma_start3A_273 : memref<1x64xf32, #tpu.memory_space<vmem>> -> memref<64xf32, #tpu.memory_space<vmem>>
      %dma_start3A_275 = arith.constant 0 : i32
      %dma_start3A_276 = tpu.memref_slice %arg4[%squeeze3A_265, %dma_start3A_275] : memref<100000x64xf32, #tpu.memory_space<hbm>> -> memref<1x64xf32, #tpu.memory_space<hbm>>
      %dma_start3A_277 = tpu.memref_squeeze %dma_start3A_276 : memref<1x64xf32, #tpu.memory_space<hbm>> -> memref<64xf32, #tpu.memory_space<hbm>>
      %dma_start3A_278 = arith.constant 0 : i32
      %dma_start3A_279 = tpu.memref_slice %arg14[%add3A_271, %dma_start3A_278] : memref<128x64xf32, #tpu.memory_space<vmem>> -> memref<1x64xf32, #tpu.memory_space<vmem>>
      %dma_start3A_280 = tpu.memref_squeeze %dma_start3A_279 : memref<1x64xf32, #tpu.memory_space<vmem>> -> memref<64xf32, #tpu.memory_space<vmem>>
      %dma_start3A_281 = arith.constant 0 : i32
      %dma_start3A_282 = tpu.memref_slice %arg4[%squeeze3A_265, %dma_start3A_281] : memref<100000x64xf32, #tpu.memory_space<hbm>> -> memref<1x64xf32, #tpu.memory_space<hbm>>
      %dma_start3A_283 = tpu.memref_squeeze %dma_start3A_282 : memref<1x64xf32, #tpu.memory_space<hbm>> -> memref<64xf32, #tpu.memory_space<hbm>>
      tpu.enqueue_dma source(%dma_start3A_283 : memref<64xf32, #tpu.memory_space<hbm>>) target(%dma_start3A_280 : memref<64xf32, #tpu.memory_space<vmem>>) target_semaphore(%arg18 : memref<!tpu.dma_semaphore, #tpu.memory_space<semaphore_mem>>)
      %dma_start3A_284 = arith.constant 0 : i32
      %dma_start3A_285 = tpu.memref_slice %arg15[%add3A_271, %dma_start3A_284] : memref<128x64xf32, #tpu.memory_space<vmem>> -> memref<1x64xf32, #tpu.memory_space<vmem>>
      %dma_start3A_286 = tpu.memref_squeeze %dma_start3A_285 : memref<1x64xf32, #tpu.memory_space<vmem>> -> memref<64xf32, #tpu.memory_space<vmem>>
      %dma_start3A_287 = arith.constant 0 : i32
      %dma_start3A_288 = tpu.memref_slice %arg5[%squeeze3A_267, %dma_start3A_287] : memref<100000x64xf32, #tpu.memory_space<hbm>> -> memref<1x64xf32, #tpu.memory_space<hbm>>
      %dma_start3A_289 = tpu.memref_squeeze %dma_start3A_288 : memref<1x64xf32, #tpu.memory_space<hbm>> -> memref<64xf32, #tpu.memory_space<hbm>>
      %dma_start3A_290 = arith.constant 0 : i32
      %dma_start3A_291 = tpu.memref_slice %arg15[%add3A_271, %dma_start3A_290] : memref<128x64xf32, #tpu.memory_space<vmem>> -> memref<1x64xf32, #tpu.memory_space<vmem>>
      %dma_start3A_292 = tpu.memref_squeeze %dma_start3A_291 : memref<1x64xf32, #tpu.memory_space<vmem>> -> memref<64xf32, #tpu.memory_space<vmem>>
      %dma_start3A_293 = arith.constant 0 : i32
      %dma_start3A_294 = tpu.memref_slice %arg5[%squeeze3A_267, %dma_start3A_293] : memref<100000x64xf32, #tpu.memory_space<hbm>> -> memref<1x64xf32, #tpu.memory_space<hbm>>
      %dma_start3A_295 = tpu.memref_squeeze %dma_start3A_294 : memref<1x64xf32, #tpu.memory_space<hbm>> -> memref<64xf32, #tpu.memory_space<hbm>>
      tpu.enqueue_dma source(%dma_start3A_295 : memref<64xf32, #tpu.memory_space<hbm>>) target(%dma_start3A_292 : memref<64xf32, #tpu.memory_space<vmem>>) target_semaphore(%arg18 : memref<!tpu.dma_semaphore, #tpu.memory_space<semaphore_mem>>)
      %dma_start3A_296 = arith.constant 0 : i32
      %dma_start3A_297 = tpu.memref_slice %arg16[%add3A_271, %dma_start3A_296] : memref<128x64xf32, #tpu.memory_space<vmem>> -> memref<1x64xf32, #tpu.memory_space<vmem>>
      %dma_start3A_298 = tpu.memref_squeeze %dma_start3A_297 : memref<1x64xf32, #tpu.memory_space<vmem>> -> memref<64xf32, #tpu.memory_space<vmem>>
      %dma_start3A_299 = arith.constant 0 : i32
      %dma_start3A_300 = tpu.memref_slice %arg6[%squeeze3A_265, %dma_start3A_299] : memref<100000x64xf32, #tpu.memory_space<hbm>> -> memref<1x64xf32, #tpu.memory_space<hbm>>
      %dma_start3A_301 = tpu.memref_squeeze %dma_start3A_300 : memref<1x64xf32, #tpu.memory_space<hbm>> -> memref<64xf32, #tpu.memory_space<hbm>>
      %dma_start3A_302 = arith.constant 0 : i32
      %dma_start3A_303 = tpu.memref_slice %arg16[%add3A_271, %dma_start3A_302] : memref<128x64xf32, #tpu.memory_space<vmem>> -> memref<1x64xf32, #tpu.memory_space<vmem>>
      %dma_start3A_304 = tpu.memref_squeeze %dma_start3A_303 : memref<1x64xf32, #tpu.memory_space<vmem>> -> memref<64xf32, #tpu.memory_space<vmem>>
      %dma_start3A_305 = arith.constant 0 : i32
      %dma_start3A_306 = tpu.memref_slice %arg6[%squeeze3A_265, %dma_start3A_305] : memref<100000x64xf32, #tpu.memory_space<hbm>> -> memref<1x64xf32, #tpu.memory_space<hbm>>
      %dma_start3A_307 = tpu.memref_squeeze %dma_start3A_306 : memref<1x64xf32, #tpu.memory_space<hbm>> -> memref<64xf32, #tpu.memory_space<hbm>>
      tpu.enqueue_dma source(%dma_start3A_307 : memref<64xf32, #tpu.memory_space<hbm>>) target(%dma_start3A_304 : memref<64xf32, #tpu.memory_space<vmem>>) target_semaphore(%arg18 : memref<!tpu.dma_semaphore, #tpu.memory_space<semaphore_mem>>)
      %dma_start3A_308 = arith.constant 0 : i32
      %dma_start3A_309 = tpu.memref_slice %arg17[%add3A_271, %dma_start3A_308] : memref<128x64xf32, #tpu.memory_space<vmem>> -> memref<1x64xf32, #tpu.memory_space<vmem>>
      %dma_start3A_310 = tpu.memref_squeeze %dma_start3A_309 : memref<1x64xf32, #tpu.memory_space<vmem>> -> memref<64xf32, #tpu.memory_space<vmem>>
      %dma_start3A_311 = arith.constant 0 : i32
      %dma_start3A_312 = tpu.memref_slice %arg7[%squeeze3A_267, %dma_start3A_311] : memref<100000x64xf32, #tpu.memory_space<hbm>> -> memref<1x64xf32, #tpu.memory_space<hbm>>
      %dma_start3A_313 = tpu.memref_squeeze %dma_start3A_312 : memref<1x64xf32, #tpu.memory_space<hbm>> -> memref<64xf32, #tpu.memory_space<hbm>>
      %dma_start3A_314 = arith.constant 0 : i32
      %dma_start3A_315 = tpu.memref_slice %arg17[%add3A_271, %dma_start3A_314] : memref<128x64xf32, #tpu.memory_space<vmem>> -> memref<1x64xf32, #tpu.memory_space<vmem>>
      %dma_start3A_316 = tpu.memref_squeeze %dma_start3A_315 : memref<1x64xf32, #tpu.memory_space<vmem>> -> memref<64xf32, #tpu.memory_space<vmem>>
      %dma_start3A_317 = arith.constant 0 : i32
      %dma_start3A_318 = tpu.memref_slice %arg7[%squeeze3A_267, %dma_start3A_317] : memref<100000x64xf32, #tpu.memory_space<hbm>> -> memref<1x64xf32, #tpu.memory_space<hbm>>
      %dma_start3A_319 = tpu.memref_squeeze %dma_start3A_318 : memref<1x64xf32, #tpu.memory_space<hbm>> -> memref<64xf32, #tpu.memory_space<hbm>>
      tpu.enqueue_dma source(%dma_start3A_319 : memref<64xf32, #tpu.memory_space<hbm>>) target(%dma_start3A_316 : memref<64xf32, #tpu.memory_space<vmem>>) target_semaphore(%arg18 : memref<!tpu.dma_semaphore, #tpu.memory_space<semaphore_mem>>)
      %slice3A_320 = vector.extract_strided_slice %get3A_37 {offsets = [5], sizes = [1], strides = [1]} : vector<16xi32> to vector<1xi32>
      %squeeze3A_321 = vector.extract %slice3A_320[0] : i32 from vector<1xi32>
      %slice3A_322 = vector.extract_strided_slice %get3A_42 {offsets = [5], sizes = [1], strides = [1]} : vector<16xi32> to vector<1xi32>
      %squeeze3A_323 = vector.extract %slice3A_322[0] : i32 from vector<1xi32>
      %mul3A_324 = arith.constant 16 : i32
      %mul3A_325 = arith.muli %scan3A_32, %mul3A_324 : i32
      %add3A_326 = arith.constant 5 : i32
      %add3A_327 = arith.addi %mul3A_325, %add3A_326 : i32
      %dma_start3A_328 = arith.constant 0 : i32
      %dma_start3A_329 = tpu.memref_slice %arg14[%add3A_327, %dma_start3A_328] : memref<128x64xf32, #tpu.memory_space<vmem>> -> memref<1x64xf32, #tpu.memory_space<vmem>>
      %dma_start3A_330 = tpu.memref_squeeze %dma_start3A_329 : memref<1x64xf32, #tpu.memory_space<vmem>> -> memref<64xf32, #tpu.memory_space<vmem>>
      %dma_start3A_331 = arith.constant 0 : i32
      %dma_start3A_332 = tpu.memref_slice %arg4[%squeeze3A_321, %dma_start3A_331] : memref<100000x64xf32, #tpu.memory_space<hbm>> -> memref<1x64xf32, #tpu.memory_space<hbm>>
      %dma_start3A_333 = tpu.memref_squeeze %dma_start3A_332 : memref<1x64xf32, #tpu.memory_space<hbm>> -> memref<64xf32, #tpu.memory_space<hbm>>
      %dma_start3A_334 = arith.constant 0 : i32
      %dma_start3A_335 = tpu.memref_slice %arg14[%add3A_327, %dma_start3A_334] : memref<128x64xf32, #tpu.memory_space<vmem>> -> memref<1x64xf32, #tpu.memory_space<vmem>>
      %dma_start3A_336 = tpu.memref_squeeze %dma_start3A_335 : memref<1x64xf32, #tpu.memory_space<vmem>> -> memref<64xf32, #tpu.memory_space<vmem>>
      %dma_start3A_337 = arith.constant 0 : i32
      %dma_start3A_338 = tpu.memref_slice %arg4[%squeeze3A_321, %dma_start3A_337] : memref<100000x64xf32, #tpu.memory_space<hbm>> -> memref<1x64xf32, #tpu.memory_space<hbm>>
      %dma_start3A_339 = tpu.memref_squeeze %dma_start3A_338 : memref<1x64xf32, #tpu.memory_space<hbm>> -> memref<64xf32, #tpu.memory_space<hbm>>
      tpu.enqueue_dma source(%dma_start3A_339 : memref<64xf32, #tpu.memory_space<hbm>>) target(%dma_start3A_336 : memref<64xf32, #tpu.memory_space<vmem>>) target_semaphore(%arg18 : memref<!tpu.dma_semaphore, #tpu.memory_space<semaphore_mem>>)
      %dma_start3A_340 = arith.constant 0 : i32
      %dma_start3A_341 = tpu.memref_slice %arg15[%add3A_327, %dma_start3A_340] : memref<128x64xf32, #tpu.memory_space<vmem>> -> memref<1x64xf32, #tpu.memory_space<vmem>>
      %dma_start3A_342 = tpu.memref_squeeze %dma_start3A_341 : memref<1x64xf32, #tpu.memory_space<vmem>> -> memref<64xf32, #tpu.memory_space<vmem>>
      %dma_start3A_343 = arith.constant 0 : i32
      %dma_start3A_344 = tpu.memref_slice %arg5[%squeeze3A_323, %dma_start3A_343] : memref<100000x64xf32, #tpu.memory_space<hbm>> -> memref<1x64xf32, #tpu.memory_space<hbm>>
      %dma_start3A_345 = tpu.memref_squeeze %dma_start3A_344 : memref<1x64xf32, #tpu.memory_space<hbm>> -> memref<64xf32, #tpu.memory_space<hbm>>
      %dma_start3A_346 = arith.constant 0 : i32
      %dma_start3A_347 = tpu.memref_slice %arg15[%add3A_327, %dma_start3A_346] : memref<128x64xf32, #tpu.memory_space<vmem>> -> memref<1x64xf32, #tpu.memory_space<vmem>>
      %dma_start3A_348 = tpu.memref_squeeze %dma_start3A_347 : memref<1x64xf32, #tpu.memory_space<vmem>> -> memref<64xf32, #tpu.memory_space<vmem>>
      %dma_start3A_349 = arith.constant 0 : i32
      %dma_start3A_350 = tpu.memref_slice %arg5[%squeeze3A_323, %dma_start3A_349] : memref<100000x64xf32, #tpu.memory_space<hbm>> -> memref<1x64xf32, #tpu.memory_space<hbm>>
      %dma_start3A_351 = tpu.memref_squeeze %dma_start3A_350 : memref<1x64xf32, #tpu.memory_space<hbm>> -> memref<64xf32, #tpu.memory_space<hbm>>
      tpu.enqueue_dma source(%dma_start3A_351 : memref<64xf32, #tpu.memory_space<hbm>>) target(%dma_start3A_348 : memref<64xf32, #tpu.memory_space<vmem>>) target_semaphore(%arg18 : memref<!tpu.dma_semaphore, #tpu.memory_space<semaphore_mem>>)
      %dma_start3A_352 = arith.constant 0 : i32
      %dma_start3A_353 = tpu.memref_slice %arg16[%add3A_327, %dma_start3A_352] : memref<128x64xf32, #tpu.memory_space<vmem>> -> memref<1x64xf32, #tpu.memory_space<vmem>>
      %dma_start3A_354 = tpu.memref_squeeze %dma_start3A_353 : memref<1x64xf32, #tpu.memory_space<vmem>> -> memref<64xf32, #tpu.memory_space<vmem>>
      %dma_start3A_355 = arith.constant 0 : i32
      %dma_start3A_356 = tpu.memref_slice %arg6[%squeeze3A_321, %dma_start3A_355] : memref<100000x64xf32, #tpu.memory_space<hbm>> -> memref<1x64xf32, #tpu.memory_space<hbm>>
      %dma_start3A_357 = tpu.memref_squeeze %dma_start3A_356 : memref<1x64xf32, #tpu.memory_space<hbm>> -> memref<64xf32, #tpu.memory_space<hbm>>
      %dma_start3A_358 = arith.constant 0 : i32
      %dma_start3A_359 = tpu.memref_slice %arg16[%add3A_327, %dma_start3A_358] : memref<128x64xf32, #tpu.memory_space<vmem>> -> memref<1x64xf32, #tpu.memory_space<vmem>>
      %dma_start3A_360 = tpu.memref_squeeze %dma_start3A_359 : memref<1x64xf32, #tpu.memory_space<vmem>> -> memref<64xf32, #tpu.memory_space<vmem>>
      %dma_start3A_361 = arith.constant 0 : i32
      %dma_start3A_362 = tpu.memref_slice %arg6[%squeeze3A_321, %dma_start3A_361] : memref<100000x64xf32, #tpu.memory_space<hbm>> -> memref<1x64xf32, #tpu.memory_space<hbm>>
      %dma_start3A_363 = tpu.memref_squeeze %dma_start3A_362 : memref<1x64xf32, #tpu.memory_space<hbm>> -> memref<64xf32, #tpu.memory_space<hbm>>
      tpu.enqueue_dma source(%dma_start3A_363 : memref<64xf32, #tpu.memory_space<hbm>>) target(%dma_start3A_360 : memref<64xf32, #tpu.memory_space<vmem>>) target_semaphore(%arg18 : memref<!tpu.dma_semaphore, #tpu.memory_space<semaphore_mem>>)
      %dma_start3A_364 = arith.constant 0 : i32
      %dma_start3A_365 = tpu.memref_slice %arg17[%add3A_327, %dma_start3A_364] : memref<128x64xf32, #tpu.memory_space<vmem>> -> memref<1x64xf32, #tpu.memory_space<vmem>>
      %dma_start3A_366 = tpu.memref_squeeze %dma_start3A_365 : memref<1x64xf32, #tpu.memory_space<vmem>> -> memref<64xf32, #tpu.memory_space<vmem>>
      %dma_start3A_367 = arith.constant 0 : i32
      %dma_start3A_368 = tpu.memref_slice %arg7[%squeeze3A_323, %dma_start3A_367] : memref<100000x64xf32, #tpu.memory_space<hbm>> -> memref<1x64xf32, #tpu.memory_space<hbm>>
      %dma_start3A_369 = tpu.memref_squeeze %dma_start3A_368 : memref<1x64xf32, #tpu.memory_space<hbm>> -> memref<64xf32, #tpu.memory_space<hbm>>
      %dma_start3A_370 = arith.constant 0 : i32
      %dma_start3A_371 = tpu.memref_slice %arg17[%add3A_327, %dma_start3A_370] : memref<128x64xf32, #tpu.memory_space<vmem>> -> memref<1x64xf32, #tpu.memory_space<vmem>>
      %dma_start3A_372 = tpu.memref_squeeze %dma_start3A_371 : memref<1x64xf32, #tpu.memory_space<vmem>> -> memref<64xf32, #tpu.memory_space<vmem>>
      %dma_start3A_373 = arith.constant 0 : i32
      %dma_start3A_374 = tpu.memref_slice %arg7[%squeeze3A_323, %dma_start3A_373] : memref<100000x64xf32, #tpu.memory_space<hbm>> -> memref<1x64xf32, #tpu.memory_space<hbm>>
      %dma_start3A_375 = tpu.memref_squeeze %dma_start3A_374 : memref<1x64xf32, #tpu.memory_space<hbm>> -> memref<64xf32, #tpu.memory_space<hbm>>
      tpu.enqueue_dma source(%dma_start3A_375 : memref<64xf32, #tpu.memory_space<hbm>>) target(%dma_start3A_372 : memref<64xf32, #tpu.memory_space<vmem>>) target_semaphore(%arg18 : memref<!tpu.dma_semaphore, #tpu.memory_space<semaphore_mem>>)
      %slice3A_376 = vector.extract_strided_slice %get3A_37 {offsets = [6], sizes = [1], strides = [1]} : vector<16xi32> to vector<1xi32>
      %squeeze3A_377 = vector.extract %slice3A_376[0] : i32 from vector<1xi32>
      %slice3A_378 = vector.extract_strided_slice %get3A_42 {offsets = [6], sizes = [1], strides = [1]} : vector<16xi32> to vector<1xi32>
      %squeeze3A_379 = vector.extract %slice3A_378[0] : i32 from vector<1xi32>
      %mul3A_380 = arith.constant 16 : i32
      %mul3A_381 = arith.muli %scan3A_32, %mul3A_380 : i32
      %add3A_382 = arith.constant 6 : i32
      %add3A_383 = arith.addi %mul3A_381, %add3A_382 : i32
      %dma_start3A_384 = arith.constant 0 : i32
      %dma_start3A_385 = tpu.memref_slice %arg14[%add3A_383, %dma_start3A_384] : memref<128x64xf32, #tpu.memory_space<vmem>> -> memref<1x64xf32, #tpu.memory_space<vmem>>
      %dma_start3A_386 = tpu.memref_squeeze %dma_start3A_385 : memref<1x64xf32, #tpu.memory_space<vmem>> -> memref<64xf32, #tpu.memory_space<vmem>>
      %dma_start3A_387 = arith.constant 0 : i32
      %dma_start3A_388 = tpu.memref_slice %arg4[%squeeze3A_377, %dma_start3A_387] : memref<100000x64xf32, #tpu.memory_space<hbm>> -> memref<1x64xf32, #tpu.memory_space<hbm>>
      %dma_start3A_389 = tpu.memref_squeeze %dma_start3A_388 : memref<1x64xf32, #tpu.memory_space<hbm>> -> memref<64xf32, #tpu.memory_space<hbm>>
      %dma_start3A_390 = arith.constant 0 : i32
      %dma_start3A_391 = tpu.memref_slice %arg14[%add3A_383, %dma_start3A_390] : memref<128x64xf32, #tpu.memory_space<vmem>> -> memref<1x64xf32, #tpu.memory_space<vmem>>
      %dma_start3A_392 = tpu.memref_squeeze %dma_start3A_391 : memref<1x64xf32, #tpu.memory_space<vmem>> -> memref<64xf32, #tpu.memory_space<vmem>>
      %dma_start3A_393 = arith.constant 0 : i32
      %dma_start3A_394 = tpu.memref_slice %arg4[%squeeze3A_377, %dma_start3A_393] : memref<100000x64xf32, #tpu.memory_space<hbm>> -> memref<1x64xf32, #tpu.memory_space<hbm>>
      %dma_start3A_395 = tpu.memref_squeeze %dma_start3A_394 : memref<1x64xf32, #tpu.memory_space<hbm>> -> memref<64xf32, #tpu.memory_space<hbm>>
      tpu.enqueue_dma source(%dma_start3A_395 : memref<64xf32, #tpu.memory_space<hbm>>) target(%dma_start3A_392 : memref<64xf32, #tpu.memory_space<vmem>>) target_semaphore(%arg18 : memref<!tpu.dma_semaphore, #tpu.memory_space<semaphore_mem>>)
      %dma_start3A_396 = arith.constant 0 : i32
      %dma_start3A_397 = tpu.memref_slice %arg15[%add3A_383, %dma_start3A_396] : memref<128x64xf32, #tpu.memory_space<vmem>> -> memref<1x64xf32, #tpu.memory_space<vmem>>
      %dma_start3A_398 = tpu.memref_squeeze %dma_start3A_397 : memref<1x64xf32, #tpu.memory_space<vmem>> -> memref<64xf32, #tpu.memory_space<vmem>>
      %dma_start3A_399 = arith.constant 0 : i32
      %dma_start3A_400 = tpu.memref_slice %arg5[%squeeze3A_379, %dma_start3A_399] : memref<100000x64xf32, #tpu.memory_space<hbm>> -> memref<1x64xf32, #tpu.memory_space<hbm>>
      %dma_start3A_401 = tpu.memref_squeeze %dma_start3A_400 : memref<1x64xf32, #tpu.memory_space<hbm>> -> memref<64xf32, #tpu.memory_space<hbm>>
      %dma_start3A_402 = arith.constant 0 : i32
      %dma_start3A_403 = tpu.memref_slice %arg15[%add3A_383, %dma_start3A_402] : memref<128x64xf32, #tpu.memory_space<vmem>> -> memref<1x64xf32, #tpu.memory_space<vmem>>
      %dma_start3A_404 = tpu.memref_squeeze %dma_start3A_403 : memref<1x64xf32, #tpu.memory_space<vmem>> -> memref<64xf32, #tpu.memory_space<vmem>>
      %dma_start3A_405 = arith.constant 0 : i32
      %dma_start3A_406 = tpu.memref_slice %arg5[%squeeze3A_379, %dma_start3A_405] : memref<100000x64xf32, #tpu.memory_space<hbm>> -> memref<1x64xf32, #tpu.memory_space<hbm>>
      %dma_start3A_407 = tpu.memref_squeeze %dma_start3A_406 : memref<1x64xf32, #tpu.memory_space<hbm>> -> memref<64xf32, #tpu.memory_space<hbm>>
      tpu.enqueue_dma source(%dma_start3A_407 : memref<64xf32, #tpu.memory_space<hbm>>) target(%dma_start3A_404 : memref<64xf32, #tpu.memory_space<vmem>>) target_semaphore(%arg18 : memref<!tpu.dma_semaphore, #tpu.memory_space<semaphore_mem>>)
      %dma_start3A_408 = arith.constant 0 : i32
      %dma_start3A_409 = tpu.memref_slice %arg16[%add3A_383, %dma_start3A_408] : memref<128x64xf32, #tpu.memory_space<vmem>> -> memref<1x64xf32, #tpu.memory_space<vmem>>
      %dma_start3A_410 = tpu.memref_squeeze %dma_start3A_409 : memref<1x64xf32, #tpu.memory_space<vmem>> -> memref<64xf32, #tpu.memory_space<vmem>>
      %dma_start3A_411 = arith.constant 0 : i32
      %dma_start3A_412 = tpu.memref_slice %arg6[%squeeze3A_377, %dma_start3A_411] : memref<100000x64xf32, #tpu.memory_space<hbm>> -> memref<1x64xf32, #tpu.memory_space<hbm>>
      %dma_start3A_413 = tpu.memref_squeeze %dma_start3A_412 : memref<1x64xf32, #tpu.memory_space<hbm>> -> memref<64xf32, #tpu.memory_space<hbm>>
      %dma_start3A_414 = arith.constant 0 : i32
      %dma_start3A_415 = tpu.memref_slice %arg16[%add3A_383, %dma_start3A_414] : memref<128x64xf32, #tpu.memory_space<vmem>> -> memref<1x64xf32, #tpu.memory_space<vmem>>
      %dma_start3A_416 = tpu.memref_squeeze %dma_start3A_415 : memref<1x64xf32, #tpu.memory_space<vmem>> -> memref<64xf32, #tpu.memory_space<vmem>>
      %dma_start3A_417 = arith.constant 0 : i32
      %dma_start3A_418 = tpu.memref_slice %arg6[%squeeze3A_377, %dma_start3A_417] : memref<100000x64xf32, #tpu.memory_space<hbm>> -> memref<1x64xf32, #tpu.memory_space<hbm>>
      %dma_start3A_419 = tpu.memref_squeeze %dma_start3A_418 : memref<1x64xf32, #tpu.memory_space<hbm>> -> memref<64xf32, #tpu.memory_space<hbm>>
      tpu.enqueue_dma source(%dma_start3A_419 : memref<64xf32, #tpu.memory_space<hbm>>) target(%dma_start3A_416 : memref<64xf32, #tpu.memory_space<vmem>>) target_semaphore(%arg18 : memref<!tpu.dma_semaphore, #tpu.memory_space<semaphore_mem>>)
      %dma_start3A_420 = arith.constant 0 : i32
      %dma_start3A_421 = tpu.memref_slice %arg17[%add3A_383, %dma_start3A_420] : memref<128x64xf32, #tpu.memory_space<vmem>> -> memref<1x64xf32, #tpu.memory_space<vmem>>
      %dma_start3A_422 = tpu.memref_squeeze %dma_start3A_421 : memref<1x64xf32, #tpu.memory_space<vmem>> -> memref<64xf32, #tpu.memory_space<vmem>>
      %dma_start3A_423 = arith.constant 0 : i32
      %dma_start3A_424 = tpu.memref_slice %arg7[%squeeze3A_379, %dma_start3A_423] : memref<100000x64xf32, #tpu.memory_space<hbm>> -> memref<1x64xf32, #tpu.memory_space<hbm>>
      %dma_start3A_425 = tpu.memref_squeeze %dma_start3A_424 : memref<1x64xf32, #tpu.memory_space<hbm>> -> memref<64xf32, #tpu.memory_space<hbm>>
      %dma_start3A_426 = arith.constant 0 : i32
      %dma_start3A_427 = tpu.memref_slice %arg17[%add3A_383, %dma_start3A_426] : memref<128x64xf32, #tpu.memory_space<vmem>> -> memref<1x64xf32, #tpu.memory_space<vmem>>
      %dma_start3A_428 = tpu.memref_squeeze %dma_start3A_427 : memref<1x64xf32, #tpu.memory_space<vmem>> -> memref<64xf32, #tpu.memory_space<vmem>>
      %dma_start3A_429 = arith.constant 0 : i32
      %dma_start3A_430 = tpu.memref_slice %arg7[%squeeze3A_379, %dma_start3A_429] : memref<100000x64xf32, #tpu.memory_space<hbm>> -> memref<1x64xf32, #tpu.memory_space<hbm>>
      %dma_start3A_431 = tpu.memref_squeeze %dma_start3A_430 : memref<1x64xf32, #tpu.memory_space<hbm>> -> memref<64xf32, #tpu.memory_space<hbm>>
      tpu.enqueue_dma source(%dma_start3A_431 : memref<64xf32, #tpu.memory_space<hbm>>) target(%dma_start3A_428 : memref<64xf32, #tpu.memory_space<vmem>>) target_semaphore(%arg18 : memref<!tpu.dma_semaphore, #tpu.memory_space<semaphore_mem>>)
      %slice3A_432 = vector.extract_strided_slice %get3A_37 {offsets = [7], sizes = [1], strides = [1]} : vector<16xi32> to vector<1xi32>
      %squeeze3A_433 = vector.extract %slice3A_432[0] : i32 from vector<1xi32>
      %slice3A_434 = vector.extract_strided_slice %get3A_42 {offsets = [7], sizes = [1], strides = [1]} : vector<16xi32> to vector<1xi32>
      %squeeze3A_435 = vector.extract %slice3A_434[0] : i32 from vector<1xi32>
      %mul3A_436 = arith.constant 16 : i32
      %mul3A_437 = arith.muli %scan3A_32, %mul3A_436 : i32
      %add3A_438 = arith.constant 7 : i32
      %add3A_439 = arith.addi %mul3A_437, %add3A_438 : i32
      %dma_start3A_440 = arith.constant 0 : i32
      %dma_start3A_441 = tpu.memref_slice %arg14[%add3A_439, %dma_start3A_440] : memref<128x64xf32, #tpu.memory_space<vmem>> -> memref<1x64xf32, #tpu.memory_space<vmem>>
      %dma_start3A_442 = tpu.memref_squeeze %dma_start3A_441 : memref<1x64xf32, #tpu.memory_space<vmem>> -> memref<64xf32, #tpu.memory_space<vmem>>
      %dma_start3A_443 = arith.constant 0 : i32
      %dma_start3A_444 = tpu.memref_slice %arg4[%squeeze3A_433, %dma_start3A_443] : memref<100000x64xf32, #tpu.memory_space<hbm>> -> memref<1x64xf32, #tpu.memory_space<hbm>>
      %dma_start3A_445 = tpu.memref_squeeze %dma_start3A_444 : memref<1x64xf32, #tpu.memory_space<hbm>> -> memref<64xf32, #tpu.memory_space<hbm>>
      %dma_start3A_446 = arith.constant 0 : i32
      %dma_start3A_447 = tpu.memref_slice %arg14[%add3A_439, %dma_start3A_446] : memref<128x64xf32, #tpu.memory_space<vmem>> -> memref<1x64xf32, #tpu.memory_space<vmem>>
      %dma_start3A_448 = tpu.memref_squeeze %dma_start3A_447 : memref<1x64xf32, #tpu.memory_space<vmem>> -> memref<64xf32, #tpu.memory_space<vmem>>
      %dma_start3A_449 = arith.constant 0 : i32
      %dma_start3A_450 = tpu.memref_slice %arg4[%squeeze3A_433, %dma_start3A_449] : memref<100000x64xf32, #tpu.memory_space<hbm>> -> memref<1x64xf32, #tpu.memory_space<hbm>>
      %dma_start3A_451 = tpu.memref_squeeze %dma_start3A_450 : memref<1x64xf32, #tpu.memory_space<hbm>> -> memref<64xf32, #tpu.memory_space<hbm>>
      tpu.enqueue_dma source(%dma_start3A_451 : memref<64xf32, #tpu.memory_space<hbm>>) target(%dma_start3A_448 : memref<64xf32, #tpu.memory_space<vmem>>) target_semaphore(%arg18 : memref<!tpu.dma_semaphore, #tpu.memory_space<semaphore_mem>>)
      %dma_start3A_452 = arith.constant 0 : i32
      %dma_start3A_453 = tpu.memref_slice %arg15[%add3A_439, %dma_start3A_452] : memref<128x64xf32, #tpu.memory_space<vmem>> -> memref<1x64xf32, #tpu.memory_space<vmem>>
      %dma_start3A_454 = tpu.memref_squeeze %dma_start3A_453 : memref<1x64xf32, #tpu.memory_space<vmem>> -> memref<64xf32, #tpu.memory_space<vmem>>
      %dma_start3A_455 = arith.constant 0 : i32
      %dma_start3A_456 = tpu.memref_slice %arg5[%squeeze3A_435, %dma_start3A_455] : memref<100000x64xf32, #tpu.memory_space<hbm>> -> memref<1x64xf32, #tpu.memory_space<hbm>>
      %dma_start3A_457 = tpu.memref_squeeze %dma_start3A_456 : memref<1x64xf32, #tpu.memory_space<hbm>> -> memref<64xf32, #tpu.memory_space<hbm>>
      %dma_start3A_458 = arith.constant 0 : i32
      %dma_start3A_459 = tpu.memref_slice %arg15[%add3A_439, %dma_start3A_458] : memref<128x64xf32, #tpu.memory_space<vmem>> -> memref<1x64xf32, #tpu.memory_space<vmem>>
      %dma_start3A_460 = tpu.memref_squeeze %dma_start3A_459 : memref<1x64xf32, #tpu.memory_space<vmem>> -> memref<64xf32, #tpu.memory_space<vmem>>
      %dma_start3A_461 = arith.constant 0 : i32
      %dma_start3A_462 = tpu.memref_slice %arg5[%squeeze3A_435, %dma_start3A_461] : memref<100000x64xf32, #tpu.memory_space<hbm>> -> memref<1x64xf32, #tpu.memory_space<hbm>>
      %dma_start3A_463 = tpu.memref_squeeze %dma_start3A_462 : memref<1x64xf32, #tpu.memory_space<hbm>> -> memref<64xf32, #tpu.memory_space<hbm>>
      tpu.enqueue_dma source(%dma_start3A_463 : memref<64xf32, #tpu.memory_space<hbm>>) target(%dma_start3A_460 : memref<64xf32, #tpu.memory_space<vmem>>) target_semaphore(%arg18 : memref<!tpu.dma_semaphore, #tpu.memory_space<semaphore_mem>>)
      %dma_start3A_464 = arith.constant 0 : i32
      %dma_start3A_465 = tpu.memref_slice %arg16[%add3A_439, %dma_start3A_464] : memref<128x64xf32, #tpu.memory_space<vmem>> -> memref<1x64xf32, #tpu.memory_space<vmem>>
      %dma_start3A_466 = tpu.memref_squeeze %dma_start3A_465 : memref<1x64xf32, #tpu.memory_space<vmem>> -> memref<64xf32, #tpu.memory_space<vmem>>
      %dma_start3A_467 = arith.constant 0 : i32
      %dma_start3A_468 = tpu.memref_slice %arg6[%squeeze3A_433, %dma_start3A_467] : memref<100000x64xf32, #tpu.memory_space<hbm>> -> memref<1x64xf32, #tpu.memory_space<hbm>>
      %dma_start3A_469 = tpu.memref_squeeze %dma_start3A_468 : memref<1x64xf32, #tpu.memory_space<hbm>> -> memref<64xf32, #tpu.memory_space<hbm>>
      %dma_start3A_470 = arith.constant 0 : i32
      %dma_start3A_471 = tpu.memref_slice %arg16[%add3A_439, %dma_start3A_470] : memref<128x64xf32, #tpu.memory_space<vmem>> -> memref<1x64xf32, #tpu.memory_space<vmem>>
      %dma_start3A_472 = tpu.memref_squeeze %dma_start3A_471 : memref<1x64xf32, #tpu.memory_space<vmem>> -> memref<64xf32, #tpu.memory_space<vmem>>
      %dma_start3A_473 = arith.constant 0 : i32
      %dma_start3A_474 = tpu.memref_slice %arg6[%squeeze3A_433, %dma_start3A_473] : memref<100000x64xf32, #tpu.memory_space<hbm>> -> memref<1x64xf32, #tpu.memory_space<hbm>>
      %dma_start3A_475 = tpu.memref_squeeze %dma_start3A_474 : memref<1x64xf32, #tpu.memory_space<hbm>> -> memref<64xf32, #tpu.memory_space<hbm>>
      tpu.enqueue_dma source(%dma_start3A_475 : memref<64xf32, #tpu.memory_space<hbm>>) target(%dma_start3A_472 : memref<64xf32, #tpu.memory_space<vmem>>) target_semaphore(%arg18 : memref<!tpu.dma_semaphore, #tpu.memory_space<semaphore_mem>>)
      %dma_start3A_476 = arith.constant 0 : i32
      %dma_start3A_477 = tpu.memref_slice %arg17[%add3A_439, %dma_start3A_476] : memref<128x64xf32, #tpu.memory_space<vmem>> -> memref<1x64xf32, #tpu.memory_space<vmem>>
      %dma_start3A_478 = tpu.memref_squeeze %dma_start3A_477 : memref<1x64xf32, #tpu.memory_space<vmem>> -> memref<64xf32, #tpu.memory_space<vmem>>
      %dma_start3A_479 = arith.constant 0 : i32
      %dma_start3A_480 = tpu.memref_slice %arg7[%squeeze3A_435, %dma_start3A_479] : memref<100000x64xf32, #tpu.memory_space<hbm>> -> memref<1x64xf32, #tpu.memory_space<hbm>>
      %dma_start3A_481 = tpu.memref_squeeze %dma_start3A_480 : memref<1x64xf32, #tpu.memory_space<hbm>> -> memref<64xf32, #tpu.memory_space<hbm>>
      %dma_start3A_482 = arith.constant 0 : i32
      %dma_start3A_483 = tpu.memref_slice %arg17[%add3A_439, %dma_start3A_482] : memref<128x64xf32, #tpu.memory_space<vmem>> -> memref<1x64xf32, #tpu.memory_space<vmem>>
      %dma_start3A_484 = tpu.memref_squeeze %dma_start3A_483 : memref<1x64xf32, #tpu.memory_space<vmem>> -> memref<64xf32, #tpu.memory_space<vmem>>
      %dma_start3A_485 = arith.constant 0 : i32
      %dma_start3A_486 = tpu.memref_slice %arg7[%squeeze3A_435, %dma_start3A_485] : memref<100000x64xf32, #tpu.memory_space<hbm>> -> memref<1x64xf32, #tpu.memory_space<hbm>>
      %dma_start3A_487 = tpu.memref_squeeze %dma_start3A_486 : memref<1x64xf32, #tpu.memory_space<hbm>> -> memref<64xf32, #tpu.memory_space<hbm>>
      tpu.enqueue_dma source(%dma_start3A_487 : memref<64xf32, #tpu.memory_space<hbm>>) target(%dma_start3A_484 : memref<64xf32, #tpu.memory_space<vmem>>) target_semaphore(%arg18 : memref<!tpu.dma_semaphore, #tpu.memory_space<semaphore_mem>>)
      %slice3A_488 = vector.extract_strided_slice %get3A_37 {offsets = [8], sizes = [1], strides = [1]} : vector<16xi32> to vector<1xi32>
      %squeeze3A_489 = vector.extract %slice3A_488[0] : i32 from vector<1xi32>
      %slice3A_490 = vector.extract_strided_slice %get3A_42 {offsets = [8], sizes = [1], strides = [1]} : vector<16xi32> to vector<1xi32>
      %squeeze3A_491 = vector.extract %slice3A_490[0] : i32 from vector<1xi32>
      %mul3A_492 = arith.constant 16 : i32
      %mul3A_493 = arith.muli %scan3A_32, %mul3A_492 : i32
      %add3A_494 = arith.constant 8 : i32
      %add3A_495 = arith.addi %mul3A_493, %add3A_494 : i32
      %dma_start3A_496 = arith.constant 0 : i32
      %dma_start3A_497 = tpu.memref_slice %arg14[%add3A_495, %dma_start3A_496] : memref<128x64xf32, #tpu.memory_space<vmem>> -> memref<1x64xf32, #tpu.memory_space<vmem>>
      %dma_start3A_498 = tpu.memref_squeeze %dma_start3A_497 : memref<1x64xf32, #tpu.memory_space<vmem>> -> memref<64xf32, #tpu.memory_space<vmem>>
      %dma_start3A_499 = arith.constant 0 : i32
      %dma_start3A_500 = tpu.memref_slice %arg4[%squeeze3A_489, %dma_start3A_499] : memref<100000x64xf32, #tpu.memory_space<hbm>> -> memref<1x64xf32, #tpu.memory_space<hbm>>
      %dma_start3A_501 = tpu.memref_squeeze %dma_start3A_500 : memref<1x64xf32, #tpu.memory_space<hbm>> -> memref<64xf32, #tpu.memory_space<hbm>>
      %dma_start3A_502 = arith.constant 0 : i32
      %dma_start3A_503 = tpu.memref_slice %arg14[%add3A_495, %dma_start3A_502] : memref<128x64xf32, #tpu.memory_space<vmem>> -> memref<1x64xf32, #tpu.memory_space<vmem>>
      %dma_start3A_504 = tpu.memref_squeeze %dma_start3A_503 : memref<1x64xf32, #tpu.memory_space<vmem>> -> memref<64xf32, #tpu.memory_space<vmem>>
      %dma_start3A_505 = arith.constant 0 : i32
      %dma_start3A_506 = tpu.memref_slice %arg4[%squeeze3A_489, %dma_start3A_505] : memref<100000x64xf32, #tpu.memory_space<hbm>> -> memref<1x64xf32, #tpu.memory_space<hbm>>
      %dma_start3A_507 = tpu.memref_squeeze %dma_start3A_506 : memref<1x64xf32, #tpu.memory_space<hbm>> -> memref<64xf32, #tpu.memory_space<hbm>>
      tpu.enqueue_dma source(%dma_start3A_507 : memref<64xf32, #tpu.memory_space<hbm>>) target(%dma_start3A_504 : memref<64xf32, #tpu.memory_space<vmem>>) target_semaphore(%arg18 : memref<!tpu.dma_semaphore, #tpu.memory_space<semaphore_mem>>)
      %dma_start3A_508 = arith.constant 0 : i32
      %dma_start3A_509 = tpu.memref_slice %arg15[%add3A_495, %dma_start3A_508] : memref<128x64xf32, #tpu.memory_space<vmem>> -> memref<1x64xf32, #tpu.memory_space<vmem>>
      %dma_start3A_510 = tpu.memref_squeeze %dma_start3A_509 : memref<1x64xf32, #tpu.memory_space<vmem>> -> memref<64xf32, #tpu.memory_space<vmem>>
      %dma_start3A_511 = arith.constant 0 : i32
      %dma_start3A_512 = tpu.memref_slice %arg5[%squeeze3A_491, %dma_start3A_511] : memref<100000x64xf32, #tpu.memory_space<hbm>> -> memref<1x64xf32, #tpu.memory_space<hbm>>
      %dma_start3A_513 = tpu.memref_squeeze %dma_start3A_512 : memref<1x64xf32, #tpu.memory_space<hbm>> -> memref<64xf32, #tpu.memory_space<hbm>>
      %dma_start3A_514 = arith.constant 0 : i32
      %dma_start3A_515 = tpu.memref_slice %arg15[%add3A_495, %dma_start3A_514] : memref<128x64xf32, #tpu.memory_space<vmem>> -> memref<1x64xf32, #tpu.memory_space<vmem>>
      %dma_start3A_516 = tpu.memref_squeeze %dma_start3A_515 : memref<1x64xf32, #tpu.memory_space<vmem>> -> memref<64xf32, #tpu.memory_space<vmem>>
      %dma_start3A_517 = arith.constant 0 : i32
      %dma_start3A_518 = tpu.memref_slice %arg5[%squeeze3A_491, %dma_start3A_517] : memref<100000x64xf32, #tpu.memory_space<hbm>> -> memref<1x64xf32, #tpu.memory_space<hbm>>
      %dma_start3A_519 = tpu.memref_squeeze %dma_start3A_518 : memref<1x64xf32, #tpu.memory_space<hbm>> -> memref<64xf32, #tpu.memory_space<hbm>>
      tpu.enqueue_dma source(%dma_start3A_519 : memref<64xf32, #tpu.memory_space<hbm>>) target(%dma_start3A_516 : memref<64xf32, #tpu.memory_space<vmem>>) target_semaphore(%arg18 : memref<!tpu.dma_semaphore, #tpu.memory_space<semaphore_mem>>)
      %dma_start3A_520 = arith.constant 0 : i32
      %dma_start3A_521 = tpu.memref_slice %arg16[%add3A_495, %dma_start3A_520] : memref<128x64xf32, #tpu.memory_space<vmem>> -> memref<1x64xf32, #tpu.memory_space<vmem>>
      %dma_start3A_522 = tpu.memref_squeeze %dma_start3A_521 : memref<1x64xf32, #tpu.memory_space<vmem>> -> memref<64xf32, #tpu.memory_space<vmem>>
      %dma_start3A_523 = arith.constant 0 : i32
      %dma_start3A_524 = tpu.memref_slice %arg6[%squeeze3A_489, %dma_start3A_523] : memref<100000x64xf32, #tpu.memory_space<hbm>> -> memref<1x64xf32, #tpu.memory_space<hbm>>
      %dma_start3A_525 = tpu.memref_squeeze %dma_start3A_524 : memref<1x64xf32, #tpu.memory_space<hbm>> -> memref<64xf32, #tpu.memory_space<hbm>>
      %dma_start3A_526 = arith.constant 0 : i32
      %dma_start3A_527 = tpu.memref_slice %arg16[%add3A_495, %dma_start3A_526] : memref<128x64xf32, #tpu.memory_space<vmem>> -> memref<1x64xf32, #tpu.memory_space<vmem>>
      %dma_start3A_528 = tpu.memref_squeeze %dma_start3A_527 : memref<1x64xf32, #tpu.memory_space<vmem>> -> memref<64xf32, #tpu.memory_space<vmem>>
      %dma_start3A_529 = arith.constant 0 : i32
      %dma_start3A_530 = tpu.memref_slice %arg6[%squeeze3A_489, %dma_start3A_529] : memref<100000x64xf32, #tpu.memory_space<hbm>> -> memref<1x64xf32, #tpu.memory_space<hbm>>
      %dma_start3A_531 = tpu.memref_squeeze %dma_start3A_530 : memref<1x64xf32, #tpu.memory_space<hbm>> -> memref<64xf32, #tpu.memory_space<hbm>>
      tpu.enqueue_dma source(%dma_start3A_531 : memref<64xf32, #tpu.memory_space<hbm>>) target(%dma_start3A_528 : memref<64xf32, #tpu.memory_space<vmem>>) target_semaphore(%arg18 : memref<!tpu.dma_semaphore, #tpu.memory_space<semaphore_mem>>)
      %dma_start3A_532 = arith.constant 0 : i32
      %dma_start3A_533 = tpu.memref_slice %arg17[%add3A_495, %dma_start3A_532] : memref<128x64xf32, #tpu.memory_space<vmem>> -> memref<1x64xf32, #tpu.memory_space<vmem>>
      %dma_start3A_534 = tpu.memref_squeeze %dma_start3A_533 : memref<1x64xf32, #tpu.memory_space<vmem>> -> memref<64xf32, #tpu.memory_space<vmem>>
      %dma_start3A_535 = arith.constant 0 : i32
      %dma_start3A_536 = tpu.memref_slice %arg7[%squeeze3A_491, %dma_start3A_535] : memref<100000x64xf32, #tpu.memory_space<hbm>> -> memref<1x64xf32, #tpu.memory_space<hbm>>
      %dma_start3A_537 = tpu.memref_squeeze %dma_start3A_536 : memref<1x64xf32, #tpu.memory_space<hbm>> -> memref<64xf32, #tpu.memory_space<hbm>>
      %dma_start3A_538 = arith.constant 0 : i32
      %dma_start3A_539 = tpu.memref_slice %arg17[%add3A_495, %dma_start3A_538] : memref<128x64xf32, #tpu.memory_space<vmem>> -> memref<1x64xf32, #tpu.memory_space<vmem>>
      %dma_start3A_540 = tpu.memref_squeeze %dma_start3A_539 : memref<1x64xf32, #tpu.memory_space<vmem>> -> memref<64xf32, #tpu.memory_space<vmem>>
      %dma_start3A_541 = arith.constant 0 : i32
      %dma_start3A_542 = tpu.memref_slice %arg7[%squeeze3A_491, %dma_start3A_541] : memref<100000x64xf32, #tpu.memory_space<hbm>> -> memref<1x64xf32, #tpu.memory_space<hbm>>
      %dma_start3A_543 = tpu.memref_squeeze %dma_start3A_542 : memref<1x64xf32, #tpu.memory_space<hbm>> -> memref<64xf32, #tpu.memory_space<hbm>>
      tpu.enqueue_dma source(%dma_start3A_543 : memref<64xf32, #tpu.memory_space<hbm>>) target(%dma_start3A_540 : memref<64xf32, #tpu.memory_space<vmem>>) target_semaphore(%arg18 : memref<!tpu.dma_semaphore, #tpu.memory_space<semaphore_mem>>)
      %slice3A_544 = vector.extract_strided_slice %get3A_37 {offsets = [9], sizes = [1], strides = [1]} : vector<16xi32> to vector<1xi32>
      %squeeze3A_545 = vector.extract %slice3A_544[0] : i32 from vector<1xi32>
      %slice3A_546 = vector.extract_strided_slice %get3A_42 {offsets = [9], sizes = [1], strides = [1]} : vector<16xi32> to vector<1xi32>
      %squeeze3A_547 = vector.extract %slice3A_546[0] : i32 from vector<1xi32>
      %mul3A_548 = arith.constant 16 : i32
      %mul3A_549 = arith.muli %scan3A_32, %mul3A_548 : i32
      %add3A_550 = arith.constant 9 : i32
      %add3A_551 = arith.addi %mul3A_549, %add3A_550 : i32
      %dma_start3A_552 = arith.constant 0 : i32
      %dma_start3A_553 = tpu.memref_slice %arg14[%add3A_551, %dma_start3A_552] : memref<128x64xf32, #tpu.memory_space<vmem>> -> memref<1x64xf32, #tpu.memory_space<vmem>>
      %dma_start3A_554 = tpu.memref_squeeze %dma_start3A_553 : memref<1x64xf32, #tpu.memory_space<vmem>> -> memref<64xf32, #tpu.memory_space<vmem>>
      %dma_start3A_555 = arith.constant 0 : i32
      %dma_start3A_556 = tpu.memref_slice %arg4[%squeeze3A_545, %dma_start3A_555] : memref<100000x64xf32, #tpu.memory_space<hbm>> -> memref<1x64xf32, #tpu.memory_space<hbm>>
      %dma_start3A_557 = tpu.memref_squeeze %dma_start3A_556 : memref<1x64xf32, #tpu.memory_space<hbm>> -> memref<64xf32, #tpu.memory_space<hbm>>
      %dma_start3A_558 = arith.constant 0 : i32
      %dma_start3A_559 = tpu.memref_slice %arg14[%add3A_551, %dma_start3A_558] : memref<128x64xf32, #tpu.memory_space<vmem>> -> memref<1x64xf32, #tpu.memory_space<vmem>>
      %dma_start3A_560 = tpu.memref_squeeze %dma_start3A_559 : memref<1x64xf32, #tpu.memory_space<vmem>> -> memref<64xf32, #tpu.memory_space<vmem>>
      %dma_start3A_561 = arith.constant 0 : i32
      %dma_start3A_562 = tpu.memref_slice %arg4[%squeeze3A_545, %dma_start3A_561] : memref<100000x64xf32, #tpu.memory_space<hbm>> -> memref<1x64xf32, #tpu.memory_space<hbm>>
      %dma_start3A_563 = tpu.memref_squeeze %dma_start3A_562 : memref<1x64xf32, #tpu.memory_space<hbm>> -> memref<64xf32, #tpu.memory_space<hbm>>
      tpu.enqueue_dma source(%dma_start3A_563 : memref<64xf32, #tpu.memory_space<hbm>>) target(%dma_start3A_560 : memref<64xf32, #tpu.memory_space<vmem>>) target_semaphore(%arg18 : memref<!tpu.dma_semaphore, #tpu.memory_space<semaphore_mem>>)
      %dma_start3A_564 = arith.constant 0 : i32
      %dma_start3A_565 = tpu.memref_slice %arg15[%add3A_551, %dma_start3A_564] : memref<128x64xf32, #tpu.memory_space<vmem>> -> memref<1x64xf32, #tpu.memory_space<vmem>>
      %dma_start3A_566 = tpu.memref_squeeze %dma_start3A_565 : memref<1x64xf32, #tpu.memory_space<vmem>> -> memref<64xf32, #tpu.memory_space<vmem>>
      %dma_start3A_567 = arith.constant 0 : i32
      %dma_start3A_568 = tpu.memref_slice %arg5[%squeeze3A_547, %dma_start3A_567] : memref<100000x64xf32, #tpu.memory_space<hbm>> -> memref<1x64xf32, #tpu.memory_space<hbm>>
      %dma_start3A_569 = tpu.memref_squeeze %dma_start3A_568 : memref<1x64xf32, #tpu.memory_space<hbm>> -> memref<64xf32, #tpu.memory_space<hbm>>
      %dma_start3A_570 = arith.constant 0 : i32
      %dma_start3A_571 = tpu.memref_slice %arg15[%add3A_551, %dma_start3A_570] : memref<128x64xf32, #tpu.memory_space<vmem>> -> memref<1x64xf32, #tpu.memory_space<vmem>>
      %dma_start3A_572 = tpu.memref_squeeze %dma_start3A_571 : memref<1x64xf32, #tpu.memory_space<vmem>> -> memref<64xf32, #tpu.memory_space<vmem>>
      %dma_start3A_573 = arith.constant 0 : i32
      %dma_start3A_574 = tpu.memref_slice %arg5[%squeeze3A_547, %dma_start3A_573] : memref<100000x64xf32, #tpu.memory_space<hbm>> -> memref<1x64xf32, #tpu.memory_space<hbm>>
      %dma_start3A_575 = tpu.memref_squeeze %dma_start3A_574 : memref<1x64xf32, #tpu.memory_space<hbm>> -> memref<64xf32, #tpu.memory_space<hbm>>
      tpu.enqueue_dma source(%dma_start3A_575 : memref<64xf32, #tpu.memory_space<hbm>>) target(%dma_start3A_572 : memref<64xf32, #tpu.memory_space<vmem>>) target_semaphore(%arg18 : memref<!tpu.dma_semaphore, #tpu.memory_space<semaphore_mem>>)
      %dma_start3A_576 = arith.constant 0 : i32
      %dma_start3A_577 = tpu.memref_slice %arg16[%add3A_551, %dma_start3A_576] : memref<128x64xf32, #tpu.memory_space<vmem>> -> memref<1x64xf32, #tpu.memory_space<vmem>>
      %dma_start3A_578 = tpu.memref_squeeze %dma_start3A_577 : memref<1x64xf32, #tpu.memory_space<vmem>> -> memref<64xf32, #tpu.memory_space<vmem>>
      %dma_start3A_579 = arith.constant 0 : i32
      %dma_start3A_580 = tpu.memref_slice %arg6[%squeeze3A_545, %dma_start3A_579] : memref<100000x64xf32, #tpu.memory_space<hbm>> -> memref<1x64xf32, #tpu.memory_space<hbm>>
      %dma_start3A_581 = tpu.memref_squeeze %dma_start3A_580 : memref<1x64xf32, #tpu.memory_space<hbm>> -> memref<64xf32, #tpu.memory_space<hbm>>
      %dma_start3A_582 = arith.constant 0 : i32
      %dma_start3A_583 = tpu.memref_slice %arg16[%add3A_551, %dma_start3A_582] : memref<128x64xf32, #tpu.memory_space<vmem>> -> memref<1x64xf32, #tpu.memory_space<vmem>>
      %dma_start3A_584 = tpu.memref_squeeze %dma_start3A_583 : memref<1x64xf32, #tpu.memory_space<vmem>> -> memref<64xf32, #tpu.memory_space<vmem>>
      %dma_start3A_585 = arith.constant 0 : i32
      %dma_start3A_586 = tpu.memref_slice %arg6[%squeeze3A_545, %dma_start3A_585] : memref<100000x64xf32, #tpu.memory_space<hbm>> -> memref<1x64xf32, #tpu.memory_space<hbm>>
      %dma_start3A_587 = tpu.memref_squeeze %dma_start3A_586 : memref<1x64xf32, #tpu.memory_space<hbm>> -> memref<64xf32, #tpu.memory_space<hbm>>
      tpu.enqueue_dma source(%dma_start3A_587 : memref<64xf32, #tpu.memory_space<hbm>>) target(%dma_start3A_584 : memref<64xf32, #tpu.memory_space<vmem>>) target_semaphore(%arg18 : memref<!tpu.dma_semaphore, #tpu.memory_space<semaphore_mem>>)
      %dma_start3A_588 = arith.constant 0 : i32
      %dma_start3A_589 = tpu.memref_slice %arg17[%add3A_551, %dma_start3A_588] : memref<128x64xf32, #tpu.memory_space<vmem>> -> memref<1x64xf32, #tpu.memory_space<vmem>>
      %dma_start3A_590 = tpu.memref_squeeze %dma_start3A_589 : memref<1x64xf32, #tpu.memory_space<vmem>> -> memref<64xf32, #tpu.memory_space<vmem>>
      %dma_start3A_591 = arith.constant 0 : i32
      %dma_start3A_592 = tpu.memref_slice %arg7[%squeeze3A_547, %dma_start3A_591] : memref<100000x64xf32, #tpu.memory_space<hbm>> -> memref<1x64xf32, #tpu.memory_space<hbm>>
      %dma_start3A_593 = tpu.memref_squeeze %dma_start3A_592 : memref<1x64xf32, #tpu.memory_space<hbm>> -> memref<64xf32, #tpu.memory_space<hbm>>
      %dma_start3A_594 = arith.constant 0 : i32
      %dma_start3A_595 = tpu.memref_slice %arg17[%add3A_551, %dma_start3A_594] : memref<128x64xf32, #tpu.memory_space<vmem>> -> memref<1x64xf32, #tpu.memory_space<vmem>>
      %dma_start3A_596 = tpu.memref_squeeze %dma_start3A_595 : memref<1x64xf32, #tpu.memory_space<vmem>> -> memref<64xf32, #tpu.memory_space<vmem>>
      %dma_start3A_597 = arith.constant 0 : i32
      %dma_start3A_598 = tpu.memref_slice %arg7[%squeeze3A_547, %dma_start3A_597] : memref<100000x64xf32, #tpu.memory_space<hbm>> -> memref<1x64xf32, #tpu.memory_space<hbm>>
      %dma_start3A_599 = tpu.memref_squeeze %dma_start3A_598 : memref<1x64xf32, #tpu.memory_space<hbm>> -> memref<64xf32, #tpu.memory_space<hbm>>
      tpu.enqueue_dma source(%dma_start3A_599 : memref<64xf32, #tpu.memory_space<hbm>>) target(%dma_start3A_596 : memref<64xf32, #tpu.memory_space<vmem>>) target_semaphore(%arg18 : memref<!tpu.dma_semaphore, #tpu.memory_space<semaphore_mem>>)
      %slice3A_600 = vector.extract_strided_slice %get3A_37 {offsets = [10], sizes = [1], strides = [1]} : vector<16xi32> to vector<1xi32>
      %squeeze3A_601 = vector.extract %slice3A_600[0] : i32 from vector<1xi32>
      %slice3A_602 = vector.extract_strided_slice %get3A_42 {offsets = [10], sizes = [1], strides = [1]} : vector<16xi32> to vector<1xi32>
      %squeeze3A_603 = vector.extract %slice3A_602[0] : i32 from vector<1xi32>
      %mul3A_604 = arith.constant 16 : i32
      %mul3A_605 = arith.muli %scan3A_32, %mul3A_604 : i32
      %add3A_606 = arith.constant 10 : i32
      %add3A_607 = arith.addi %mul3A_605, %add3A_606 : i32
      %dma_start3A_608 = arith.constant 0 : i32
      %dma_start3A_609 = tpu.memref_slice %arg14[%add3A_607, %dma_start3A_608] : memref<128x64xf32, #tpu.memory_space<vmem>> -> memref<1x64xf32, #tpu.memory_space<vmem>>
      %dma_start3A_610 = tpu.memref_squeeze %dma_start3A_609 : memref<1x64xf32, #tpu.memory_space<vmem>> -> memref<64xf32, #tpu.memory_space<vmem>>
      %dma_start3A_611 = arith.constant 0 : i32
      %dma_start3A_612 = tpu.memref_slice %arg4[%squeeze3A_601, %dma_start3A_611] : memref<100000x64xf32, #tpu.memory_space<hbm>> -> memref<1x64xf32, #tpu.memory_space<hbm>>
      %dma_start3A_613 = tpu.memref_squeeze %dma_start3A_612 : memref<1x64xf32, #tpu.memory_space<hbm>> -> memref<64xf32, #tpu.memory_space<hbm>>
      %dma_start3A_614 = arith.constant 0 : i32
      %dma_start3A_615 = tpu.memref_slice %arg14[%add3A_607, %dma_start3A_614] : memref<128x64xf32, #tpu.memory_space<vmem>> -> memref<1x64xf32, #tpu.memory_space<vmem>>
      %dma_start3A_616 = tpu.memref_squeeze %dma_start3A_615 : memref<1x64xf32, #tpu.memory_space<vmem>> -> memref<64xf32, #tpu.memory_space<vmem>>
      %dma_start3A_617 = arith.constant 0 : i32
      %dma_start3A_618 = tpu.memref_slice %arg4[%squeeze3A_601, %dma_start3A_617] : memref<100000x64xf32, #tpu.memory_space<hbm>> -> memref<1x64xf32, #tpu.memory_space<hbm>>
      %dma_start3A_619 = tpu.memref_squeeze %dma_start3A_618 : memref<1x64xf32, #tpu.memory_space<hbm>> -> memref<64xf32, #tpu.memory_space<hbm>>
      tpu.enqueue_dma source(%dma_start3A_619 : memref<64xf32, #tpu.memory_space<hbm>>) target(%dma_start3A_616 : memref<64xf32, #tpu.memory_space<vmem>>) target_semaphore(%arg18 : memref<!tpu.dma_semaphore, #tpu.memory_space<semaphore_mem>>)
      %dma_start3A_620 = arith.constant 0 : i32
      %dma_start3A_621 = tpu.memref_slice %arg15[%add3A_607, %dma_start3A_620] : memref<128x64xf32, #tpu.memory_space<vmem>> -> memref<1x64xf32, #tpu.memory_space<vmem>>
      %dma_start3A_622 = tpu.memref_squeeze %dma_start3A_621 : memref<1x64xf32, #tpu.memory_space<vmem>> -> memref<64xf32, #tpu.memory_space<vmem>>
      %dma_start3A_623 = arith.constant 0 : i32
      %dma_start3A_624 = tpu.memref_slice %arg5[%squeeze3A_603, %dma_start3A_623] : memref<100000x64xf32, #tpu.memory_space<hbm>> -> memref<1x64xf32, #tpu.memory_space<hbm>>
      %dma_start3A_625 = tpu.memref_squeeze %dma_start3A_624 : memref<1x64xf32, #tpu.memory_space<hbm>> -> memref<64xf32, #tpu.memory_space<hbm>>
      %dma_start3A_626 = arith.constant 0 : i32
      %dma_start3A_627 = tpu.memref_slice %arg15[%add3A_607, %dma_start3A_626] : memref<128x64xf32, #tpu.memory_space<vmem>> -> memref<1x64xf32, #tpu.memory_space<vmem>>
      %dma_start3A_628 = tpu.memref_squeeze %dma_start3A_627 : memref<1x64xf32, #tpu.memory_space<vmem>> -> memref<64xf32, #tpu.memory_space<vmem>>
      %dma_start3A_629 = arith.constant 0 : i32
      %dma_start3A_630 = tpu.memref_slice %arg5[%squeeze3A_603, %dma_start3A_629] : memref<100000x64xf32, #tpu.memory_space<hbm>> -> memref<1x64xf32, #tpu.memory_space<hbm>>
      %dma_start3A_631 = tpu.memref_squeeze %dma_start3A_630 : memref<1x64xf32, #tpu.memory_space<hbm>> -> memref<64xf32, #tpu.memory_space<hbm>>
      tpu.enqueue_dma source(%dma_start3A_631 : memref<64xf32, #tpu.memory_space<hbm>>) target(%dma_start3A_628 : memref<64xf32, #tpu.memory_space<vmem>>) target_semaphore(%arg18 : memref<!tpu.dma_semaphore, #tpu.memory_space<semaphore_mem>>)
      %dma_start3A_632 = arith.constant 0 : i32
      %dma_start3A_633 = tpu.memref_slice %arg16[%add3A_607, %dma_start3A_632] : memref<128x64xf32, #tpu.memory_space<vmem>> -> memref<1x64xf32, #tpu.memory_space<vmem>>
      %dma_start3A_634 = tpu.memref_squeeze %dma_start3A_633 : memref<1x64xf32, #tpu.memory_space<vmem>> -> memref<64xf32, #tpu.memory_space<vmem>>
      %dma_start3A_635 = arith.constant 0 : i32
      %dma_start3A_636 = tpu.memref_slice %arg6[%squeeze3A_601, %dma_start3A_635] : memref<100000x64xf32, #tpu.memory_space<hbm>> -> memref<1x64xf32, #tpu.memory_space<hbm>>
      %dma_start3A_637 = tpu.memref_squeeze %dma_start3A_636 : memref<1x64xf32, #tpu.memory_space<hbm>> -> memref<64xf32, #tpu.memory_space<hbm>>
      %dma_start3A_638 = arith.constant 0 : i32
      %dma_start3A_639 = tpu.memref_slice %arg16[%add3A_607, %dma_start3A_638] : memref<128x64xf32, #tpu.memory_space<vmem>> -> memref<1x64xf32, #tpu.memory_space<vmem>>
      %dma_start3A_640 = tpu.memref_squeeze %dma_start3A_639 : memref<1x64xf32, #tpu.memory_space<vmem>> -> memref<64xf32, #tpu.memory_space<vmem>>
      %dma_start3A_641 = arith.constant 0 : i32
      %dma_start3A_642 = tpu.memref_slice %arg6[%squeeze3A_601, %dma_start3A_641] : memref<100000x64xf32, #tpu.memory_space<hbm>> -> memref<1x64xf32, #tpu.memory_space<hbm>>
      %dma_start3A_643 = tpu.memref_squeeze %dma_start3A_642 : memref<1x64xf32, #tpu.memory_space<hbm>> -> memref<64xf32, #tpu.memory_space<hbm>>
      tpu.enqueue_dma source(%dma_start3A_643 : memref<64xf32, #tpu.memory_space<hbm>>) target(%dma_start3A_640 : memref<64xf32, #tpu.memory_space<vmem>>) target_semaphore(%arg18 : memref<!tpu.dma_semaphore, #tpu.memory_space<semaphore_mem>>)
      %dma_start3A_644 = arith.constant 0 : i32
      %dma_start3A_645 = tpu.memref_slice %arg17[%add3A_607, %dma_start3A_644] : memref<128x64xf32, #tpu.memory_space<vmem>> -> memref<1x64xf32, #tpu.memory_space<vmem>>
      %dma_start3A_646 = tpu.memref_squeeze %dma_start3A_645 : memref<1x64xf32, #tpu.memory_space<vmem>> -> memref<64xf32, #tpu.memory_space<vmem>>
      %dma_start3A_647 = arith.constant 0 : i32
      %dma_start3A_648 = tpu.memref_slice %arg7[%squeeze3A_603, %dma_start3A_647] : memref<100000x64xf32, #tpu.memory_space<hbm>> -> memref<1x64xf32, #tpu.memory_space<hbm>>
      %dma_start3A_649 = tpu.memref_squeeze %dma_start3A_648 : memref<1x64xf32, #tpu.memory_space<hbm>> -> memref<64xf32, #tpu.memory_space<hbm>>
      %dma_start3A_650 = arith.constant 0 : i32
      %dma_start3A_651 = tpu.memref_slice %arg17[%add3A_607, %dma_start3A_650] : memref<128x64xf32, #tpu.memory_space<vmem>> -> memref<1x64xf32, #tpu.memory_space<vmem>>
      %dma_start3A_652 = tpu.memref_squeeze %dma_start3A_651 : memref<1x64xf32, #tpu.memory_space<vmem>> -> memref<64xf32, #tpu.memory_space<vmem>>
      %dma_start3A_653 = arith.constant 0 : i32
      %dma_start3A_654 = tpu.memref_slice %arg7[%squeeze3A_603, %dma_start3A_653] : memref<100000x64xf32, #tpu.memory_space<hbm>> -> memref<1x64xf32, #tpu.memory_space<hbm>>
      %dma_start3A_655 = tpu.memref_squeeze %dma_start3A_654 : memref<1x64xf32, #tpu.memory_space<hbm>> -> memref<64xf32, #tpu.memory_space<hbm>>
      tpu.enqueue_dma source(%dma_start3A_655 : memref<64xf32, #tpu.memory_space<hbm>>) target(%dma_start3A_652 : memref<64xf32, #tpu.memory_space<vmem>>) target_semaphore(%arg18 : memref<!tpu.dma_semaphore, #tpu.memory_space<semaphore_mem>>)
      %slice3A_656 = vector.extract_strided_slice %get3A_37 {offsets = [11], sizes = [1], strides = [1]} : vector<16xi32> to vector<1xi32>
      %squeeze3A_657 = vector.extract %slice3A_656[0] : i32 from vector<1xi32>
      %slice3A_658 = vector.extract_strided_slice %get3A_42 {offsets = [11], sizes = [1], strides = [1]} : vector<16xi32> to vector<1xi32>
      %squeeze3A_659 = vector.extract %slice3A_658[0] : i32 from vector<1xi32>
      %mul3A_660 = arith.constant 16 : i32
      %mul3A_661 = arith.muli %scan3A_32, %mul3A_660 : i32
      %add3A_662 = arith.constant 11 : i32
      %add3A_663 = arith.addi %mul3A_661, %add3A_662 : i32
      %dma_start3A_664 = arith.constant 0 : i32
      %dma_start3A_665 = tpu.memref_slice %arg14[%add3A_663, %dma_start3A_664] : memref<128x64xf32, #tpu.memory_space<vmem>> -> memref<1x64xf32, #tpu.memory_space<vmem>>
      %dma_start3A_666 = tpu.memref_squeeze %dma_start3A_665 : memref<1x64xf32, #tpu.memory_space<vmem>> -> memref<64xf32, #tpu.memory_space<vmem>>
      %dma_start3A_667 = arith.constant 0 : i32
      %dma_start3A_668 = tpu.memref_slice %arg4[%squeeze3A_657, %dma_start3A_667] : memref<100000x64xf32, #tpu.memory_space<hbm>> -> memref<1x64xf32, #tpu.memory_space<hbm>>
      %dma_start3A_669 = tpu.memref_squeeze %dma_start3A_668 : memref<1x64xf32, #tpu.memory_space<hbm>> -> memref<64xf32, #tpu.memory_space<hbm>>
      %dma_start3A_670 = arith.constant 0 : i32
      %dma_start3A_671 = tpu.memref_slice %arg14[%add3A_663, %dma_start3A_670] : memref<128x64xf32, #tpu.memory_space<vmem>> -> memref<1x64xf32, #tpu.memory_space<vmem>>
      %dma_start3A_672 = tpu.memref_squeeze %dma_start3A_671 : memref<1x64xf32, #tpu.memory_space<vmem>> -> memref<64xf32, #tpu.memory_space<vmem>>
      %dma_start3A_673 = arith.constant 0 : i32
      %dma_start3A_674 = tpu.memref_slice %arg4[%squeeze3A_657, %dma_start3A_673] : memref<100000x64xf32, #tpu.memory_space<hbm>> -> memref<1x64xf32, #tpu.memory_space<hbm>>
      %dma_start3A_675 = tpu.memref_squeeze %dma_start3A_674 : memref<1x64xf32, #tpu.memory_space<hbm>> -> memref<64xf32, #tpu.memory_space<hbm>>
      tpu.enqueue_dma source(%dma_start3A_675 : memref<64xf32, #tpu.memory_space<hbm>>) target(%dma_start3A_672 : memref<64xf32, #tpu.memory_space<vmem>>) target_semaphore(%arg18 : memref<!tpu.dma_semaphore, #tpu.memory_space<semaphore_mem>>)
      %dma_start3A_676 = arith.constant 0 : i32
      %dma_start3A_677 = tpu.memref_slice %arg15[%add3A_663, %dma_start3A_676] : memref<128x64xf32, #tpu.memory_space<vmem>> -> memref<1x64xf32, #tpu.memory_space<vmem>>
      %dma_start3A_678 = tpu.memref_squeeze %dma_start3A_677 : memref<1x64xf32, #tpu.memory_space<vmem>> -> memref<64xf32, #tpu.memory_space<vmem>>
      %dma_start3A_679 = arith.constant 0 : i32
      %dma_start3A_680 = tpu.memref_slice %arg5[%squeeze3A_659, %dma_start3A_679] : memref<100000x64xf32, #tpu.memory_space<hbm>> -> memref<1x64xf32, #tpu.memory_space<hbm>>
      %dma_start3A_681 = tpu.memref_squeeze %dma_start3A_680 : memref<1x64xf32, #tpu.memory_space<hbm>> -> memref<64xf32, #tpu.memory_space<hbm>>
      %dma_start3A_682 = arith.constant 0 : i32
      %dma_start3A_683 = tpu.memref_slice %arg15[%add3A_663, %dma_start3A_682] : memref<128x64xf32, #tpu.memory_space<vmem>> -> memref<1x64xf32, #tpu.memory_space<vmem>>
      %dma_start3A_684 = tpu.memref_squeeze %dma_start3A_683 : memref<1x64xf32, #tpu.memory_space<vmem>> -> memref<64xf32, #tpu.memory_space<vmem>>
      %dma_start3A_685 = arith.constant 0 : i32
      %dma_start3A_686 = tpu.memref_slice %arg5[%squeeze3A_659, %dma_start3A_685] : memref<100000x64xf32, #tpu.memory_space<hbm>> -> memref<1x64xf32, #tpu.memory_space<hbm>>
      %dma_start3A_687 = tpu.memref_squeeze %dma_start3A_686 : memref<1x64xf32, #tpu.memory_space<hbm>> -> memref<64xf32, #tpu.memory_space<hbm>>
      tpu.enqueue_dma source(%dma_start3A_687 : memref<64xf32, #tpu.memory_space<hbm>>) target(%dma_start3A_684 : memref<64xf32, #tpu.memory_space<vmem>>) target_semaphore(%arg18 : memref<!tpu.dma_semaphore, #tpu.memory_space<semaphore_mem>>)
      %dma_start3A_688 = arith.constant 0 : i32
      %dma_start3A_689 = tpu.memref_slice %arg16[%add3A_663, %dma_start3A_688] : memref<128x64xf32, #tpu.memory_space<vmem>> -> memref<1x64xf32, #tpu.memory_space<vmem>>
      %dma_start3A_690 = tpu.memref_squeeze %dma_start3A_689 : memref<1x64xf32, #tpu.memory_space<vmem>> -> memref<64xf32, #tpu.memory_space<vmem>>
      %dma_start3A_691 = arith.constant 0 : i32
      %dma_start3A_692 = tpu.memref_slice %arg6[%squeeze3A_657, %dma_start3A_691] : memref<100000x64xf32, #tpu.memory_space<hbm>> -> memref<1x64xf32, #tpu.memory_space<hbm>>
      %dma_start3A_693 = tpu.memref_squeeze %dma_start3A_692 : memref<1x64xf32, #tpu.memory_space<hbm>> -> memref<64xf32, #tpu.memory_space<hbm>>
      %dma_start3A_694 = arith.constant 0 : i32
      %dma_start3A_695 = tpu.memref_slice %arg16[%add3A_663, %dma_start3A_694] : memref<128x64xf32, #tpu.memory_space<vmem>> -> memref<1x64xf32, #tpu.memory_space<vmem>>
      %dma_start3A_696 = tpu.memref_squeeze %dma_start3A_695 : memref<1x64xf32, #tpu.memory_space<vmem>> -> memref<64xf32, #tpu.memory_space<vmem>>
      %dma_start3A_697 = arith.constant 0 : i32
      %dma_start3A_698 = tpu.memref_slice %arg6[%squeeze3A_657, %dma_start3A_697] : memref<100000x64xf32, #tpu.memory_space<hbm>> -> memref<1x64xf32, #tpu.memory_space<hbm>>
      %dma_start3A_699 = tpu.memref_squeeze %dma_start3A_698 : memref<1x64xf32, #tpu.memory_space<hbm>> -> memref<64xf32, #tpu.memory_space<hbm>>
      tpu.enqueue_dma source(%dma_start3A_699 : memref<64xf32, #tpu.memory_space<hbm>>) target(%dma_start3A_696 : memref<64xf32, #tpu.memory_space<vmem>>) target_semaphore(%arg18 : memref<!tpu.dma_semaphore, #tpu.memory_space<semaphore_mem>>)
      %dma_start3A_700 = arith.constant 0 : i32
      %dma_start3A_701 = tpu.memref_slice %arg17[%add3A_663, %dma_start3A_700] : memref<128x64xf32, #tpu.memory_space<vmem>> -> memref<1x64xf32, #tpu.memory_space<vmem>>
      %dma_start3A_702 = tpu.memref_squeeze %dma_start3A_701 : memref<1x64xf32, #tpu.memory_space<vmem>> -> memref<64xf32, #tpu.memory_space<vmem>>
      %dma_start3A_703 = arith.constant 0 : i32
      %dma_start3A_704 = tpu.memref_slice %arg7[%squeeze3A_659, %dma_start3A_703] : memref<100000x64xf32, #tpu.memory_space<hbm>> -> memref<1x64xf32, #tpu.memory_space<hbm>>
      %dma_start3A_705 = tpu.memref_squeeze %dma_start3A_704 : memref<1x64xf32, #tpu.memory_space<hbm>> -> memref<64xf32, #tpu.memory_space<hbm>>
      %dma_start3A_706 = arith.constant 0 : i32
      %dma_start3A_707 = tpu.memref_slice %arg17[%add3A_663, %dma_start3A_706] : memref<128x64xf32, #tpu.memory_space<vmem>> -> memref<1x64xf32, #tpu.memory_space<vmem>>
      %dma_start3A_708 = tpu.memref_squeeze %dma_start3A_707 : memref<1x64xf32, #tpu.memory_space<vmem>> -> memref<64xf32, #tpu.memory_space<vmem>>
      %dma_start3A_709 = arith.constant 0 : i32
      %dma_start3A_710 = tpu.memref_slice %arg7[%squeeze3A_659, %dma_start3A_709] : memref<100000x64xf32, #tpu.memory_space<hbm>> -> memref<1x64xf32, #tpu.memory_space<hbm>>
      %dma_start3A_711 = tpu.memref_squeeze %dma_start3A_710 : memref<1x64xf32, #tpu.memory_space<hbm>> -> memref<64xf32, #tpu.memory_space<hbm>>
      tpu.enqueue_dma source(%dma_start3A_711 : memref<64xf32, #tpu.memory_space<hbm>>) target(%dma_start3A_708 : memref<64xf32, #tpu.memory_space<vmem>>) target_semaphore(%arg18 : memref<!tpu.dma_semaphore, #tpu.memory_space<semaphore_mem>>)
      %slice3A_712 = vector.extract_strided_slice %get3A_37 {offsets = [12], sizes = [1], strides = [1]} : vector<16xi32> to vector<1xi32>
      %squeeze3A_713 = vector.extract %slice3A_712[0] : i32 from vector<1xi32>
      %slice3A_714 = vector.extract_strided_slice %get3A_42 {offsets = [12], sizes = [1], strides = [1]} : vector<16xi32> to vector<1xi32>
      %squeeze3A_715 = vector.extract %slice3A_714[0] : i32 from vector<1xi32>
      %mul3A_716 = arith.constant 16 : i32
      %mul3A_717 = arith.muli %scan3A_32, %mul3A_716 : i32
      %add3A_718 = arith.constant 12 : i32
      %add3A_719 = arith.addi %mul3A_717, %add3A_718 : i32
      %dma_start3A_720 = arith.constant 0 : i32
      %dma_start3A_721 = tpu.memref_slice %arg14[%add3A_719, %dma_start3A_720] : memref<128x64xf32, #tpu.memory_space<vmem>> -> memref<1x64xf32, #tpu.memory_space<vmem>>
      %dma_start3A_722 = tpu.memref_squeeze %dma_start3A_721 : memref<1x64xf32, #tpu.memory_space<vmem>> -> memref<64xf32, #tpu.memory_space<vmem>>
      %dma_start3A_723 = arith.constant 0 : i32
      %dma_start3A_724 = tpu.memref_slice %arg4[%squeeze3A_713, %dma_start3A_723] : memref<100000x64xf32, #tpu.memory_space<hbm>> -> memref<1x64xf32, #tpu.memory_space<hbm>>
      %dma_start3A_725 = tpu.memref_squeeze %dma_start3A_724 : memref<1x64xf32, #tpu.memory_space<hbm>> -> memref<64xf32, #tpu.memory_space<hbm>>
      %dma_start3A_726 = arith.constant 0 : i32
      %dma_start3A_727 = tpu.memref_slice %arg14[%add3A_719, %dma_start3A_726] : memref<128x64xf32, #tpu.memory_space<vmem>> -> memref<1x64xf32, #tpu.memory_space<vmem>>
      %dma_start3A_728 = tpu.memref_squeeze %dma_start3A_727 : memref<1x64xf32, #tpu.memory_space<vmem>> -> memref<64xf32, #tpu.memory_space<vmem>>
      %dma_start3A_729 = arith.constant 0 : i32
      %dma_start3A_730 = tpu.memref_slice %arg4[%squeeze3A_713, %dma_start3A_729] : memref<100000x64xf32, #tpu.memory_space<hbm>> -> memref<1x64xf32, #tpu.memory_space<hbm>>
      %dma_start3A_731 = tpu.memref_squeeze %dma_start3A_730 : memref<1x64xf32, #tpu.memory_space<hbm>> -> memref<64xf32, #tpu.memory_space<hbm>>
      tpu.enqueue_dma source(%dma_start3A_731 : memref<64xf32, #tpu.memory_space<hbm>>) target(%dma_start3A_728 : memref<64xf32, #tpu.memory_space<vmem>>) target_semaphore(%arg18 : memref<!tpu.dma_semaphore, #tpu.memory_space<semaphore_mem>>)
      %dma_start3A_732 = arith.constant 0 : i32
      %dma_start3A_733 = tpu.memref_slice %arg15[%add3A_719, %dma_start3A_732] : memref<128x64xf32, #tpu.memory_space<vmem>> -> memref<1x64xf32, #tpu.memory_space<vmem>>
      %dma_start3A_734 = tpu.memref_squeeze %dma_start3A_733 : memref<1x64xf32, #tpu.memory_space<vmem>> -> memref<64xf32, #tpu.memory_space<vmem>>
      %dma_start3A_735 = arith.constant 0 : i32
      %dma_start3A_736 = tpu.memref_slice %arg5[%squeeze3A_715, %dma_start3A_735] : memref<100000x64xf32, #tpu.memory_space<hbm>> -> memref<1x64xf32, #tpu.memory_space<hbm>>
      %dma_start3A_737 = tpu.memref_squeeze %dma_start3A_736 : memref<1x64xf32, #tpu.memory_space<hbm>> -> memref<64xf32, #tpu.memory_space<hbm>>
      %dma_start3A_738 = arith.constant 0 : i32
      %dma_start3A_739 = tpu.memref_slice %arg15[%add3A_719, %dma_start3A_738] : memref<128x64xf32, #tpu.memory_space<vmem>> -> memref<1x64xf32, #tpu.memory_space<vmem>>
      %dma_start3A_740 = tpu.memref_squeeze %dma_start3A_739 : memref<1x64xf32, #tpu.memory_space<vmem>> -> memref<64xf32, #tpu.memory_space<vmem>>
      %dma_start3A_741 = arith.constant 0 : i32
      %dma_start3A_742 = tpu.memref_slice %arg5[%squeeze3A_715, %dma_start3A_741] : memref<100000x64xf32, #tpu.memory_space<hbm>> -> memref<1x64xf32, #tpu.memory_space<hbm>>
      %dma_start3A_743 = tpu.memref_squeeze %dma_start3A_742 : memref<1x64xf32, #tpu.memory_space<hbm>> -> memref<64xf32, #tpu.memory_space<hbm>>
      tpu.enqueue_dma source(%dma_start3A_743 : memref<64xf32, #tpu.memory_space<hbm>>) target(%dma_start3A_740 : memref<64xf32, #tpu.memory_space<vmem>>) target_semaphore(%arg18 : memref<!tpu.dma_semaphore, #tpu.memory_space<semaphore_mem>>)
      %dma_start3A_744 = arith.constant 0 : i32
      %dma_start3A_745 = tpu.memref_slice %arg16[%add3A_719, %dma_start3A_744] : memref<128x64xf32, #tpu.memory_space<vmem>> -> memref<1x64xf32, #tpu.memory_space<vmem>>
      %dma_start3A_746 = tpu.memref_squeeze %dma_start3A_745 : memref<1x64xf32, #tpu.memory_space<vmem>> -> memref<64xf32, #tpu.memory_space<vmem>>
      %dma_start3A_747 = arith.constant 0 : i32
      %dma_start3A_748 = tpu.memref_slice %arg6[%squeeze3A_713, %dma_start3A_747] : memref<100000x64xf32, #tpu.memory_space<hbm>> -> memref<1x64xf32, #tpu.memory_space<hbm>>
      %dma_start3A_749 = tpu.memref_squeeze %dma_start3A_748 : memref<1x64xf32, #tpu.memory_space<hbm>> -> memref<64xf32, #tpu.memory_space<hbm>>
      %dma_start3A_750 = arith.constant 0 : i32
      %dma_start3A_751 = tpu.memref_slice %arg16[%add3A_719, %dma_start3A_750] : memref<128x64xf32, #tpu.memory_space<vmem>> -> memref<1x64xf32, #tpu.memory_space<vmem>>
      %dma_start3A_752 = tpu.memref_squeeze %dma_start3A_751 : memref<1x64xf32, #tpu.memory_space<vmem>> -> memref<64xf32, #tpu.memory_space<vmem>>
      %dma_start3A_753 = arith.constant 0 : i32
      %dma_start3A_754 = tpu.memref_slice %arg6[%squeeze3A_713, %dma_start3A_753] : memref<100000x64xf32, #tpu.memory_space<hbm>> -> memref<1x64xf32, #tpu.memory_space<hbm>>
      %dma_start3A_755 = tpu.memref_squeeze %dma_start3A_754 : memref<1x64xf32, #tpu.memory_space<hbm>> -> memref<64xf32, #tpu.memory_space<hbm>>
      tpu.enqueue_dma source(%dma_start3A_755 : memref<64xf32, #tpu.memory_space<hbm>>) target(%dma_start3A_752 : memref<64xf32, #tpu.memory_space<vmem>>) target_semaphore(%arg18 : memref<!tpu.dma_semaphore, #tpu.memory_space<semaphore_mem>>)
      %dma_start3A_756 = arith.constant 0 : i32
      %dma_start3A_757 = tpu.memref_slice %arg17[%add3A_719, %dma_start3A_756] : memref<128x64xf32, #tpu.memory_space<vmem>> -> memref<1x64xf32, #tpu.memory_space<vmem>>
      %dma_start3A_758 = tpu.memref_squeeze %dma_start3A_757 : memref<1x64xf32, #tpu.memory_space<vmem>> -> memref<64xf32, #tpu.memory_space<vmem>>
      %dma_start3A_759 = arith.constant 0 : i32
      %dma_start3A_760 = tpu.memref_slice %arg7[%squeeze3A_715, %dma_start3A_759] : memref<100000x64xf32, #tpu.memory_space<hbm>> -> memref<1x64xf32, #tpu.memory_space<hbm>>
      %dma_start3A_761 = tpu.memref_squeeze %dma_start3A_760 : memref<1x64xf32, #tpu.memory_space<hbm>> -> memref<64xf32, #tpu.memory_space<hbm>>
      %dma_start3A_762 = arith.constant 0 : i32
      %dma_start3A_763 = tpu.memref_slice %arg17[%add3A_719, %dma_start3A_762] : memref<128x64xf32, #tpu.memory_space<vmem>> -> memref<1x64xf32, #tpu.memory_space<vmem>>
      %dma_start3A_764 = tpu.memref_squeeze %dma_start3A_763 : memref<1x64xf32, #tpu.memory_space<vmem>> -> memref<64xf32, #tpu.memory_space<vmem>>
      %dma_start3A_765 = arith.constant 0 : i32
      %dma_start3A_766 = tpu.memref_slice %arg7[%squeeze3A_715, %dma_start3A_765] : memref<100000x64xf32, #tpu.memory_space<hbm>> -> memref<1x64xf32, #tpu.memory_space<hbm>>
      %dma_start3A_767 = tpu.memref_squeeze %dma_start3A_766 : memref<1x64xf32, #tpu.memory_space<hbm>> -> memref<64xf32, #tpu.memory_space<hbm>>
      tpu.enqueue_dma source(%dma_start3A_767 : memref<64xf32, #tpu.memory_space<hbm>>) target(%dma_start3A_764 : memref<64xf32, #tpu.memory_space<vmem>>) target_semaphore(%arg18 : memref<!tpu.dma_semaphore, #tpu.memory_space<semaphore_mem>>)
      %slice3A_768 = vector.extract_strided_slice %get3A_37 {offsets = [13], sizes = [1], strides = [1]} : vector<16xi32> to vector<1xi32>
      %squeeze3A_769 = vector.extract %slice3A_768[0] : i32 from vector<1xi32>
      %slice3A_770 = vector.extract_strided_slice %get3A_42 {offsets = [13], sizes = [1], strides = [1]} : vector<16xi32> to vector<1xi32>
      %squeeze3A_771 = vector.extract %slice3A_770[0] : i32 from vector<1xi32>
      %mul3A_772 = arith.constant 16 : i32
      %mul3A_773 = arith.muli %scan3A_32, %mul3A_772 : i32
      %add3A_774 = arith.constant 13 : i32
      %add3A_775 = arith.addi %mul3A_773, %add3A_774 : i32
      %dma_start3A_776 = arith.constant 0 : i32
      %dma_start3A_777 = tpu.memref_slice %arg14[%add3A_775, %dma_start3A_776] : memref<128x64xf32, #tpu.memory_space<vmem>> -> memref<1x64xf32, #tpu.memory_space<vmem>>
      %dma_start3A_778 = tpu.memref_squeeze %dma_start3A_777 : memref<1x64xf32, #tpu.memory_space<vmem>> -> memref<64xf32, #tpu.memory_space<vmem>>
      %dma_start3A_779 = arith.constant 0 : i32
      %dma_start3A_780 = tpu.memref_slice %arg4[%squeeze3A_769, %dma_start3A_779] : memref<100000x64xf32, #tpu.memory_space<hbm>> -> memref<1x64xf32, #tpu.memory_space<hbm>>
      %dma_start3A_781 = tpu.memref_squeeze %dma_start3A_780 : memref<1x64xf32, #tpu.memory_space<hbm>> -> memref<64xf32, #tpu.memory_space<hbm>>
      %dma_start3A_782 = arith.constant 0 : i32
      %dma_start3A_783 = tpu.memref_slice %arg14[%add3A_775, %dma_start3A_782] : memref<128x64xf32, #tpu.memory_space<vmem>> -> memref<1x64xf32, #tpu.memory_space<vmem>>
      %dma_start3A_784 = tpu.memref_squeeze %dma_start3A_783 : memref<1x64xf32, #tpu.memory_space<vmem>> -> memref<64xf32, #tpu.memory_space<vmem>>
      %dma_start3A_785 = arith.constant 0 : i32
      %dma_start3A_786 = tpu.memref_slice %arg4[%squeeze3A_769, %dma_start3A_785] : memref<100000x64xf32, #tpu.memory_space<hbm>> -> memref<1x64xf32, #tpu.memory_space<hbm>>
      %dma_start3A_787 = tpu.memref_squeeze %dma_start3A_786 : memref<1x64xf32, #tpu.memory_space<hbm>> -> memref<64xf32, #tpu.memory_space<hbm>>
      tpu.enqueue_dma source(%dma_start3A_787 : memref<64xf32, #tpu.memory_space<hbm>>) target(%dma_start3A_784 : memref<64xf32, #tpu.memory_space<vmem>>) target_semaphore(%arg18 : memref<!tpu.dma_semaphore, #tpu.memory_space<semaphore_mem>>)
      %dma_start3A_788 = arith.constant 0 : i32
      %dma_start3A_789 = tpu.memref_slice %arg15[%add3A_775, %dma_start3A_788] : memref<128x64xf32, #tpu.memory_space<vmem>> -> memref<1x64xf32, #tpu.memory_space<vmem>>
      %dma_start3A_790 = tpu.memref_squeeze %dma_start3A_789 : memref<1x64xf32, #tpu.memory_space<vmem>> -> memref<64xf32, #tpu.memory_space<vmem>>
      %dma_start3A_791 = arith.constant 0 : i32
      %dma_start3A_792 = tpu.memref_slice %arg5[%squeeze3A_771, %dma_start3A_791] : memref<100000x64xf32, #tpu.memory_space<hbm>> -> memref<1x64xf32, #tpu.memory_space<hbm>>
      %dma_start3A_793 = tpu.memref_squeeze %dma_start3A_792 : memref<1x64xf32, #tpu.memory_space<hbm>> -> memref<64xf32, #tpu.memory_space<hbm>>
      %dma_start3A_794 = arith.constant 0 : i32
      %dma_start3A_795 = tpu.memref_slice %arg15[%add3A_775, %dma_start3A_794] : memref<128x64xf32, #tpu.memory_space<vmem>> -> memref<1x64xf32, #tpu.memory_space<vmem>>
      %dma_start3A_796 = tpu.memref_squeeze %dma_start3A_795 : memref<1x64xf32, #tpu.memory_space<vmem>> -> memref<64xf32, #tpu.memory_space<vmem>>
      %dma_start3A_797 = arith.constant 0 : i32
      %dma_start3A_798 = tpu.memref_slice %arg5[%squeeze3A_771, %dma_start3A_797] : memref<100000x64xf32, #tpu.memory_space<hbm>> -> memref<1x64xf32, #tpu.memory_space<hbm>>
      %dma_start3A_799 = tpu.memref_squeeze %dma_start3A_798 : memref<1x64xf32, #tpu.memory_space<hbm>> -> memref<64xf32, #tpu.memory_space<hbm>>
      tpu.enqueue_dma source(%dma_start3A_799 : memref<64xf32, #tpu.memory_space<hbm>>) target(%dma_start3A_796 : memref<64xf32, #tpu.memory_space<vmem>>) target_semaphore(%arg18 : memref<!tpu.dma_semaphore, #tpu.memory_space<semaphore_mem>>)
      %dma_start3A_800 = arith.constant 0 : i32
      %dma_start3A_801 = tpu.memref_slice %arg16[%add3A_775, %dma_start3A_800] : memref<128x64xf32, #tpu.memory_space<vmem>> -> memref<1x64xf32, #tpu.memory_space<vmem>>
      %dma_start3A_802 = tpu.memref_squeeze %dma_start3A_801 : memref<1x64xf32, #tpu.memory_space<vmem>> -> memref<64xf32, #tpu.memory_space<vmem>>
      %dma_start3A_803 = arith.constant 0 : i32
      %dma_start3A_804 = tpu.memref_slice %arg6[%squeeze3A_769, %dma_start3A_803] : memref<100000x64xf32, #tpu.memory_space<hbm>> -> memref<1x64xf32, #tpu.memory_space<hbm>>
      %dma_start3A_805 = tpu.memref_squeeze %dma_start3A_804 : memref<1x64xf32, #tpu.memory_space<hbm>> -> memref<64xf32, #tpu.memory_space<hbm>>
      %dma_start3A_806 = arith.constant 0 : i32
      %dma_start3A_807 = tpu.memref_slice %arg16[%add3A_775, %dma_start3A_806] : memref<128x64xf32, #tpu.memory_space<vmem>> -> memref<1x64xf32, #tpu.memory_space<vmem>>
      %dma_start3A_808 = tpu.memref_squeeze %dma_start3A_807 : memref<1x64xf32, #tpu.memory_space<vmem>> -> memref<64xf32, #tpu.memory_space<vmem>>
      %dma_start3A_809 = arith.constant 0 : i32
      %dma_start3A_810 = tpu.memref_slice %arg6[%squeeze3A_769, %dma_start3A_809] : memref<100000x64xf32, #tpu.memory_space<hbm>> -> memref<1x64xf32, #tpu.memory_space<hbm>>
      %dma_start3A_811 = tpu.memref_squeeze %dma_start3A_810 : memref<1x64xf32, #tpu.memory_space<hbm>> -> memref<64xf32, #tpu.memory_space<hbm>>
      tpu.enqueue_dma source(%dma_start3A_811 : memref<64xf32, #tpu.memory_space<hbm>>) target(%dma_start3A_808 : memref<64xf32, #tpu.memory_space<vmem>>) target_semaphore(%arg18 : memref<!tpu.dma_semaphore, #tpu.memory_space<semaphore_mem>>)
      %dma_start3A_812 = arith.constant 0 : i32
      %dma_start3A_813 = tpu.memref_slice %arg17[%add3A_775, %dma_start3A_812] : memref<128x64xf32, #tpu.memory_space<vmem>> -> memref<1x64xf32, #tpu.memory_space<vmem>>
      %dma_start3A_814 = tpu.memref_squeeze %dma_start3A_813 : memref<1x64xf32, #tpu.memory_space<vmem>> -> memref<64xf32, #tpu.memory_space<vmem>>
      %dma_start3A_815 = arith.constant 0 : i32
      %dma_start3A_816 = tpu.memref_slice %arg7[%squeeze3A_771, %dma_start3A_815] : memref<100000x64xf32, #tpu.memory_space<hbm>> -> memref<1x64xf32, #tpu.memory_space<hbm>>
      %dma_start3A_817 = tpu.memref_squeeze %dma_start3A_816 : memref<1x64xf32, #tpu.memory_space<hbm>> -> memref<64xf32, #tpu.memory_space<hbm>>
      %dma_start3A_818 = arith.constant 0 : i32
      %dma_start3A_819 = tpu.memref_slice %arg17[%add3A_775, %dma_start3A_818] : memref<128x64xf32, #tpu.memory_space<vmem>> -> memref<1x64xf32, #tpu.memory_space<vmem>>
      %dma_start3A_820 = tpu.memref_squeeze %dma_start3A_819 : memref<1x64xf32, #tpu.memory_space<vmem>> -> memref<64xf32, #tpu.memory_space<vmem>>
      %dma_start3A_821 = arith.constant 0 : i32
      %dma_start3A_822 = tpu.memref_slice %arg7[%squeeze3A_771, %dma_start3A_821] : memref<100000x64xf32, #tpu.memory_space<hbm>> -> memref<1x64xf32, #tpu.memory_space<hbm>>
      %dma_start3A_823 = tpu.memref_squeeze %dma_start3A_822 : memref<1x64xf32, #tpu.memory_space<hbm>> -> memref<64xf32, #tpu.memory_space<hbm>>
      tpu.enqueue_dma source(%dma_start3A_823 : memref<64xf32, #tpu.memory_space<hbm>>) target(%dma_start3A_820 : memref<64xf32, #tpu.memory_space<vmem>>) target_semaphore(%arg18 : memref<!tpu.dma_semaphore, #tpu.memory_space<semaphore_mem>>)
      %slice3A_824 = vector.extract_strided_slice %get3A_37 {offsets = [14], sizes = [1], strides = [1]} : vector<16xi32> to vector<1xi32>
      %squeeze3A_825 = vector.extract %slice3A_824[0] : i32 from vector<1xi32>
      %slice3A_826 = vector.extract_strided_slice %get3A_42 {offsets = [14], sizes = [1], strides = [1]} : vector<16xi32> to vector<1xi32>
      %squeeze3A_827 = vector.extract %slice3A_826[0] : i32 from vector<1xi32>
      %mul3A_828 = arith.constant 16 : i32
      %mul3A_829 = arith.muli %scan3A_32, %mul3A_828 : i32
      %add3A_830 = arith.constant 14 : i32
      %add3A_831 = arith.addi %mul3A_829, %add3A_830 : i32
      %dma_start3A_832 = arith.constant 0 : i32
      %dma_start3A_833 = tpu.memref_slice %arg14[%add3A_831, %dma_start3A_832] : memref<128x64xf32, #tpu.memory_space<vmem>> -> memref<1x64xf32, #tpu.memory_space<vmem>>
      %dma_start3A_834 = tpu.memref_squeeze %dma_start3A_833 : memref<1x64xf32, #tpu.memory_space<vmem>> -> memref<64xf32, #tpu.memory_space<vmem>>
      %dma_start3A_835 = arith.constant 0 : i32
      %dma_start3A_836 = tpu.memref_slice %arg4[%squeeze3A_825, %dma_start3A_835] : memref<100000x64xf32, #tpu.memory_space<hbm>> -> memref<1x64xf32, #tpu.memory_space<hbm>>
      %dma_start3A_837 = tpu.memref_squeeze %dma_start3A_836 : memref<1x64xf32, #tpu.memory_space<hbm>> -> memref<64xf32, #tpu.memory_space<hbm>>
      %dma_start3A_838 = arith.constant 0 : i32
      %dma_start3A_839 = tpu.memref_slice %arg14[%add3A_831, %dma_start3A_838] : memref<128x64xf32, #tpu.memory_space<vmem>> -> memref<1x64xf32, #tpu.memory_space<vmem>>
      %dma_start3A_840 = tpu.memref_squeeze %dma_start3A_839 : memref<1x64xf32, #tpu.memory_space<vmem>> -> memref<64xf32, #tpu.memory_space<vmem>>
      %dma_start3A_841 = arith.constant 0 : i32
      %dma_start3A_842 = tpu.memref_slice %arg4[%squeeze3A_825, %dma_start3A_841] : memref<100000x64xf32, #tpu.memory_space<hbm>> -> memref<1x64xf32, #tpu.memory_space<hbm>>
      %dma_start3A_843 = tpu.memref_squeeze %dma_start3A_842 : memref<1x64xf32, #tpu.memory_space<hbm>> -> memref<64xf32, #tpu.memory_space<hbm>>
      tpu.enqueue_dma source(%dma_start3A_843 : memref<64xf32, #tpu.memory_space<hbm>>) target(%dma_start3A_840 : memref<64xf32, #tpu.memory_space<vmem>>) target_semaphore(%arg18 : memref<!tpu.dma_semaphore, #tpu.memory_space<semaphore_mem>>)
      %dma_start3A_844 = arith.constant 0 : i32
      %dma_start3A_845 = tpu.memref_slice %arg15[%add3A_831, %dma_start3A_844] : memref<128x64xf32, #tpu.memory_space<vmem>> -> memref<1x64xf32, #tpu.memory_space<vmem>>
      %dma_start3A_846 = tpu.memref_squeeze %dma_start3A_845 : memref<1x64xf32, #tpu.memory_space<vmem>> -> memref<64xf32, #tpu.memory_space<vmem>>
      %dma_start3A_847 = arith.constant 0 : i32
      %dma_start3A_848 = tpu.memref_slice %arg5[%squeeze3A_827, %dma_start3A_847] : memref<100000x64xf32, #tpu.memory_space<hbm>> -> memref<1x64xf32, #tpu.memory_space<hbm>>
      %dma_start3A_849 = tpu.memref_squeeze %dma_start3A_848 : memref<1x64xf32, #tpu.memory_space<hbm>> -> memref<64xf32, #tpu.memory_space<hbm>>
      %dma_start3A_850 = arith.constant 0 : i32
      %dma_start3A_851 = tpu.memref_slice %arg15[%add3A_831, %dma_start3A_850] : memref<128x64xf32, #tpu.memory_space<vmem>> -> memref<1x64xf32, #tpu.memory_space<vmem>>
      %dma_start3A_852 = tpu.memref_squeeze %dma_start3A_851 : memref<1x64xf32, #tpu.memory_space<vmem>> -> memref<64xf32, #tpu.memory_space<vmem>>
      %dma_start3A_853 = arith.constant 0 : i32
      %dma_start3A_854 = tpu.memref_slice %arg5[%squeeze3A_827, %dma_start3A_853] : memref<100000x64xf32, #tpu.memory_space<hbm>> -> memref<1x64xf32, #tpu.memory_space<hbm>>
      %dma_start3A_855 = tpu.memref_squeeze %dma_start3A_854 : memref<1x64xf32, #tpu.memory_space<hbm>> -> memref<64xf32, #tpu.memory_space<hbm>>
      tpu.enqueue_dma source(%dma_start3A_855 : memref<64xf32, #tpu.memory_space<hbm>>) target(%dma_start3A_852 : memref<64xf32, #tpu.memory_space<vmem>>) target_semaphore(%arg18 : memref<!tpu.dma_semaphore, #tpu.memory_space<semaphore_mem>>)
      %dma_start3A_856 = arith.constant 0 : i32
      %dma_start3A_857 = tpu.memref_slice %arg16[%add3A_831, %dma_start3A_856] : memref<128x64xf32, #tpu.memory_space<vmem>> -> memref<1x64xf32, #tpu.memory_space<vmem>>
      %dma_start3A_858 = tpu.memref_squeeze %dma_start3A_857 : memref<1x64xf32, #tpu.memory_space<vmem>> -> memref<64xf32, #tpu.memory_space<vmem>>
      %dma_start3A_859 = arith.constant 0 : i32
      %dma_start3A_860 = tpu.memref_slice %arg6[%squeeze3A_825, %dma_start3A_859] : memref<100000x64xf32, #tpu.memory_space<hbm>> -> memref<1x64xf32, #tpu.memory_space<hbm>>
      %dma_start3A_861 = tpu.memref_squeeze %dma_start3A_860 : memref<1x64xf32, #tpu.memory_space<hbm>> -> memref<64xf32, #tpu.memory_space<hbm>>
      %dma_start3A_862 = arith.constant 0 : i32
      %dma_start3A_863 = tpu.memref_slice %arg16[%add3A_831, %dma_start3A_862] : memref<128x64xf32, #tpu.memory_space<vmem>> -> memref<1x64xf32, #tpu.memory_space<vmem>>
      %dma_start3A_864 = tpu.memref_squeeze %dma_start3A_863 : memref<1x64xf32, #tpu.memory_space<vmem>> -> memref<64xf32, #tpu.memory_space<vmem>>
      %dma_start3A_865 = arith.constant 0 : i32
      %dma_start3A_866 = tpu.memref_slice %arg6[%squeeze3A_825, %dma_start3A_865] : memref<100000x64xf32, #tpu.memory_space<hbm>> -> memref<1x64xf32, #tpu.memory_space<hbm>>
      %dma_start3A_867 = tpu.memref_squeeze %dma_start3A_866 : memref<1x64xf32, #tpu.memory_space<hbm>> -> memref<64xf32, #tpu.memory_space<hbm>>
      tpu.enqueue_dma source(%dma_start3A_867 : memref<64xf32, #tpu.memory_space<hbm>>) target(%dma_start3A_864 : memref<64xf32, #tpu.memory_space<vmem>>) target_semaphore(%arg18 : memref<!tpu.dma_semaphore, #tpu.memory_space<semaphore_mem>>)
      %dma_start3A_868 = arith.constant 0 : i32
      %dma_start3A_869 = tpu.memref_slice %arg17[%add3A_831, %dma_start3A_868] : memref<128x64xf32, #tpu.memory_space<vmem>> -> memref<1x64xf32, #tpu.memory_space<vmem>>
      %dma_start3A_870 = tpu.memref_squeeze %dma_start3A_869 : memref<1x64xf32, #tpu.memory_space<vmem>> -> memref<64xf32, #tpu.memory_space<vmem>>
      %dma_start3A_871 = arith.constant 0 : i32
      %dma_start3A_872 = tpu.memref_slice %arg7[%squeeze3A_827, %dma_start3A_871] : memref<100000x64xf32, #tpu.memory_space<hbm>> -> memref<1x64xf32, #tpu.memory_space<hbm>>
      %dma_start3A_873 = tpu.memref_squeeze %dma_start3A_872 : memref<1x64xf32, #tpu.memory_space<hbm>> -> memref<64xf32, #tpu.memory_space<hbm>>
      %dma_start3A_874 = arith.constant 0 : i32
      %dma_start3A_875 = tpu.memref_slice %arg17[%add3A_831, %dma_start3A_874] : memref<128x64xf32, #tpu.memory_space<vmem>> -> memref<1x64xf32, #tpu.memory_space<vmem>>
      %dma_start3A_876 = tpu.memref_squeeze %dma_start3A_875 : memref<1x64xf32, #tpu.memory_space<vmem>> -> memref<64xf32, #tpu.memory_space<vmem>>
      %dma_start3A_877 = arith.constant 0 : i32
      %dma_start3A_878 = tpu.memref_slice %arg7[%squeeze3A_827, %dma_start3A_877] : memref<100000x64xf32, #tpu.memory_space<hbm>> -> memref<1x64xf32, #tpu.memory_space<hbm>>
      %dma_start3A_879 = tpu.memref_squeeze %dma_start3A_878 : memref<1x64xf32, #tpu.memory_space<hbm>> -> memref<64xf32, #tpu.memory_space<hbm>>
      tpu.enqueue_dma source(%dma_start3A_879 : memref<64xf32, #tpu.memory_space<hbm>>) target(%dma_start3A_876 : memref<64xf32, #tpu.memory_space<vmem>>) target_semaphore(%arg18 : memref<!tpu.dma_semaphore, #tpu.memory_space<semaphore_mem>>)
      %slice3A_880 = vector.extract_strided_slice %get3A_37 {offsets = [15], sizes = [1], strides = [1]} : vector<16xi32> to vector<1xi32>
      %squeeze3A_881 = vector.extract %slice3A_880[0] : i32 from vector<1xi32>
      %slice3A_882 = vector.extract_strided_slice %get3A_42 {offsets = [15], sizes = [1], strides = [1]} : vector<16xi32> to vector<1xi32>
      %squeeze3A_883 = vector.extract %slice3A_882[0] : i32 from vector<1xi32>
      %mul3A_884 = arith.constant 16 : i32
      %mul3A_885 = arith.muli %scan3A_32, %mul3A_884 : i32
      %add3A_886 = arith.constant 15 : i32
      %add3A_887 = arith.addi %mul3A_885, %add3A_886 : i32
      %dma_start3A_888 = arith.constant 0 : i32
      %dma_start3A_889 = tpu.memref_slice %arg14[%add3A_887, %dma_start3A_888] : memref<128x64xf32, #tpu.memory_space<vmem>> -> memref<1x64xf32, #tpu.memory_space<vmem>>
      %dma_start3A_890 = tpu.memref_squeeze %dma_start3A_889 : memref<1x64xf32, #tpu.memory_space<vmem>> -> memref<64xf32, #tpu.memory_space<vmem>>
      %dma_start3A_891 = arith.constant 0 : i32
      %dma_start3A_892 = tpu.memref_slice %arg4[%squeeze3A_881, %dma_start3A_891] : memref<100000x64xf32, #tpu.memory_space<hbm>> -> memref<1x64xf32, #tpu.memory_space<hbm>>
      %dma_start3A_893 = tpu.memref_squeeze %dma_start3A_892 : memref<1x64xf32, #tpu.memory_space<hbm>> -> memref<64xf32, #tpu.memory_space<hbm>>
      %dma_start3A_894 = arith.constant 0 : i32
      %dma_start3A_895 = tpu.memref_slice %arg14[%add3A_887, %dma_start3A_894] : memref<128x64xf32, #tpu.memory_space<vmem>> -> memref<1x64xf32, #tpu.memory_space<vmem>>
      %dma_start3A_896 = tpu.memref_squeeze %dma_start3A_895 : memref<1x64xf32, #tpu.memory_space<vmem>> -> memref<64xf32, #tpu.memory_space<vmem>>
      %dma_start3A_897 = arith.constant 0 : i32
      %dma_start3A_898 = tpu.memref_slice %arg4[%squeeze3A_881, %dma_start3A_897] : memref<100000x64xf32, #tpu.memory_space<hbm>> -> memref<1x64xf32, #tpu.memory_space<hbm>>
      %dma_start3A_899 = tpu.memref_squeeze %dma_start3A_898 : memref<1x64xf32, #tpu.memory_space<hbm>> -> memref<64xf32, #tpu.memory_space<hbm>>
      tpu.enqueue_dma source(%dma_start3A_899 : memref<64xf32, #tpu.memory_space<hbm>>) target(%dma_start3A_896 : memref<64xf32, #tpu.memory_space<vmem>>) target_semaphore(%arg18 : memref<!tpu.dma_semaphore, #tpu.memory_space<semaphore_mem>>)
      %dma_start3A_900 = arith.constant 0 : i32
      %dma_start3A_901 = tpu.memref_slice %arg15[%add3A_887, %dma_start3A_900] : memref<128x64xf32, #tpu.memory_space<vmem>> -> memref<1x64xf32, #tpu.memory_space<vmem>>
      %dma_start3A_902 = tpu.memref_squeeze %dma_start3A_901 : memref<1x64xf32, #tpu.memory_space<vmem>> -> memref<64xf32, #tpu.memory_space<vmem>>
      %dma_start3A_903 = arith.constant 0 : i32
      %dma_start3A_904 = tpu.memref_slice %arg5[%squeeze3A_883, %dma_start3A_903] : memref<100000x64xf32, #tpu.memory_space<hbm>> -> memref<1x64xf32, #tpu.memory_space<hbm>>
      %dma_start3A_905 = tpu.memref_squeeze %dma_start3A_904 : memref<1x64xf32, #tpu.memory_space<hbm>> -> memref<64xf32, #tpu.memory_space<hbm>>
      %dma_start3A_906 = arith.constant 0 : i32
      %dma_start3A_907 = tpu.memref_slice %arg15[%add3A_887, %dma_start3A_906] : memref<128x64xf32, #tpu.memory_space<vmem>> -> memref<1x64xf32, #tpu.memory_space<vmem>>
      %dma_start3A_908 = tpu.memref_squeeze %dma_start3A_907 : memref<1x64xf32, #tpu.memory_space<vmem>> -> memref<64xf32, #tpu.memory_space<vmem>>
      %dma_start3A_909 = arith.constant 0 : i32
      %dma_start3A_910 = tpu.memref_slice %arg5[%squeeze3A_883, %dma_start3A_909] : memref<100000x64xf32, #tpu.memory_space<hbm>> -> memref<1x64xf32, #tpu.memory_space<hbm>>
      %dma_start3A_911 = tpu.memref_squeeze %dma_start3A_910 : memref<1x64xf32, #tpu.memory_space<hbm>> -> memref<64xf32, #tpu.memory_space<hbm>>
      tpu.enqueue_dma source(%dma_start3A_911 : memref<64xf32, #tpu.memory_space<hbm>>) target(%dma_start3A_908 : memref<64xf32, #tpu.memory_space<vmem>>) target_semaphore(%arg18 : memref<!tpu.dma_semaphore, #tpu.memory_space<semaphore_mem>>)
      %dma_start3A_912 = arith.constant 0 : i32
      %dma_start3A_913 = tpu.memref_slice %arg16[%add3A_887, %dma_start3A_912] : memref<128x64xf32, #tpu.memory_space<vmem>> -> memref<1x64xf32, #tpu.memory_space<vmem>>
      %dma_start3A_914 = tpu.memref_squeeze %dma_start3A_913 : memref<1x64xf32, #tpu.memory_space<vmem>> -> memref<64xf32, #tpu.memory_space<vmem>>
      %dma_start3A_915 = arith.constant 0 : i32
      %dma_start3A_916 = tpu.memref_slice %arg6[%squeeze3A_881, %dma_start3A_915] : memref<100000x64xf32, #tpu.memory_space<hbm>> -> memref<1x64xf32, #tpu.memory_space<hbm>>
      %dma_start3A_917 = tpu.memref_squeeze %dma_start3A_916 : memref<1x64xf32, #tpu.memory_space<hbm>> -> memref<64xf32, #tpu.memory_space<hbm>>
      %dma_start3A_918 = arith.constant 0 : i32
      %dma_start3A_919 = tpu.memref_slice %arg16[%add3A_887, %dma_start3A_918] : memref<128x64xf32, #tpu.memory_space<vmem>> -> memref<1x64xf32, #tpu.memory_space<vmem>>
      %dma_start3A_920 = tpu.memref_squeeze %dma_start3A_919 : memref<1x64xf32, #tpu.memory_space<vmem>> -> memref<64xf32, #tpu.memory_space<vmem>>
      %dma_start3A_921 = arith.constant 0 : i32
      %dma_start3A_922 = tpu.memref_slice %arg6[%squeeze3A_881, %dma_start3A_921] : memref<100000x64xf32, #tpu.memory_space<hbm>> -> memref<1x64xf32, #tpu.memory_space<hbm>>
      %dma_start3A_923 = tpu.memref_squeeze %dma_start3A_922 : memref<1x64xf32, #tpu.memory_space<hbm>> -> memref<64xf32, #tpu.memory_space<hbm>>
      tpu.enqueue_dma source(%dma_start3A_923 : memref<64xf32, #tpu.memory_space<hbm>>) target(%dma_start3A_920 : memref<64xf32, #tpu.memory_space<vmem>>) target_semaphore(%arg18 : memref<!tpu.dma_semaphore, #tpu.memory_space<semaphore_mem>>)
      %dma_start3A_924 = arith.constant 0 : i32
      %dma_start3A_925 = tpu.memref_slice %arg17[%add3A_887, %dma_start3A_924] : memref<128x64xf32, #tpu.memory_space<vmem>> -> memref<1x64xf32, #tpu.memory_space<vmem>>
      %dma_start3A_926 = tpu.memref_squeeze %dma_start3A_925 : memref<1x64xf32, #tpu.memory_space<vmem>> -> memref<64xf32, #tpu.memory_space<vmem>>
      %dma_start3A_927 = arith.constant 0 : i32
      %dma_start3A_928 = tpu.memref_slice %arg7[%squeeze3A_883, %dma_start3A_927] : memref<100000x64xf32, #tpu.memory_space<hbm>> -> memref<1x64xf32, #tpu.memory_space<hbm>>
      %dma_start3A_929 = tpu.memref_squeeze %dma_start3A_928 : memref<1x64xf32, #tpu.memory_space<hbm>> -> memref<64xf32, #tpu.memory_space<hbm>>
      %dma_start3A_930 = arith.constant 0 : i32
      %dma_start3A_931 = tpu.memref_slice %arg17[%add3A_887, %dma_start3A_930] : memref<128x64xf32, #tpu.memory_space<vmem>> -> memref<1x64xf32, #tpu.memory_space<vmem>>
      %dma_start3A_932 = tpu.memref_squeeze %dma_start3A_931 : memref<1x64xf32, #tpu.memory_space<vmem>> -> memref<64xf32, #tpu.memory_space<vmem>>
      %dma_start3A_933 = arith.constant 0 : i32
      %dma_start3A_934 = tpu.memref_slice %arg7[%squeeze3A_883, %dma_start3A_933] : memref<100000x64xf32, #tpu.memory_space<hbm>> -> memref<1x64xf32, #tpu.memory_space<hbm>>
      %dma_start3A_935 = tpu.memref_squeeze %dma_start3A_934 : memref<1x64xf32, #tpu.memory_space<hbm>> -> memref<64xf32, #tpu.memory_space<hbm>>
      tpu.enqueue_dma source(%dma_start3A_935 : memref<64xf32, #tpu.memory_space<hbm>>) target(%dma_start3A_932 : memref<64xf32, #tpu.memory_space<vmem>>) target_semaphore(%arg18 : memref<!tpu.dma_semaphore, #tpu.memory_space<semaphore_mem>>)
      %scan3A_936 = arith.constant 0 : i32
      scf.yield %scan3A_936 : i32
    }
    %scan3A_8 = arith.constant 8 : i32
    %dma_wait3A = arith.constant 0 : i32
    %dma_wait3A_9 = arith.constant 0 : i32
    %dma_wait3A_10 = tpu.memref_slice %arg4[%dma_wait3A, %dma_wait3A_9] : memref<100000x64xf32, #tpu.memory_space<hbm>> -> memref<128x64xf32, #tpu.memory_space<hbm>>
    %dma_wait3A_11 = arith.constant 0 : i32
    %dma_wait3A_12 = arith.constant 0 : i32
    %dma_wait3A_13 = tpu.memref_slice %arg4[%dma_wait3A_11, %dma_wait3A_12] : memref<100000x64xf32, #tpu.memory_space<hbm>> -> memref<128x64xf32, #tpu.memory_space<hbm>>
    tpu.wait_dma2 semaphore(%arg18 : memref<!tpu.dma_semaphore, #tpu.memory_space<semaphore_mem>>) src(%dma_wait3A_13 : memref<128x64xf32, #tpu.memory_space<hbm>>) dst(%arg14 : memref<128x64xf32, #tpu.memory_space<vmem>>)
    %dma_wait3A_14 = arith.constant 0 : i32
    %dma_wait3A_15 = arith.constant 0 : i32
    %dma_wait3A_16 = tpu.memref_slice %arg5[%dma_wait3A_14, %dma_wait3A_15] : memref<100000x64xf32, #tpu.memory_space<hbm>> -> memref<128x64xf32, #tpu.memory_space<hbm>>
    %dma_wait3A_17 = arith.constant 0 : i32
    %dma_wait3A_18 = arith.constant 0 : i32
    %dma_wait3A_19 = tpu.memref_slice %arg5[%dma_wait3A_17, %dma_wait3A_18] : memref<100000x64xf32, #tpu.memory_space<hbm>> -> memref<128x64xf32, #tpu.memory_space<hbm>>
    tpu.wait_dma2 semaphore(%arg18 : memref<!tpu.dma_semaphore, #tpu.memory_space<semaphore_mem>>) src(%dma_wait3A_19 : memref<128x64xf32, #tpu.memory_space<hbm>>) dst(%arg15 : memref<128x64xf32, #tpu.memory_space<vmem>>)
    %dma_wait3A_20 = arith.constant 0 : i32
    %dma_wait3A_21 = arith.constant 0 : i32
    %dma_wait3A_22 = tpu.memref_slice %arg6[%dma_wait3A_20, %dma_wait3A_21] : memref<100000x64xf32, #tpu.memory_space<hbm>> -> memref<128x64xf32, #tpu.memory_space<hbm>>
    %dma_wait3A_23 = arith.constant 0 : i32
    %dma_wait3A_24 = arith.constant 0 : i32
    %dma_wait3A_25 = tpu.memref_slice %arg6[%dma_wait3A_23, %dma_wait3A_24] : memref<100000x64xf32, #tpu.memory_space<hbm>> -> memref<128x64xf32, #tpu.memory_space<hbm>>
    tpu.wait_dma2 semaphore(%arg18 : memref<!tpu.dma_semaphore, #tpu.memory_space<semaphore_mem>>) src(%dma_wait3A_25 : memref<128x64xf32, #tpu.memory_space<hbm>>) dst(%arg16 : memref<128x64xf32, #tpu.memory_space<vmem>>)
    %dma_wait3A_26 = arith.constant 0 : i32
    %dma_wait3A_27 = arith.constant 0 : i32
    %dma_wait3A_28 = tpu.memref_slice %arg7[%dma_wait3A_26, %dma_wait3A_27] : memref<100000x64xf32, #tpu.memory_space<hbm>> -> memref<128x64xf32, #tpu.memory_space<hbm>>
    %dma_wait3A_29 = arith.constant 0 : i32
    %dma_wait3A_30 = arith.constant 0 : i32
    %dma_wait3A_31 = tpu.memref_slice %arg7[%dma_wait3A_29, %dma_wait3A_30] : memref<100000x64xf32, #tpu.memory_space<hbm>> -> memref<128x64xf32, #tpu.memory_space<hbm>>
    tpu.wait_dma2 semaphore(%arg18 : memref<!tpu.dma_semaphore, #tpu.memory_space<semaphore_mem>>) src(%dma_wait3A_31 : memref<128x64xf32, #tpu.memory_space<hbm>>) dst(%arg17 : memref<128x64xf32, #tpu.memory_space<vmem>>)
    "tpu.region"() ({
      %run_scoped3A = tpu.sem_alloc : memref<!tpu.dma_semaphore, #tpu.memory_space<semaphore_mem>>
      %dma_start3A = arith.constant 0 : i32
      %dma_start3A_32 = tpu.memref_slice %arg8[%mul3A_2, %dma_start3A] : memref<4096x64xf32, #tpu.memory_space<hbm>> -> memref<128x64xf32, #tpu.memory_space<hbm>>
      %dma_start3A_33 = arith.constant 0 : i32
      %dma_start3A_34 = tpu.memref_slice %arg8[%mul3A_2, %dma_start3A_33] : memref<4096x64xf32, #tpu.memory_space<hbm>> -> memref<128x64xf32, #tpu.memory_space<hbm>>
      tpu.enqueue_dma source(%arg14 : memref<128x64xf32, #tpu.memory_space<vmem>>) target(%dma_start3A_34 : memref<128x64xf32, #tpu.memory_space<hbm>>) target_semaphore(%run_scoped3A : memref<!tpu.dma_semaphore, #tpu.memory_space<semaphore_mem>>)
      %dma_wait3A_35 = arith.constant 0 : i32
      %dma_wait3A_36 = tpu.memref_slice %arg8[%mul3A_2, %dma_wait3A_35] : memref<4096x64xf32, #tpu.memory_space<hbm>> -> memref<128x64xf32, #tpu.memory_space<hbm>>
      %dma_wait3A_37 = arith.constant 0 : i32
      %dma_wait3A_38 = tpu.memref_slice %arg8[%mul3A_2, %dma_wait3A_37] : memref<4096x64xf32, #tpu.memory_space<hbm>> -> memref<128x64xf32, #tpu.memory_space<hbm>>
      tpu.wait_dma2 semaphore(%run_scoped3A : memref<!tpu.dma_semaphore, #tpu.memory_space<semaphore_mem>>) src(%arg14 : memref<128x64xf32, #tpu.memory_space<vmem>>) dst(%dma_wait3A_38 : memref<128x64xf32, #tpu.memory_space<hbm>>)
      tpu.yield
    }) : () -> ()
    "tpu.region"() ({
      %run_scoped3A = tpu.sem_alloc : memref<!tpu.dma_semaphore, #tpu.memory_space<semaphore_mem>>
      %dma_start3A = arith.constant 0 : i32
      %dma_start3A_32 = tpu.memref_slice %arg9[%mul3A_2, %dma_start3A] : memref<4096x64xf32, #tpu.memory_space<hbm>> -> memref<128x64xf32, #tpu.memory_space<hbm>>
      %dma_start3A_33 = arith.constant 0 : i32
      %dma_start3A_34 = tpu.memref_slice %arg9[%mul3A_2, %dma_start3A_33] : memref<4096x64xf32, #tpu.memory_space<hbm>> -> memref<128x64xf32, #tpu.memory_space<hbm>>
      tpu.enqueue_dma source(%arg15 : memref<128x64xf32, #tpu.memory_space<vmem>>) target(%dma_start3A_34 : memref<128x64xf32, #tpu.memory_space<hbm>>) target_semaphore(%run_scoped3A : memref<!tpu.dma_semaphore, #tpu.memory_space<semaphore_mem>>)
      %dma_wait3A_35 = arith.constant 0 : i32
      %dma_wait3A_36 = tpu.memref_slice %arg9[%mul3A_2, %dma_wait3A_35] : memref<4096x64xf32, #tpu.memory_space<hbm>> -> memref<128x64xf32, #tpu.memory_space<hbm>>
      %dma_wait3A_37 = arith.constant 0 : i32
      %dma_wait3A_38 = tpu.memref_slice %arg9[%mul3A_2, %dma_wait3A_37] : memref<4096x64xf32, #tpu.memory_space<hbm>> -> memref<128x64xf32, #tpu.memory_space<hbm>>
      tpu.wait_dma2 semaphore(%run_scoped3A : memref<!tpu.dma_semaphore, #tpu.memory_space<semaphore_mem>>) src(%arg15 : memref<128x64xf32, #tpu.memory_space<vmem>>) dst(%dma_wait3A_38 : memref<128x64xf32, #tpu.memory_space<hbm>>)
      tpu.yield
    }) : () -> ()
    "tpu.region"() ({
      %run_scoped3A = tpu.sem_alloc : memref<!tpu.dma_semaphore, #tpu.memory_space<semaphore_mem>>
      %dma_start3A = arith.constant 0 : i32
      %dma_start3A_32 = tpu.memref_slice %arg10[%mul3A_2, %dma_start3A] : memref<4096x64xf32, #tpu.memory_space<hbm>> -> memref<128x64xf32, #tpu.memory_space<hbm>>
      %dma_start3A_33 = arith.constant 0 : i32
      %dma_start3A_34 = tpu.memref_slice %arg10[%mul3A_2, %dma_start3A_33] : memref<4096x64xf32, #tpu.memory_space<hbm>> -> memref<128x64xf32, #tpu.memory_space<hbm>>
      tpu.enqueue_dma source(%arg16 : memref<128x64xf32, #tpu.memory_space<vmem>>) target(%dma_start3A_34 : memref<128x64xf32, #tpu.memory_space<hbm>>) target_semaphore(%run_scoped3A : memref<!tpu.dma_semaphore, #tpu.memory_space<semaphore_mem>>)
      %dma_wait3A_35 = arith.constant 0 : i32
      %dma_wait3A_36 = tpu.memref_slice %arg10[%mul3A_2, %dma_wait3A_35] : memref<4096x64xf32, #tpu.memory_space<hbm>> -> memref<128x64xf32, #tpu.memory_space<hbm>>
      %dma_wait3A_37 = arith.constant 0 : i32
      %dma_wait3A_38 = tpu.memref_slice %arg10[%mul3A_2, %dma_wait3A_37] : memref<4096x64xf32, #tpu.memory_space<hbm>> -> memref<128x64xf32, #tpu.memory_space<hbm>>
      tpu.wait_dma2 semaphore(%run_scoped3A : memref<!tpu.dma_semaphore, #tpu.memory_space<semaphore_mem>>) src(%arg16 : memref<128x64xf32, #tpu.memory_space<vmem>>) dst(%dma_wait3A_38 : memref<128x64xf32, #tpu.memory_space<hbm>>)
      tpu.yield
    }) : () -> ()
    "tpu.region"() ({
      %run_scoped3A = tpu.sem_alloc : memref<!tpu.dma_semaphore, #tpu.memory_space<semaphore_mem>>
      %dma_start3A = arith.constant 0 : i32
      %dma_start3A_32 = tpu.memref_slice %arg11[%mul3A_2, %dma_start3A] : memref<4096x64xf32, #tpu.memory_space<hbm>> -> memref<128x64xf32, #tpu.memory_space<hbm>>
      %dma_start3A_33 = arith.constant 0 : i32
      %dma_start3A_34 = tpu.memref_slice %arg11[%mul3A_2, %dma_start3A_33] : memref<4096x64xf32, #tpu.memory_space<hbm>> -> memref<128x64xf32, #tpu.memory_space<hbm>>
      tpu.enqueue_dma source(%arg17 : memref<128x64xf32, #tpu.memory_space<vmem>>) target(%dma_start3A_34 : memref<128x64xf32, #tpu.memory_space<hbm>>) target_semaphore(%run_scoped3A : memref<!tpu.dma_semaphore, #tpu.memory_space<semaphore_mem>>)
      %dma_wait3A_35 = arith.constant 0 : i32
      %dma_wait3A_36 = tpu.memref_slice %arg11[%mul3A_2, %dma_wait3A_35] : memref<4096x64xf32, #tpu.memory_space<hbm>> -> memref<128x64xf32, #tpu.memory_space<hbm>>
      %dma_wait3A_37 = arith.constant 0 : i32
      %dma_wait3A_38 = tpu.memref_slice %arg11[%mul3A_2, %dma_wait3A_37] : memref<4096x64xf32, #tpu.memory_space<hbm>> -> memref<128x64xf32, #tpu.memory_space<hbm>>
      tpu.wait_dma2 semaphore(%run_scoped3A : memref<!tpu.dma_semaphore, #tpu.memory_space<semaphore_mem>>) src(%arg17 : memref<128x64xf32, #tpu.memory_space<vmem>>) dst(%dma_wait3A_38 : memref<128x64xf32, #tpu.memory_space<hbm>>)
      tpu.yield
    }) : () -> ()
    return
  }
}

#map = affine_map<(d0, d1) -> (0)>
#map1 = affine_map<(d0, d1) -> (0, 0)>
module attributes {stable_mosaic.version = 14 : i64} {
  func.func @_sc_bias_body(%arg0: i32, %arg1: i32, %arg2: memref<4096xi32, #tpu.memory_space<hbm>>, %arg3: memref<4096xi32, #tpu.memory_space<hbm>>, %arg4: memref<12500x8xf32, #tpu.memory_space<hbm>>, %arg5: memref<12500x8xf32, #tpu.memory_space<hbm>>, %arg6: memref<12500x8xf32, #tpu.memory_space<hbm>>, %arg7: memref<12500x8xf32, #tpu.memory_space<hbm>>, %arg8: memref<12500x8xf32, #tpu.memory_space<hbm>>, %arg9: memref<12500x8xf32, #tpu.memory_space<hbm>>, %arg10: memref<4096x8xf32, #tpu.memory_space<hbm>>, %arg11: memref<4096x8xf32, #tpu.memory_space<hbm>>, %arg12: memref<4096x8xf32, #tpu.memory_space<hbm>>, %arg13: memref<4096x8xf32, #tpu.memory_space<hbm>>, %arg14: memref<4096x8xf32, #tpu.memory_space<hbm>>, %arg15: memref<4096x8xf32, #tpu.memory_space<hbm>>, %arg16: memref<128xi32, #tpu.memory_space<vmem>>, %arg17: memref<128xi32, #tpu.memory_space<vmem>>, %arg18: memref<128xi32, #tpu.memory_space<vmem>>, %arg19: memref<128xi32, #tpu.memory_space<vmem>>, %arg20: memref<128x8xf32, #tpu.memory_space<vmem>>, %arg21: memref<128x8xf32, #tpu.memory_space<vmem>>, %arg22: memref<128x8xf32, #tpu.memory_space<vmem>>, %arg23: memref<128x8xf32, #tpu.memory_space<vmem>>, %arg24: memref<128x8xf32, #tpu.memory_space<vmem>>, %arg25: memref<128x8xf32, #tpu.memory_space<vmem>>, %arg26: memref<!tpu.dma_semaphore, #tpu.memory_space<semaphore_mem>>) attributes {dimension_semantics = [#tpu.dimension_semantics<core_parallel>, #tpu.dimension_semantics<subcore_parallel>], iteration_bounds = array<i64: 2, 16>, scalar_prefetch = 0 : i64, scratch_operands = 11 : i64, tpu.core_type = #tpu.core_type<sc_vector_subcore>, window_params = [{transform_indices = #map}, {transform_indices = #map}, {transform_indices = #map1}, {transform_indices = #map1}, {transform_indices = #map1}, {transform_indices = #map1}, {transform_indices = #map1}, {transform_indices = #map1}, {transform_indices = #map1}, {transform_indices = #map1}, {transform_indices = #map1}, {transform_indices = #map1}, {transform_indices = #map1}, {transform_indices = #map1}]} {
    %mul3A = arith.constant 2 : i32
    %mul3A_0 = arith.muli %arg1, %mul3A : i32
    %add3A = arith.addi %mul3A_0, %arg0 : i32
    %mul3A_1 = arith.constant 128 : i32
    %mul3A_2 = arith.muli %add3A, %mul3A_1 : i32
    "tpu.region"() ({
      %run_scoped3A = tpu.sem_alloc : memref<!tpu.dma_semaphore, #tpu.memory_space<semaphore_mem>>
      %dma_start3A_43 = tpu.memref_slice %arg2[%mul3A_2] : memref<4096xi32, #tpu.memory_space<hbm>> -> memref<128xi32, #tpu.memory_space<hbm>>
      %dma_start3A_44 = tpu.memref_slice %arg2[%mul3A_2] : memref<4096xi32, #tpu.memory_space<hbm>> -> memref<128xi32, #tpu.memory_space<hbm>>
      tpu.enqueue_dma source(%dma_start3A_44 : memref<128xi32, #tpu.memory_space<hbm>>) target(%arg16 : memref<128xi32, #tpu.memory_space<vmem>>) target_semaphore(%run_scoped3A : memref<!tpu.dma_semaphore, #tpu.memory_space<semaphore_mem>>)
      %dma_wait3A_45 = tpu.memref_slice %arg2[%mul3A_2] : memref<4096xi32, #tpu.memory_space<hbm>> -> memref<128xi32, #tpu.memory_space<hbm>>
      %dma_wait3A_46 = tpu.memref_slice %arg2[%mul3A_2] : memref<4096xi32, #tpu.memory_space<hbm>> -> memref<128xi32, #tpu.memory_space<hbm>>
      tpu.wait_dma2 semaphore(%run_scoped3A : memref<!tpu.dma_semaphore, #tpu.memory_space<semaphore_mem>>) src(%dma_wait3A_46 : memref<128xi32, #tpu.memory_space<hbm>>) dst(%arg16 : memref<128xi32, #tpu.memory_space<vmem>>)
      tpu.yield
    }) : () -> ()
    "tpu.region"() ({
      %run_scoped3A = tpu.sem_alloc : memref<!tpu.dma_semaphore, #tpu.memory_space<semaphore_mem>>
      %dma_start3A_43 = tpu.memref_slice %arg3[%mul3A_2] : memref<4096xi32, #tpu.memory_space<hbm>> -> memref<128xi32, #tpu.memory_space<hbm>>
      %dma_start3A_44 = tpu.memref_slice %arg3[%mul3A_2] : memref<4096xi32, #tpu.memory_space<hbm>> -> memref<128xi32, #tpu.memory_space<hbm>>
      tpu.enqueue_dma source(%dma_start3A_44 : memref<128xi32, #tpu.memory_space<hbm>>) target(%arg17 : memref<128xi32, #tpu.memory_space<vmem>>) target_semaphore(%run_scoped3A : memref<!tpu.dma_semaphore, #tpu.memory_space<semaphore_mem>>)
      %dma_wait3A_45 = tpu.memref_slice %arg3[%mul3A_2] : memref<4096xi32, #tpu.memory_space<hbm>> -> memref<128xi32, #tpu.memory_space<hbm>>
      %dma_wait3A_46 = tpu.memref_slice %arg3[%mul3A_2] : memref<4096xi32, #tpu.memory_space<hbm>> -> memref<128xi32, #tpu.memory_space<hbm>>
      tpu.wait_dma2 semaphore(%run_scoped3A : memref<!tpu.dma_semaphore, #tpu.memory_space<semaphore_mem>>) src(%dma_wait3A_46 : memref<128xi32, #tpu.memory_space<hbm>>) dst(%arg17 : memref<128xi32, #tpu.memory_space<vmem>>)
      tpu.yield
    }) : () -> ()
    %scan3A = arith.constant 0 : i32
    %scan3A_3 = arith.constant 0 : i32
    %scan3A_4 = arith.constant 8 : i32
    %scan3A_5 = arith.addi %scan3A_3, %scan3A_4 : i32
    %scan3A_6 = arith.constant 1 : i32
    %scan3A_7 = scf.for %scan3A_43 = %scan3A_3 to %scan3A_5 step %scan3A_6 iter_args(%scan3A_44 = %scan3A) -> (i32)  : i32 {
      %mul3A_45 = arith.constant 16 : i32
      %mul3A_46 = arith.muli %scan3A_43, %mul3A_45 : i32
      %get3A = arith.index_cast %mul3A_46 : i32 to index
      %get3A_47 = tpu.vector_load %arg16[%get3A] {strides = array<i32>} : memref<128xi32, #tpu.memory_space<vmem>>, vector<16xi32>,
      %get3A_48 = vector.shape_cast %get3A_47 : vector<16xi32> to vector<16xi32>
      %shift_right_logical3A = arith.constant 3 : i32
      %shift_right_logical3A_49 = vector.broadcast %shift_right_logical3A : i32 to vector<16xi32>
      %shift_right_logical3A_50 = arith.shrui %get3A_48, %shift_right_logical3A_49 : vector<16xi32>
      %swap3A = arith.index_cast %mul3A_46 : i32 to index
      %swap3A_51 = tpu.vector_load %arg18[%swap3A] {strides = array<i32>} : memref<128xi32, #tpu.memory_space<vmem>>, vector<16xi32>,
      %swap3A_52 = vector.shape_cast %swap3A_51 : vector<16xi32> to vector<16xi32>
      %swap3A_53 = vector.shape_cast %shift_right_logical3A_50 : vector<16xi32> to vector<16xi32>
      tpu.vector_store %arg18[%swap3A], %swap3A_53 {strides = array<i32>} : memref<128xi32, #tpu.memory_space<vmem>>, vector<16xi32>,
      %get3A_54 = arith.index_cast %mul3A_46 : i32 to index
      %get3A_55 = tpu.vector_load %arg17[%get3A_54] {strides = array<i32>} : memref<128xi32, #tpu.memory_space<vmem>>, vector<16xi32>,
      %get3A_56 = vector.shape_cast %get3A_55 : vector<16xi32> to vector<16xi32>
      %shift_right_logical3A_57 = arith.constant 3 : i32
      %shift_right_logical3A_58 = vector.broadcast %shift_right_logical3A_57 : i32 to vector<16xi32>
      %shift_right_logical3A_59 = arith.shrui %get3A_56, %shift_right_logical3A_58 : vector<16xi32>
      %swap3A_60 = arith.index_cast %mul3A_46 : i32 to index
      %swap3A_61 = tpu.vector_load %arg19[%swap3A_60] {strides = array<i32>} : memref<128xi32, #tpu.memory_space<vmem>>, vector<16xi32>,
      %swap3A_62 = vector.shape_cast %swap3A_61 : vector<16xi32> to vector<16xi32>
      %swap3A_63 = vector.shape_cast %shift_right_logical3A_59 : vector<16xi32> to vector<16xi32>
      tpu.vector_store %arg19[%swap3A_60], %swap3A_63 {strides = array<i32>} : memref<128xi32, #tpu.memory_space<vmem>>, vector<16xi32>,
      %scan3A_64 = arith.constant 0 : i32
      scf.yield %scan3A_64 : i32
    }
    %scan3A_8 = arith.constant 8 : i32
    %dma_start3A = arith.constant 0 : i32
    %dma_start3A_9 = arith.constant 0 : i32
    %dma_start3A_10 = tpu.memref_slice %arg4[%dma_start3A, %dma_start3A_9] : memref<12500x8xf32, #tpu.memory_space<hbm>> -> memref<12500x8xf32, #tpu.memory_space<hbm>>
    tpu.enqueue_indirect_dma source(%dma_start3A_10 : memref<12500x8xf32, #tpu.memory_space<hbm>>) target(%arg20 : memref<128x8xf32, #tpu.memory_space<vmem>>) offsets(%arg18 : memref<128xi32, #tpu.memory_space<vmem>>) semaphore(%arg26 : memref<!tpu.dma_semaphore, #tpu.memory_space<semaphore_mem>>)
    %dma_start3A_11 = arith.constant 0 : i32
    %dma_start3A_12 = arith.constant 0 : i32
    %dma_start3A_13 = tpu.memref_slice %arg5[%dma_start3A_11, %dma_start3A_12] : memref<12500x8xf32, #tpu.memory_space<hbm>> -> memref<12500x8xf32, #tpu.memory_space<hbm>>
    tpu.enqueue_indirect_dma source(%dma_start3A_13 : memref<12500x8xf32, #tpu.memory_space<hbm>>) target(%arg21 : memref<128x8xf32, #tpu.memory_space<vmem>>) offsets(%arg19 : memref<128xi32, #tpu.memory_space<vmem>>) semaphore(%arg26 : memref<!tpu.dma_semaphore, #tpu.memory_space<semaphore_mem>>)
    %dma_start3A_14 = arith.constant 0 : i32
    %dma_start3A_15 = arith.constant 0 : i32
    %dma_start3A_16 = tpu.memref_slice %arg6[%dma_start3A_14, %dma_start3A_15] : memref<12500x8xf32, #tpu.memory_space<hbm>> -> memref<12500x8xf32, #tpu.memory_space<hbm>>
    tpu.enqueue_indirect_dma source(%dma_start3A_16 : memref<12500x8xf32, #tpu.memory_space<hbm>>) target(%arg22 : memref<128x8xf32, #tpu.memory_space<vmem>>) offsets(%arg18 : memref<128xi32, #tpu.memory_space<vmem>>) semaphore(%arg26 : memref<!tpu.dma_semaphore, #tpu.memory_space<semaphore_mem>>)
    %dma_start3A_17 = arith.constant 0 : i32
    %dma_start3A_18 = arith.constant 0 : i32
    %dma_start3A_19 = tpu.memref_slice %arg7[%dma_start3A_17, %dma_start3A_18] : memref<12500x8xf32, #tpu.memory_space<hbm>> -> memref<12500x8xf32, #tpu.memory_space<hbm>>
    tpu.enqueue_indirect_dma source(%dma_start3A_19 : memref<12500x8xf32, #tpu.memory_space<hbm>>) target(%arg23 : memref<128x8xf32, #tpu.memory_space<vmem>>) offsets(%arg19 : memref<128xi32, #tpu.memory_space<vmem>>) semaphore(%arg26 : memref<!tpu.dma_semaphore, #tpu.memory_space<semaphore_mem>>)
    %dma_start3A_20 = arith.constant 0 : i32
    %dma_start3A_21 = arith.constant 0 : i32
    %dma_start3A_22 = tpu.memref_slice %arg8[%dma_start3A_20, %dma_start3A_21] : memref<12500x8xf32, #tpu.memory_space<hbm>> -> memref<12500x8xf32, #tpu.memory_space<hbm>>
    tpu.enqueue_indirect_dma source(%dma_start3A_22 : memref<12500x8xf32, #tpu.memory_space<hbm>>) target(%arg24 : memref<128x8xf32, #tpu.memory_space<vmem>>) offsets(%arg18 : memref<128xi32, #tpu.memory_space<vmem>>) semaphore(%arg26 : memref<!tpu.dma_semaphore, #tpu.memory_space<semaphore_mem>>)
    %dma_start3A_23 = arith.constant 0 : i32
    %dma_start3A_24 = arith.constant 0 : i32
    %dma_start3A_25 = tpu.memref_slice %arg9[%dma_start3A_23, %dma_start3A_24] : memref<12500x8xf32, #tpu.memory_space<hbm>> -> memref<12500x8xf32, #tpu.memory_space<hbm>>
    tpu.enqueue_indirect_dma source(%dma_start3A_25 : memref<12500x8xf32, #tpu.memory_space<hbm>>) target(%arg25 : memref<128x8xf32, #tpu.memory_space<vmem>>) offsets(%arg19 : memref<128xi32, #tpu.memory_space<vmem>>) semaphore(%arg26 : memref<!tpu.dma_semaphore, #tpu.memory_space<semaphore_mem>>)
    %dma_wait3A = arith.constant 0 : i32
    %dma_wait3A_26 = arith.constant 0 : i32
    %dma_wait3A_27 = tpu.memref_slice %arg4[%dma_wait3A, %dma_wait3A_26] : memref<12500x8xf32, #tpu.memory_space<hbm>> -> memref<12500x8xf32, #tpu.memory_space<hbm>>
    tpu.wait_indirect_dma semaphore(%arg26 : memref<!tpu.dma_semaphore, #tpu.memory_space<semaphore_mem>>) src(%dma_wait3A_27 : memref<12500x8xf32, #tpu.memory_space<hbm>>) dst(%arg20 : memref<128x8xf32, #tpu.memory_space<vmem>>)
    %dma_wait3A_28 = arith.constant 0 : i32
    %dma_wait3A_29 = arith.constant 0 : i32
    %dma_wait3A_30 = tpu.memref_slice %arg5[%dma_wait3A_28, %dma_wait3A_29] : memref<12500x8xf32, #tpu.memory_space<hbm>> -> memref<12500x8xf32, #tpu.memory_space<hbm>>
    tpu.wait_indirect_dma semaphore(%arg26 : memref<!tpu.dma_semaphore, #tpu.memory_space<semaphore_mem>>) src(%dma_wait3A_30 : memref<12500x8xf32, #tpu.memory_space<hbm>>) dst(%arg21 : memref<128x8xf32, #tpu.memory_space<vmem>>)
    %dma_wait3A_31 = arith.constant 0 : i32
    %dma_wait3A_32 = arith.constant 0 : i32
    %dma_wait3A_33 = tpu.memref_slice %arg6[%dma_wait3A_31, %dma_wait3A_32] : memref<12500x8xf32, #tpu.memory_space<hbm>> -> memref<12500x8xf32, #tpu.memory_space<hbm>>
    tpu.wait_indirect_dma semaphore(%arg26 : memref<!tpu.dma_semaphore, #tpu.memory_space<semaphore_mem>>) src(%dma_wait3A_33 : memref<12500x8xf32, #tpu.memory_space<hbm>>) dst(%arg22 : memref<128x8xf32, #tpu.memory_space<vmem>>)
    %dma_wait3A_34 = arith.constant 0 : i32
    %dma_wait3A_35 = arith.constant 0 : i32
    %dma_wait3A_36 = tpu.memref_slice %arg7[%dma_wait3A_34, %dma_wait3A_35] : memref<12500x8xf32, #tpu.memory_space<hbm>> -> memref<12500x8xf32, #tpu.memory_space<hbm>>
    tpu.wait_indirect_dma semaphore(%arg26 : memref<!tpu.dma_semaphore, #tpu.memory_space<semaphore_mem>>) src(%dma_wait3A_36 : memref<12500x8xf32, #tpu.memory_space<hbm>>) dst(%arg23 : memref<128x8xf32, #tpu.memory_space<vmem>>)
    %dma_wait3A_37 = arith.constant 0 : i32
    %dma_wait3A_38 = arith.constant 0 : i32
    %dma_wait3A_39 = tpu.memref_slice %arg8[%dma_wait3A_37, %dma_wait3A_38] : memref<12500x8xf32, #tpu.memory_space<hbm>> -> memref<12500x8xf32, #tpu.memory_space<hbm>>
    tpu.wait_indirect_dma semaphore(%arg26 : memref<!tpu.dma_semaphore, #tpu.memory_space<semaphore_mem>>) src(%dma_wait3A_39 : memref<12500x8xf32, #tpu.memory_space<hbm>>) dst(%arg24 : memref<128x8xf32, #tpu.memory_space<vmem>>)
    %dma_wait3A_40 = arith.constant 0 : i32
    %dma_wait3A_41 = arith.constant 0 : i32
    %dma_wait3A_42 = tpu.memref_slice %arg9[%dma_wait3A_40, %dma_wait3A_41] : memref<12500x8xf32, #tpu.memory_space<hbm>> -> memref<12500x8xf32, #tpu.memory_space<hbm>>
    tpu.wait_indirect_dma semaphore(%arg26 : memref<!tpu.dma_semaphore, #tpu.memory_space<semaphore_mem>>) src(%dma_wait3A_42 : memref<12500x8xf32, #tpu.memory_space<hbm>>) dst(%arg25 : memref<128x8xf32, #tpu.memory_space<vmem>>)
    "tpu.region"() ({
      %run_scoped3A = tpu.sem_alloc : memref<!tpu.dma_semaphore, #tpu.memory_space<semaphore_mem>>
      %dma_start3A_43 = arith.constant 0 : i32
      %dma_start3A_44 = tpu.memref_slice %arg10[%mul3A_2, %dma_start3A_43] : memref<4096x8xf32, #tpu.memory_space<hbm>> -> memref<128x8xf32, #tpu.memory_space<hbm>>
      %dma_start3A_45 = arith.constant 0 : i32
      %dma_start3A_46 = tpu.memref_slice %arg10[%mul3A_2, %dma_start3A_45] : memref<4096x8xf32, #tpu.memory_space<hbm>> -> memref<128x8xf32, #tpu.memory_space<hbm>>
      tpu.enqueue_dma source(%arg20 : memref<128x8xf32, #tpu.memory_space<vmem>>) target(%dma_start3A_46 : memref<128x8xf32, #tpu.memory_space<hbm>>) target_semaphore(%run_scoped3A : memref<!tpu.dma_semaphore, #tpu.memory_space<semaphore_mem>>)
      %dma_wait3A_47 = arith.constant 0 : i32
      %dma_wait3A_48 = tpu.memref_slice %arg10[%mul3A_2, %dma_wait3A_47] : memref<4096x8xf32, #tpu.memory_space<hbm>> -> memref<128x8xf32, #tpu.memory_space<hbm>>
      %dma_wait3A_49 = arith.constant 0 : i32
      %dma_wait3A_50 = tpu.memref_slice %arg10[%mul3A_2, %dma_wait3A_49] : memref<4096x8xf32, #tpu.memory_space<hbm>> -> memref<128x8xf32, #tpu.memory_space<hbm>>
      tpu.wait_dma2 semaphore(%run_scoped3A : memref<!tpu.dma_semaphore, #tpu.memory_space<semaphore_mem>>) src(%arg20 : memref<128x8xf32, #tpu.memory_space<vmem>>) dst(%dma_wait3A_50 : memref<128x8xf32, #tpu.memory_space<hbm>>)
      tpu.yield
    }) : () -> ()
    "tpu.region"() ({
      %run_scoped3A = tpu.sem_alloc : memref<!tpu.dma_semaphore, #tpu.memory_space<semaphore_mem>>
      %dma_start3A_43 = arith.constant 0 : i32
      %dma_start3A_44 = tpu.memref_slice %arg11[%mul3A_2, %dma_start3A_43] : memref<4096x8xf32, #tpu.memory_space<hbm>> -> memref<128x8xf32, #tpu.memory_space<hbm>>
      %dma_start3A_45 = arith.constant 0 : i32
      %dma_start3A_46 = tpu.memref_slice %arg11[%mul3A_2, %dma_start3A_45] : memref<4096x8xf32, #tpu.memory_space<hbm>> -> memref<128x8xf32, #tpu.memory_space<hbm>>
      tpu.enqueue_dma source(%arg21 : memref<128x8xf32, #tpu.memory_space<vmem>>) target(%dma_start3A_46 : memref<128x8xf32, #tpu.memory_space<hbm>>) target_semaphore(%run_scoped3A : memref<!tpu.dma_semaphore, #tpu.memory_space<semaphore_mem>>)
      %dma_wait3A_47 = arith.constant 0 : i32
      %dma_wait3A_48 = tpu.memref_slice %arg11[%mul3A_2, %dma_wait3A_47] : memref<4096x8xf32, #tpu.memory_space<hbm>> -> memref<128x8xf32, #tpu.memory_space<hbm>>
      %dma_wait3A_49 = arith.constant 0 : i32
      %dma_wait3A_50 = tpu.memref_slice %arg11[%mul3A_2, %dma_wait3A_49] : memref<4096x8xf32, #tpu.memory_space<hbm>> -> memref<128x8xf32, #tpu.memory_space<hbm>>
      tpu.wait_dma2 semaphore(%run_scoped3A : memref<!tpu.dma_semaphore, #tpu.memory_space<semaphore_mem>>) src(%arg21 : memref<128x8xf32, #tpu.memory_space<vmem>>) dst(%dma_wait3A_50 : memref<128x8xf32, #tpu.memory_space<hbm>>)
      tpu.yield
    }) : () -> ()
    "tpu.region"() ({
      %run_scoped3A = tpu.sem_alloc : memref<!tpu.dma_semaphore, #tpu.memory_space<semaphore_mem>>
      %dma_start3A_43 = arith.constant 0 : i32
      %dma_start3A_44 = tpu.memref_slice %arg12[%mul3A_2, %dma_start3A_43] : memref<4096x8xf32, #tpu.memory_space<hbm>> -> memref<128x8xf32, #tpu.memory_space<hbm>>
      %dma_start3A_45 = arith.constant 0 : i32
      %dma_start3A_46 = tpu.memref_slice %arg12[%mul3A_2, %dma_start3A_45] : memref<4096x8xf32, #tpu.memory_space<hbm>> -> memref<128x8xf32, #tpu.memory_space<hbm>>
      tpu.enqueue_dma source(%arg22 : memref<128x8xf32, #tpu.memory_space<vmem>>) target(%dma_start3A_46 : memref<128x8xf32, #tpu.memory_space<hbm>>) target_semaphore(%run_scoped3A : memref<!tpu.dma_semaphore, #tpu.memory_space<semaphore_mem>>)
      %dma_wait3A_47 = arith.constant 0 : i32
      %dma_wait3A_48 = tpu.memref_slice %arg12[%mul3A_2, %dma_wait3A_47] : memref<4096x8xf32, #tpu.memory_space<hbm>> -> memref<128x8xf32, #tpu.memory_space<hbm>>
      %dma_wait3A_49 = arith.constant 0 : i32
      %dma_wait3A_50 = tpu.memref_slice %arg12[%mul3A_2, %dma_wait3A_49] : memref<4096x8xf32, #tpu.memory_space<hbm>> -> memref<128x8xf32, #tpu.memory_space<hbm>>
      tpu.wait_dma2 semaphore(%run_scoped3A : memref<!tpu.dma_semaphore, #tpu.memory_space<semaphore_mem>>) src(%arg22 : memref<128x8xf32, #tpu.memory_space<vmem>>) dst(%dma_wait3A_50 : memref<128x8xf32, #tpu.memory_space<hbm>>)
      tpu.yield
    }) : () -> ()
    "tpu.region"() ({
      %run_scoped3A = tpu.sem_alloc : memref<!tpu.dma_semaphore, #tpu.memory_space<semaphore_mem>>
      %dma_start3A_43 = arith.constant 0 : i32
      %dma_start3A_44 = tpu.memref_slice %arg13[%mul3A_2, %dma_start3A_43] : memref<4096x8xf32, #tpu.memory_space<hbm>> -> memref<128x8xf32, #tpu.memory_space<hbm>>
      %dma_start3A_45 = arith.constant 0 : i32
      %dma_start3A_46 = tpu.memref_slice %arg13[%mul3A_2, %dma_start3A_45] : memref<4096x8xf32, #tpu.memory_space<hbm>> -> memref<128x8xf32, #tpu.memory_space<hbm>>
      tpu.enqueue_dma source(%arg23 : memref<128x8xf32, #tpu.memory_space<vmem>>) target(%dma_start3A_46 : memref<128x8xf32, #tpu.memory_space<hbm>>) target_semaphore(%run_scoped3A : memref<!tpu.dma_semaphore, #tpu.memory_space<semaphore_mem>>)
      %dma_wait3A_47 = arith.constant 0 : i32
      %dma_wait3A_48 = tpu.memref_slice %arg13[%mul3A_2, %dma_wait3A_47] : memref<4096x8xf32, #tpu.memory_space<hbm>> -> memref<128x8xf32, #tpu.memory_space<hbm>>
      %dma_wait3A_49 = arith.constant 0 : i32
      %dma_wait3A_50 = tpu.memref_slice %arg13[%mul3A_2, %dma_wait3A_49] : memref<4096x8xf32, #tpu.memory_space<hbm>> -> memref<128x8xf32, #tpu.memory_space<hbm>>
      tpu.wait_dma2 semaphore(%run_scoped3A : memref<!tpu.dma_semaphore, #tpu.memory_space<semaphore_mem>>) src(%arg23 : memref<128x8xf32, #tpu.memory_space<vmem>>) dst(%dma_wait3A_50 : memref<128x8xf32, #tpu.memory_space<hbm>>)
      tpu.yield
    }) : () -> ()
    "tpu.region"() ({
      %run_scoped3A = tpu.sem_alloc : memref<!tpu.dma_semaphore, #tpu.memory_space<semaphore_mem>>
      %dma_start3A_43 = arith.constant 0 : i32
      %dma_start3A_44 = tpu.memref_slice %arg14[%mul3A_2, %dma_start3A_43] : memref<4096x8xf32, #tpu.memory_space<hbm>> -> memref<128x8xf32, #tpu.memory_space<hbm>>
      %dma_start3A_45 = arith.constant 0 : i32
      %dma_start3A_46 = tpu.memref_slice %arg14[%mul3A_2, %dma_start3A_45] : memref<4096x8xf32, #tpu.memory_space<hbm>> -> memref<128x8xf32, #tpu.memory_space<hbm>>
      tpu.enqueue_dma source(%arg24 : memref<128x8xf32, #tpu.memory_space<vmem>>) target(%dma_start3A_46 : memref<128x8xf32, #tpu.memory_space<hbm>>) target_semaphore(%run_scoped3A : memref<!tpu.dma_semaphore, #tpu.memory_space<semaphore_mem>>)
      %dma_wait3A_47 = arith.constant 0 : i32
      %dma_wait3A_48 = tpu.memref_slice %arg14[%mul3A_2, %dma_wait3A_47] : memref<4096x8xf32, #tpu.memory_space<hbm>> -> memref<128x8xf32, #tpu.memory_space<hbm>>
      %dma_wait3A_49 = arith.constant 0 : i32
      %dma_wait3A_50 = tpu.memref_slice %arg14[%mul3A_2, %dma_wait3A_49] : memref<4096x8xf32, #tpu.memory_space<hbm>> -> memref<128x8xf32, #tpu.memory_space<hbm>>
      tpu.wait_dma2 semaphore(%run_scoped3A : memref<!tpu.dma_semaphore, #tpu.memory_space<semaphore_mem>>) src(%arg24 : memref<128x8xf32, #tpu.memory_space<vmem>>) dst(%dma_wait3A_50 : memref<128x8xf32, #tpu.memory_space<hbm>>)
      tpu.yield
    }) : () -> ()
    "tpu.region"() ({
      %run_scoped3A = tpu.sem_alloc : memref<!tpu.dma_semaphore, #tpu.memory_space<semaphore_mem>>
      %dma_start3A_43 = arith.constant 0 : i32
      %dma_start3A_44 = tpu.memref_slice %arg15[%mul3A_2, %dma_start3A_43] : memref<4096x8xf32, #tpu.memory_space<hbm>> -> memref<128x8xf32, #tpu.memory_space<hbm>>
      %dma_start3A_45 = arith.constant 0 : i32
      %dma_start3A_46 = tpu.memref_slice %arg15[%mul3A_2, %dma_start3A_45] : memref<4096x8xf32, #tpu.memory_space<hbm>> -> memref<128x8xf32, #tpu.memory_space<hbm>>
      tpu.enqueue_dma source(%arg25 : memref<128x8xf32, #tpu.memory_space<vmem>>) target(%dma_start3A_46 : memref<128x8xf32, #tpu.memory_space<hbm>>) target_semaphore(%run_scoped3A : memref<!tpu.dma_semaphore, #tpu.memory_space<semaphore_mem>>)
      %dma_wait3A_47 = arith.constant 0 : i32
      %dma_wait3A_48 = tpu.memref_slice %arg15[%mul3A_2, %dma_wait3A_47] : memref<4096x8xf32, #tpu.memory_space<hbm>> -> memref<128x8xf32, #tpu.memory_space<hbm>>
      %dma_wait3A_49 = arith.constant 0 : i32
      %dma_wait3A_50 = tpu.memref_slice %arg15[%mul3A_2, %dma_wait3A_49] : memref<4096x8xf32, #tpu.memory_space<hbm>> -> memref<128x8xf32, #tpu.memory_space<hbm>>
      tpu.wait_dma2 semaphore(%run_scoped3A : memref<!tpu.dma_semaphore, #tpu.memory_space<semaphore_mem>>) src(%arg25 : memref<128x8xf32, #tpu.memory_space<vmem>>) dst(%dma_wait3A_50 : memref<128x8xf32, #tpu.memory_space<hbm>>)
      tpu.yield
    }) : () -> ()
    return
  }
}

module attributes {stable_mosaic.version = 14 : i64} {
  func.func @_rowmath_body(%arg0: memref<4096x64xf32, #tpu.memory_space<vmem>>, %arg1: memref<4096x64xf32, #tpu.memory_space<vmem>>, %arg2: memref<4096x64xf32, #tpu.memory_space<vmem>>, %arg3: memref<4096x64xf32, #tpu.memory_space<vmem>>, %arg4: memref<4096x8xf32, #tpu.memory_space<vmem>>, %arg5: memref<4096x8xf32, #tpu.memory_space<vmem>>, %arg6: memref<4096x8xf32, #tpu.memory_space<vmem>>, %arg7: memref<4096x8xf32, #tpu.memory_space<vmem>>, %arg8: memref<4096x8xf32, #tpu.memory_space<vmem>>, %arg9: memref<4096x8xf32, #tpu.memory_space<vmem>>, %arg10: memref<4096x1xi32, #tpu.memory_space<vmem>>, %arg11: memref<4096x1xi32, #tpu.memory_space<vmem>>, %arg12: memref<4096x1xf32, #tpu.memory_space<vmem>>, %arg13: memref<4096x1xf32, #tpu.memory_space<vmem>>, %arg14: memref<4096x1xf32, #tpu.memory_space<vmem>>, %arg15: memref<4096x1xf32, #tpu.memory_space<vmem>>, %arg16: memref<4096x1xf32, #tpu.memory_space<vmem>>, %arg17: memref<4096x1xf32, #tpu.memory_space<vmem>>, %arg18: memref<4096x1xf32, #tpu.memory_space<vmem>>) attributes {dimension_semantics = [], scalar_prefetch = 0 : i64, scratch_operands = 0 : i64, tpu.core_type = #tpu.core_type<tc>} {
    %get3A = arith.constant 0 : index
    %get3A_0 = arith.constant 0 : index
    %get3A_1 = vector.load %arg12[%get3A, %get3A_0] : memref<4096x1xf32, #tpu.memory_space<vmem>>, vector<4096x1xf32>
    %get3A_2 = arith.constant 0 : index
    %get3A_3 = arith.constant 0 : index
    %get3A_4 = vector.load %arg10[%get3A_2, %get3A_3] : memref<4096x1xi32, #tpu.memory_space<vmem>>, vector<4096x1xi32>
    %and3A = arith.constant 7 : i32
    %and3A_5 = vector.broadcast %and3A : i32 to vector<4096x1xi32>
    %and3A_6 = arith.andi %get3A_4, %and3A_5 : vector<4096x1xi32>
    %get3A_7 = arith.constant 0 : index
    %get3A_8 = arith.constant 0 : index
    %get3A_9 = vector.load %arg11[%get3A_7, %get3A_8] : memref<4096x1xi32, #tpu.memory_space<vmem>>, vector<4096x1xi32>
    %and3A_10 = arith.constant 7 : i32
    %and3A_11 = vector.broadcast %and3A_10 : i32 to vector<4096x1xi32>
    %and3A_12 = arith.andi %get3A_9, %and3A_11 : vector<4096x1xi32>
    %get3A_13 = arith.constant 0 : index
    %get3A_14 = arith.constant 0 : index
    %get3A_15 = vector.load %arg6[%get3A_13, %get3A_14] : memref<4096x8xf32, #tpu.memory_space<vmem>>, vector<4096x8xf32>
    %iota3A = tpu.iota {dimensions = array<i32: 1>} : vector<1x8xi32>
    %eq3A = vector.broadcast %iota3A : vector<1x8xi32> to vector<4096x8xi32>
    %eq3A_16 = vector.broadcast %and3A_6 : vector<4096x1xi32> to vector<4096x8xi32>
    %eq3A_17 = arith.cmpi eq, %eq3A, %eq3A_16 : vector<4096x8xi32>
    %jit3A = arith.constant 0.000000e+00 : f32
    %broadcast_in_dim3A = vector.broadcast %jit3A : f32 to vector<4096x8xf32>
    %select_n3A = arith.select %eq3A_17, %get3A_15, %broadcast_in_dim3A : vector<4096x8xi1>, vector<4096x8xf32>
    %reduce_sum3A = arith.constant dense<0.000000e+00> : vector<4096xf32>
    %reduce_sum3A_18 = vector.multi_reduction <add>, %select_n3A, %reduce_sum3A [1] : vector<4096x8xf32> to vector<4096xf32>
    %broadcast_in_dim3A_19 = vector.shape_cast %reduce_sum3A_18 : vector<4096xf32> to vector<4096x1xf32>
    %get3A_20 = arith.constant 0 : index
    %get3A_21 = arith.constant 0 : index
    %get3A_22 = vector.load %arg7[%get3A_20, %get3A_21] : memref<4096x8xf32, #tpu.memory_space<vmem>>, vector<4096x8xf32>
    %iota3A_23 = tpu.iota {dimensions = array<i32: 1>} : vector<1x8xi32>
    %eq3A_24 = vector.broadcast %iota3A_23 : vector<1x8xi32> to vector<4096x8xi32>
    %eq3A_25 = vector.broadcast %and3A_12 : vector<4096x1xi32> to vector<4096x8xi32>
    %eq3A_26 = arith.cmpi eq, %eq3A_24, %eq3A_25 : vector<4096x8xi32>
    %jit3A_27 = arith.constant 0.000000e+00 : f32
    %broadcast_in_dim3A_28 = vector.broadcast %jit3A_27 : f32 to vector<4096x8xf32>
    %select_n3A_29 = arith.select %eq3A_26, %get3A_22, %broadcast_in_dim3A_28 : vector<4096x8xi1>, vector<4096x8xf32>
    %reduce_sum3A_30 = arith.constant dense<0.000000e+00> : vector<4096xf32>
    %reduce_sum3A_31 = vector.multi_reduction <add>, %select_n3A_29, %reduce_sum3A_30 [1] : vector<4096x8xf32> to vector<4096xf32>
    %broadcast_in_dim3A_32 = vector.shape_cast %reduce_sum3A_31 : vector<4096xf32> to vector<4096x1xf32>
    %add3A = arith.addf %broadcast_in_dim3A_19, %broadcast_in_dim3A_32 : vector<4096x1xf32>
    %sub3A = arith.subf %add3A, %get3A_1 : vector<4096x1xf32>
    %get3A_33 = arith.constant 0 : index
    %get3A_34 = arith.constant 0 : index
    %get3A_35 = vector.load %arg8[%get3A_33, %get3A_34] : memref<4096x8xf32, #tpu.memory_space<vmem>>, vector<4096x8xf32>
    %iota3A_36 = tpu.iota {dimensions = array<i32: 1>} : vector<1x8xi32>
    %eq3A_37 = vector.broadcast %iota3A_36 : vector<1x8xi32> to vector<4096x8xi32>
    %eq3A_38 = vector.broadcast %and3A_6 : vector<4096x1xi32> to vector<4096x8xi32>
    %eq3A_39 = arith.cmpi eq, %eq3A_37, %eq3A_38 : vector<4096x8xi32>
    %jit3A_40 = arith.constant 0.000000e+00 : f32
    %broadcast_in_dim3A_41 = vector.broadcast %jit3A_40 : f32 to vector<4096x8xf32>
    %select_n3A_42 = arith.select %eq3A_39, %get3A_35, %broadcast_in_dim3A_41 : vector<4096x8xi1>, vector<4096x8xf32>
    %reduce_sum3A_43 = arith.constant dense<0.000000e+00> : vector<4096xf32>
    %reduce_sum3A_44 = vector.multi_reduction <add>, %select_n3A_42, %reduce_sum3A_43 [1] : vector<4096x8xf32> to vector<4096xf32>
    %broadcast_in_dim3A_45 = vector.shape_cast %reduce_sum3A_44 : vector<4096xf32> to vector<4096x1xf32>
    %get3A_46 = arith.constant 0 : index
    %get3A_47 = arith.constant 0 : index
    %get3A_48 = vector.load %arg9[%get3A_46, %get3A_47] : memref<4096x8xf32, #tpu.memory_space<vmem>>, vector<4096x8xf32>
    %iota3A_49 = tpu.iota {dimensions = array<i32: 1>} : vector<1x8xi32>
    %eq3A_50 = vector.broadcast %iota3A_49 : vector<1x8xi32> to vector<4096x8xi32>
    %eq3A_51 = vector.broadcast %and3A_12 : vector<4096x1xi32> to vector<4096x8xi32>
    %eq3A_52 = arith.cmpi eq, %eq3A_50, %eq3A_51 : vector<4096x8xi32>
    %jit3A_53 = arith.constant 0.000000e+00 : f32
    %broadcast_in_dim3A_54 = vector.broadcast %jit3A_53 : f32 to vector<4096x8xf32>
    %select_n3A_55 = arith.select %eq3A_52, %get3A_48, %broadcast_in_dim3A_54 : vector<4096x8xi1>, vector<4096x8xf32>
    %reduce_sum3A_56 = arith.constant dense<0.000000e+00> : vector<4096xf32>
    %reduce_sum3A_57 = vector.multi_reduction <add>, %select_n3A_55, %reduce_sum3A_56 [1] : vector<4096x8xf32> to vector<4096xf32>
    %broadcast_in_dim3A_58 = vector.shape_cast %reduce_sum3A_57 : vector<4096xf32> to vector<4096x1xf32>
    %add3A_59 = arith.addf %broadcast_in_dim3A_45, %broadcast_in_dim3A_58 : vector<4096x1xf32>
    %sub3A_60 = arith.subf %add3A_59, %get3A_1 : vector<4096x1xf32>
    %get3A_61 = arith.constant 0 : index
    %get3A_62 = arith.constant 0 : index
    %get3A_63 = vector.load %arg4[%get3A_61, %get3A_62] : memref<4096x8xf32, #tpu.memory_space<vmem>>, vector<4096x8xf32>
    %iota3A_64 = tpu.iota {dimensions = array<i32: 1>} : vector<1x8xi32>
    %eq3A_65 = vector.broadcast %iota3A_64 : vector<1x8xi32> to vector<4096x8xi32>
    %eq3A_66 = vector.broadcast %and3A_6 : vector<4096x1xi32> to vector<4096x8xi32>
    %eq3A_67 = arith.cmpi eq, %eq3A_65, %eq3A_66 : vector<4096x8xi32>
    %jit3A_68 = arith.constant 0.000000e+00 : f32
    %broadcast_in_dim3A_69 = vector.broadcast %jit3A_68 : f32 to vector<4096x8xf32>
    %select_n3A_70 = arith.select %eq3A_67, %get3A_63, %broadcast_in_dim3A_69 : vector<4096x8xi1>, vector<4096x8xf32>
    %reduce_sum3A_71 = arith.constant dense<0.000000e+00> : vector<4096xf32>
    %reduce_sum3A_72 = vector.multi_reduction <add>, %select_n3A_70, %reduce_sum3A_71 [1] : vector<4096x8xf32> to vector<4096xf32>
    %broadcast_in_dim3A_73 = vector.shape_cast %reduce_sum3A_72 : vector<4096xf32> to vector<4096x1xf32>
    %get3A_74 = arith.constant 0 : index
    %get3A_75 = arith.constant 0 : index
    %get3A_76 = vector.load %arg5[%get3A_74, %get3A_75] : memref<4096x8xf32, #tpu.memory_space<vmem>>, vector<4096x8xf32>
    %iota3A_77 = tpu.iota {dimensions = array<i32: 1>} : vector<1x8xi32>
    %eq3A_78 = vector.broadcast %iota3A_77 : vector<1x8xi32> to vector<4096x8xi32>
    %eq3A_79 = vector.broadcast %and3A_12 : vector<4096x1xi32> to vector<4096x8xi32>
    %eq3A_80 = arith.cmpi eq, %eq3A_78, %eq3A_79 : vector<4096x8xi32>
    %jit3A_81 = arith.constant 0.000000e+00 : f32
    %broadcast_in_dim3A_82 = vector.broadcast %jit3A_81 : f32 to vector<4096x8xf32>
    %select_n3A_83 = arith.select %eq3A_80, %get3A_76, %broadcast_in_dim3A_82 : vector<4096x8xi1>, vector<4096x8xf32>
    %reduce_sum3A_84 = arith.constant dense<0.000000e+00> : vector<4096xf32>
    %reduce_sum3A_85 = vector.multi_reduction <add>, %select_n3A_83, %reduce_sum3A_84 [1] : vector<4096x8xf32> to vector<4096xf32>
    %broadcast_in_dim3A_86 = vector.shape_cast %reduce_sum3A_85 : vector<4096xf32> to vector<4096x1xf32>
    %add3A_87 = arith.addf %broadcast_in_dim3A_73, %broadcast_in_dim3A_86 : vector<4096x1xf32>
    %sub3A_88 = arith.subf %add3A_87, %get3A_1 : vector<4096x1xf32>
    %sub3A_89 = arith.constant 1.000000e+00 : f32
    %sub3A_90 = vector.broadcast %sub3A_89 : f32 to vector<4096x1xf32>
    %sub3A_91 = arith.subf %sub3A_88, %sub3A_90 : vector<4096x1xf32>
    %integer_pow3A = arith.mulf %sub3A_91, %sub3A_91 : vector<4096x1xf32>
    %mul3A = arith.constant 5.000000e-01 : f32
    %mul3A_92 = vector.broadcast %mul3A : f32 to vector<4096x1xf32>
    %mul3A_93 = arith.mulf %mul3A_92, %integer_pow3A : vector<4096x1xf32>
    %mul3A_94 = arith.mulf %sub3A, %sub3A : vector<4096x1xf32>
    %mul3A_95 = arith.mulf %sub3A_60, %sub3A_60 : vector<4096x1xf32>
    %add3A_96 = arith.addf %mul3A_94, %mul3A_95 : vector<4096x1xf32>
    %mul3A_97 = arith.constant 2.500000e-01 : f32
    %mul3A_98 = vector.broadcast %mul3A_97 : f32 to vector<4096x1xf32>
    %mul3A_99 = arith.mulf %mul3A_98, %add3A_96 : vector<4096x1xf32>
    %add3A_100 = arith.addf %mul3A_93, %mul3A_99 : vector<4096x1xf32>
    %swap3A = arith.constant 0 : index
    %swap3A_101 = arith.constant 0 : index
    %swap3A_102 = vector.load %arg13[%swap3A, %swap3A_101] : memref<4096x1xf32, #tpu.memory_space<vmem>>, vector<4096x1xf32>
    tpu.vector_store %arg13[%swap3A, %swap3A_101], %add3A_100 {strides = array<i32>} : memref<4096x1xf32, #tpu.memory_space<vmem>>, vector<4096x1xf32>,
    %mul3A_103 = arith.constant -5.000000e-01 : f32
    %mul3A_104 = vector.broadcast %mul3A_103 : f32 to vector<4096x1xf32>
    %mul3A_105 = arith.mulf %mul3A_104, %sub3A : vector<4096x1xf32>
    %swap3A_106 = arith.constant 0 : index
    %swap3A_107 = arith.constant 0 : index
    %swap3A_108 = vector.load %arg14[%swap3A_106, %swap3A_107] : memref<4096x1xf32, #tpu.memory_space<vmem>>, vector<4096x1xf32>
    tpu.vector_store %arg14[%swap3A_106, %swap3A_107], %mul3A_105 {strides = array<i32>} : memref<4096x1xf32, #tpu.memory_space<vmem>>, vector<4096x1xf32>,
    %mul3A_109 = arith.constant -5.000000e-01 : f32
    %mul3A_110 = vector.broadcast %mul3A_109 : f32 to vector<4096x1xf32>
    %mul3A_111 = arith.mulf %mul3A_110, %sub3A_60 : vector<4096x1xf32>
    %swap3A_112 = arith.constant 0 : index
    %swap3A_113 = arith.constant 0 : index
    %swap3A_114 = vector.load %arg15[%swap3A_112, %swap3A_113] : memref<4096x1xf32, #tpu.memory_space<vmem>>, vector<4096x1xf32>
    tpu.vector_store %arg15[%swap3A_112, %swap3A_113], %mul3A_111 {strides = array<i32>} : memref<4096x1xf32, #tpu.memory_space<vmem>>, vector<4096x1xf32>,
    %get3A_115 = arith.constant 0 : index
    %get3A_116 = arith.constant 0 : index
    %get3A_117 = vector.load %arg0[%get3A_115, %get3A_116] : memref<4096x64xf32, #tpu.memory_space<vmem>>, vector<4096x64xf32>
    %get3A_118 = arith.constant 0 : index
    %get3A_119 = arith.constant 0 : index
    %get3A_120 = vector.load %arg1[%get3A_118, %get3A_119] : memref<4096x64xf32, #tpu.memory_space<vmem>>, vector<4096x64xf32>
    %mul3A_121 = arith.mulf %get3A_117, %get3A_117 : vector<4096x64xf32>
    %reduce_sum3A_122 = arith.constant dense<0.000000e+00> : vector<4096xf32>
    %reduce_sum3A_123 = vector.multi_reduction <add>, %mul3A_121, %reduce_sum3A_122 [1] : vector<4096x64xf32> to vector<4096xf32>
    %broadcast_in_dim3A_124 = vector.shape_cast %reduce_sum3A_123 : vector<4096xf32> to vector<4096x1xf32>
    %sqrt3A = math.sqrt %broadcast_in_dim3A_124 : vector<4096x1xf32>
    %div3A = vector.broadcast %sqrt3A : vector<4096x1xf32> to vector<4096x64xf32>
    %div3A_125 = arith.divf %get3A_117, %div3A : vector<4096x64xf32>
    %mul3A_126 = arith.mulf %get3A_120, %get3A_120 : vector<4096x64xf32>
    %reduce_sum3A_127 = arith.constant dense<0.000000e+00> : vector<4096xf32>
    %reduce_sum3A_128 = vector.multi_reduction <add>, %mul3A_126, %reduce_sum3A_127 [1] : vector<4096x64xf32> to vector<4096xf32>
    %broadcast_in_dim3A_129 = vector.shape_cast %reduce_sum3A_128 : vector<4096xf32> to vector<4096x1xf32>
    %sqrt3A_130 = math.sqrt %broadcast_in_dim3A_129 : vector<4096x1xf32>
    %div3A_131 = vector.broadcast %sqrt3A_130 : vector<4096x1xf32> to vector<4096x64xf32>
    %div3A_132 = arith.divf %get3A_120, %div3A_131 : vector<4096x64xf32>
    %mul3A_133 = arith.mulf %div3A_125, %div3A_125 : vector<4096x64xf32>
    %reduce_sum3A_134 = arith.constant dense<0.000000e+00> : vector<4096xf32>
    %reduce_sum3A_135 = vector.multi_reduction <add>, %mul3A_133, %reduce_sum3A_134 [1] : vector<4096x64xf32> to vector<4096xf32>
    %broadcast_in_dim3A_136 = vector.shape_cast %reduce_sum3A_135 : vector<4096xf32> to vector<4096x1xf32>
    %mul3A_137 = arith.mulf %div3A_132, %div3A_132 : vector<4096x64xf32>
    %reduce_sum3A_138 = arith.constant dense<0.000000e+00> : vector<4096xf32>
    %reduce_sum3A_139 = vector.multi_reduction <add>, %mul3A_137, %reduce_sum3A_138 [1] : vector<4096x64xf32> to vector<4096xf32>
    %broadcast_in_dim3A_140 = vector.shape_cast %reduce_sum3A_139 : vector<4096xf32> to vector<4096x1xf32>
    %mul3A_141 = arith.mulf %div3A_125, %div3A_132 : vector<4096x64xf32>
    %reduce_sum3A_142 = arith.constant dense<0.000000e+00> : vector<4096xf32>
    %reduce_sum3A_143 = vector.multi_reduction <add>, %mul3A_141, %reduce_sum3A_142 [1] : vector<4096x64xf32> to vector<4096xf32>
    %broadcast_in_dim3A_144 = vector.shape_cast %reduce_sum3A_143 : vector<4096xf32> to vector<4096x1xf32>
    %mul3A_145 = arith.constant -5.000000e-01 : f32
    %mul3A_146 = vector.broadcast %mul3A_145 : f32 to vector<4096x1xf32>
    %mul3A_147 = arith.mulf %mul3A_146, %broadcast_in_dim3A_136 : vector<4096x1xf32>
    %add3A_148 = arith.constant 1.000000e+00 : f32
    %add3A_149 = vector.broadcast %add3A_148 : f32 to vector<4096x1xf32>
    %add3A_150 = arith.addf %add3A_149, %mul3A_147 : vector<4096x1xf32>
    %mul3A_151 = vector.broadcast %add3A_150 : vector<4096x1xf32> to vector<4096x64xf32>
    %mul3A_152 = arith.mulf %mul3A_151, %div3A_132 : vector<4096x64xf32>
    %mul3A_153 = arith.constant -1.000000e+00 : f32
    %mul3A_154 = vector.broadcast %mul3A_153 : f32 to vector<4096x1xf32>
    %mul3A_155 = arith.mulf %mul3A_154, %broadcast_in_dim3A_144 : vector<4096x1xf32>
    %add3A_156 = arith.constant 1.000000e+00 : f32
    %add3A_157 = vector.broadcast %add3A_156 : f32 to vector<4096x1xf32>
    %add3A_158 = arith.addf %add3A_157, %mul3A_155 : vector<4096x1xf32>
    %mul3A_159 = arith.constant -5.000000e-01 : f32
    %mul3A_160 = vector.broadcast %mul3A_159 : f32 to vector<4096x1xf32>
    %mul3A_161 = arith.mulf %mul3A_160, %broadcast_in_dim3A_140 : vector<4096x1xf32>
    %sub3A_162 = arith.subf %add3A_158, %mul3A_161 : vector<4096x1xf32>
    %mul3A_163 = vector.broadcast %sub3A_162 : vector<4096x1xf32> to vector<4096x64xf32>
    %mul3A_164 = arith.mulf %mul3A_163, %div3A_125 : vector<4096x64xf32>
    %sub3A_165 = arith.subf %mul3A_152, %mul3A_164 : vector<4096x64xf32>
    %mul3A_166 = arith.constant -1.000000e+00 : f32
    %mul3A_167 = vector.broadcast %mul3A_166 : f32 to vector<4096x1xf32>
    %mul3A_168 = arith.mulf %mul3A_167, %broadcast_in_dim3A_144 : vector<4096x1xf32>
    %add3A_169 = arith.constant 1.000000e+00 : f32
    %add3A_170 = vector.broadcast %add3A_169 : f32 to vector<4096x1xf32>
    %add3A_171 = arith.addf %add3A_170, %mul3A_168 : vector<4096x1xf32>
    %mul3A_172 = arith.constant 2.500000e-01 : f32
    %mul3A_173 = vector.broadcast %mul3A_172 : f32 to vector<4096x1xf32>
    %mul3A_174 = arith.mulf %mul3A_173, %broadcast_in_dim3A_136 : vector<4096x1xf32>
    %mul3A_175 = arith.mulf %mul3A_174, %broadcast_in_dim3A_140 : vector<4096x1xf32>
    %add3A_176 = arith.addf %add3A_171, %mul3A_175 : vector<4096x1xf32>
    %max3A = arith.constant 1.000000e-15 : f32
    %max3A_177 = vector.broadcast %max3A : f32 to vector<4096x1xf32>
    %max3A_178 = arith.maximumf %add3A_176, %max3A_177 : vector<4096x1xf32>
    %div3A_179 = vector.broadcast %max3A_178 : vector<4096x1xf32> to vector<4096x64xf32>
    %div3A_180 = arith.divf %sub3A_165, %div3A_179 : vector<4096x64xf32>
    %mul3A_181 = arith.mulf %div3A_180, %div3A_180 : vector<4096x64xf32>
    %reduce_sum3A_182 = arith.constant dense<0.000000e+00> : vector<4096xf32>
    %reduce_sum3A_183 = vector.multi_reduction <add>, %mul3A_181, %reduce_sum3A_182 [1] : vector<4096x64xf32> to vector<4096xf32>
    %broadcast_in_dim3A_184 = vector.shape_cast %reduce_sum3A_183 : vector<4096xf32> to vector<4096x1xf32>
    %sqrt3A_185 = math.sqrt %broadcast_in_dim3A_184 : vector<4096x1xf32>
    %mul3A_186 = arith.constant 0.707106769 : f32
    %mul3A_187 = vector.broadcast %mul3A_186 : f32 to vector<4096x1xf32>
    %mul3A_188 = arith.mulf %mul3A_187, %sqrt3A_185 : vector<4096x1xf32>
    %jit3A_189 = arith.constant -0.999989986 : f32
    %jit3A_190 = arith.constant 0.999989986 : f32
    %max3A_191 = vector.broadcast %jit3A_189 : f32 to vector<4096x1xf32>
    %max3A_192 = arith.maximumf %max3A_191, %mul3A_188 : vector<4096x1xf32>
    %min3A = vector.broadcast %jit3A_190 : f32 to vector<4096x1xf32>
    %min3A_193 = arith.minimumf %min3A, %max3A_192 : vector<4096x1xf32>
    %add3A_194 = arith.constant 1.000000e+00 : f32
    %add3A_195 = vector.broadcast %add3A_194 : f32 to vector<4096x1xf32>
    %add3A_196 = arith.addf %add3A_195, %min3A_193 : vector<4096x1xf32>
    %sub3A_197 = arith.constant 1.000000e+00 : f32
    %sub3A_198 = vector.broadcast %sub3A_197 : f32 to vector<4096x1xf32>
    %sub3A_199 = arith.subf %sub3A_198, %min3A_193 : vector<4096x1xf32>
    %div3A_200 = arith.divf %add3A_196, %sub3A_199 : vector<4096x1xf32>
    %log3A = math.log %div3A_200 : vector<4096x1xf32>
    %div3A_201 = arith.constant 0.707106769 : f32
    %div3A_202 = vector.broadcast %div3A_201 : f32 to vector<4096x1xf32>
    %div3A_203 = arith.divf %log3A, %div3A_202 : vector<4096x1xf32>
    %exp3A = math.exp %div3A_203 : vector<4096x1xf32>
    %div3A_204 = arith.constant 1.000000e+00 : f32
    %div3A_205 = vector.broadcast %div3A_204 : f32 to vector<4096x1xf32>
    %div3A_206 = arith.divf %div3A_205, %exp3A : vector<4096x1xf32>
    %add3A_207 = arith.addf %exp3A, %div3A_206 : vector<4096x1xf32>
    %mul3A_208 = arith.constant 5.000000e-01 : f32
    %mul3A_209 = vector.broadcast %mul3A_208 : f32 to vector<4096x1xf32>
    %mul3A_210 = arith.mulf %mul3A_209, %add3A_207 : vector<4096x1xf32>
    %mul3A_211 = arith.mulf %mul3A_210, %mul3A_210 : vector<4096x1xf32>
    %mul3A_212 = arith.mulf %mul3A_211, %mul3A_211 : vector<4096x1xf32>
    %reduce_sum3A_213 = vector.shape_cast %mul3A_212 : vector<4096x1xf32> to vector<1x4096x1xf32>
    %reduce_sum3A_214 = arith.constant dense<0.000000e+00> : vector<1xf32>
    %reduce_sum3A_215 = vector.multi_reduction <add>, %reduce_sum3A_213, %reduce_sum3A_214 [1, 2] : vector<1x4096x1xf32> to vector<1xf32>
    %reduce_sum3A_216 = vector.shape_cast %reduce_sum3A_215 : vector<1xf32> to vector<1x1x1xf32>
    %reduce_sum3A_217 = vector.extract %reduce_sum3A_216[0, 0, 0] : f32 from vector<1x1x1xf32>
    %sqrt3A_218 = math.sqrt %reduce_sum3A_217 : f32
    %div3A_219 = vector.broadcast %sqrt3A_218 : f32 to vector<4096x1xf32>
    %div3A_220 = arith.divf %mul3A_211, %div3A_219 : vector<4096x1xf32>
    %swap3A_221 = arith.constant 0 : index
    %swap3A_222 = arith.constant 0 : index
    %swap3A_223 = vector.load %arg17[%swap3A_221, %swap3A_222] : memref<4096x1xf32, #tpu.memory_space<vmem>>, vector<4096x1xf32>
    tpu.vector_store %arg17[%swap3A_221, %swap3A_222], %div3A_220 {strides = array<i32>} : memref<4096x1xf32, #tpu.memory_space<vmem>>, vector<4096x1xf32>,
    %get3A_224 = arith.constant 0 : index
    %get3A_225 = arith.constant 0 : index
    %get3A_226 = vector.load %arg2[%get3A_224, %get3A_225] : memref<4096x64xf32, #tpu.memory_space<vmem>>, vector<4096x64xf32>
    %get3A_227 = arith.constant 0 : index
    %get3A_228 = arith.constant 0 : index
    %get3A_229 = vector.load %arg3[%get3A_227, %get3A_228] : memref<4096x64xf32, #tpu.memory_space<vmem>>, vector<4096x64xf32>
    %mul3A_230 = arith.mulf %get3A_226, %get3A_226 : vector<4096x64xf32>
    %reduce_sum3A_231 = arith.constant dense<0.000000e+00> : vector<4096xf32>
    %reduce_sum3A_232 = vector.multi_reduction <add>, %mul3A_230, %reduce_sum3A_231 [1] : vector<4096x64xf32> to vector<4096xf32>
    %broadcast_in_dim3A_233 = vector.shape_cast %reduce_sum3A_232 : vector<4096xf32> to vector<4096x1xf32>
    %sqrt3A_234 = math.sqrt %broadcast_in_dim3A_233 : vector<4096x1xf32>
    %div3A_235 = vector.broadcast %sqrt3A_234 : vector<4096x1xf32> to vector<4096x64xf32>
    %div3A_236 = arith.divf %get3A_226, %div3A_235 : vector<4096x64xf32>
    %mul3A_237 = arith.mulf %get3A_229, %get3A_229 : vector<4096x64xf32>
    %reduce_sum3A_238 = arith.constant dense<0.000000e+00> : vector<4096xf32>
    %reduce_sum3A_239 = vector.multi_reduction <add>, %mul3A_237, %reduce_sum3A_238 [1] : vector<4096x64xf32> to vector<4096xf32>
    %broadcast_in_dim3A_240 = vector.shape_cast %reduce_sum3A_239 : vector<4096xf32> to vector<4096x1xf32>
    %sqrt3A_241 = math.sqrt %broadcast_in_dim3A_240 : vector<4096x1xf32>
    %div3A_242 = vector.broadcast %sqrt3A_241 : vector<4096x1xf32> to vector<4096x64xf32>
    %div3A_243 = arith.divf %get3A_229, %div3A_242 : vector<4096x64xf32>
    %mul3A_244 = arith.mulf %div3A_236, %div3A_236 : vector<4096x64xf32>
    %reduce_sum3A_245 = arith.constant dense<0.000000e+00> : vector<4096xf32>
    %reduce_sum3A_246 = vector.multi_reduction <add>, %mul3A_244, %reduce_sum3A_245 [1] : vector<4096x64xf32> to vector<4096xf32>
    %broadcast_in_dim3A_247 = vector.shape_cast %reduce_sum3A_246 : vector<4096xf32> to vector<4096x1xf32>
    %mul3A_248 = arith.mulf %div3A_243, %div3A_243 : vector<4096x64xf32>
    %reduce_sum3A_249 = arith.constant dense<0.000000e+00> : vector<4096xf32>
    %reduce_sum3A_250 = vector.multi_reduction <add>, %mul3A_248, %reduce_sum3A_249 [1] : vector<4096x64xf32> to vector<4096xf32>
    %broadcast_in_dim3A_251 = vector.shape_cast %reduce_sum3A_250 : vector<4096xf32> to vector<4096x1xf32>
    %mul3A_252 = arith.mulf %div3A_236, %div3A_243 : vector<4096x64xf32>
    %reduce_sum3A_253 = arith.constant dense<0.000000e+00> : vector<4096xf32>
    %reduce_sum3A_254 = vector.multi_reduction <add>, %mul3A_252, %reduce_sum3A_253 [1] : vector<4096x64xf32> to vector<4096xf32>
    %broadcast_in_dim3A_255 = vector.shape_cast %reduce_sum3A_254 : vector<4096xf32> to vector<4096x1xf32>
    %mul3A_256 = arith.constant 5.000000e-01 : f32
    %mul3A_257 = vector.broadcast %mul3A_256 : f32 to vector<4096x1xf32>
    %mul3A_258 = arith.mulf %mul3A_257, %broadcast_in_dim3A_247 : vector<4096x1xf32>
    %add3A_259 = arith.constant 1.000000e+00 : f32
    %add3A_260 = vector.broadcast %add3A_259 : f32 to vector<4096x1xf32>
    %add3A_261 = arith.addf %add3A_260, %mul3A_258 : vector<4096x1xf32>
    %mul3A_262 = vector.broadcast %add3A_261 : vector<4096x1xf32> to vector<4096x64xf32>
    %mul3A_263 = arith.mulf %mul3A_262, %div3A_243 : vector<4096x64xf32>
    %mul3A_264 = arith.constant 1.000000e+00 : f32
    %mul3A_265 = vector.broadcast %mul3A_264 : f32 to vector<4096x1xf32>
    %mul3A_266 = arith.mulf %mul3A_265, %broadcast_in_dim3A_255 : vector<4096x1xf32>
    %add3A_267 = arith.constant 1.000000e+00 : f32
    %add3A_268 = vector.broadcast %add3A_267 : f32 to vector<4096x1xf32>
    %add3A_269 = arith.addf %add3A_268, %mul3A_266 : vector<4096x1xf32>
    %mul3A_270 = arith.constant 5.000000e-01 : f32
    %mul3A_271 = vector.broadcast %mul3A_270 : f32 to vector<4096x1xf32>
    %mul3A_272 = arith.mulf %mul3A_271, %broadcast_in_dim3A_251 : vector<4096x1xf32>
    %sub3A_273 = arith.subf %add3A_269, %mul3A_272 : vector<4096x1xf32>
    %mul3A_274 = vector.broadcast %sub3A_273 : vector<4096x1xf32> to vector<4096x64xf32>
    %mul3A_275 = arith.mulf %mul3A_274, %div3A_236 : vector<4096x64xf32>
    %sub3A_276 = arith.subf %mul3A_263, %mul3A_275 : vector<4096x64xf32>
    %mul3A_277 = arith.constant 1.000000e+00 : f32
    %mul3A_278 = vector.broadcast %mul3A_277 : f32 to vector<4096x1xf32>
    %mul3A_279 = arith.mulf %mul3A_278, %broadcast_in_dim3A_255 : vector<4096x1xf32>
    %add3A_280 = arith.constant 1.000000e+00 : f32
    %add3A_281 = vector.broadcast %add3A_280 : f32 to vector<4096x1xf32>
    %add3A_282 = arith.addf %add3A_281, %mul3A_279 : vector<4096x1xf32>
    %mul3A_283 = arith.constant 2.500000e-01 : f32
    %mul3A_284 = vector.broadcast %mul3A_283 : f32 to vector<4096x1xf32>
    %mul3A_285 = arith.mulf %mul3A_284, %broadcast_in_dim3A_247 : vector<4096x1xf32>
    %mul3A_286 = arith.mulf %mul3A_285, %broadcast_in_dim3A_251 : vector<4096x1xf32>
    %add3A_287 = arith.addf %add3A_282, %mul3A_286 : vector<4096x1xf32>
    %max3A_288 = arith.constant 1.000000e-15 : f32
    %max3A_289 = vector.broadcast %max3A_288 : f32 to vector<4096x1xf32>
    %max3A_290 = arith.maximumf %add3A_287, %max3A_289 : vector<4096x1xf32>
    %div3A_291 = vector.broadcast %max3A_290 : vector<4096x1xf32> to vector<4096x64xf32>
    %div3A_292 = arith.divf %sub3A_276, %div3A_291 : vector<4096x64xf32>
    %mul3A_293 = arith.mulf %div3A_292, %div3A_292 : vector<4096x64xf32>
    %reduce_sum3A_294 = arith.constant dense<0.000000e+00> : vector<4096xf32>
    %reduce_sum3A_295 = vector.multi_reduction <add>, %mul3A_293, %reduce_sum3A_294 [1] : vector<4096x64xf32> to vector<4096xf32>
    %broadcast_in_dim3A_296 = vector.shape_cast %reduce_sum3A_295 : vector<4096xf32> to vector<4096x1xf32>
    %sqrt3A_297 = math.sqrt %broadcast_in_dim3A_296 : vector<4096x1xf32>
    %mul3A_298 = arith.constant 0.707106769 : f32
    %mul3A_299 = vector.broadcast %mul3A_298 : f32 to vector<4096x1xf32>
    %mul3A_300 = arith.mulf %mul3A_299, %sqrt3A_297 : vector<4096x1xf32>
    %gt3A = arith.constant 1.000000e+00 : f32
    %gt3A_301 = vector.broadcast %gt3A : f32 to vector<4096x1xf32>
    %gt3A_302 = arith.cmpf ogt, %mul3A_300, %gt3A_301 : vector<4096x1xf32>
    %max3A_303 = arith.constant 1.000000e-30 : f32
    %max3A_304 = vector.broadcast %max3A_303 : f32 to vector<4096x1xf32>
    %max3A_305 = arith.maximumf %mul3A_300, %max3A_304 : vector<4096x1xf32>
    %div3A_306 = arith.constant 1.000000e+00 : f32
    %div3A_307 = vector.broadcast %div3A_306 : f32 to vector<4096x1xf32>
    %div3A_308 = arith.divf %div3A_307, %max3A_305 : vector<4096x1xf32>
    %select_n3A_309 = arith.select %gt3A_302, %div3A_308, %mul3A_300 : vector<4096x1xi1>, vector<4096x1xf32>
    %mul3A_310 = arith.mulf %select_n3A_309, %select_n3A_309 : vector<4096x1xf32>
    %add3A_311 = arith.constant 1.000000e+00 : f32
    %add3A_312 = vector.broadcast %add3A_311 : f32 to vector<4096x1xf32>
    %add3A_313 = arith.addf %add3A_312, %mul3A_310 : vector<4096x1xf32>
    %sqrt3A_314 = math.sqrt %add3A_313 : vector<4096x1xf32>
    %add3A_315 = arith.constant 1.000000e+00 : f32
    %add3A_316 = vector.broadcast %add3A_315 : f32 to vector<4096x1xf32>
    %add3A_317 = arith.addf %add3A_316, %sqrt3A_314 : vector<4096x1xf32>
    %div3A_318 = arith.divf %select_n3A_309, %add3A_317 : vector<4096x1xf32>
    %mul3A_319 = arith.mulf %div3A_318, %div3A_318 : vector<4096x1xf32>
    %add3A_320 = arith.constant 1.000000e+00 : f32
    %add3A_321 = vector.broadcast %add3A_320 : f32 to vector<4096x1xf32>
    %add3A_322 = arith.addf %add3A_321, %mul3A_319 : vector<4096x1xf32>
    %sqrt3A_323 = math.sqrt %add3A_322 : vector<4096x1xf32>
    %add3A_324 = arith.constant 1.000000e+00 : f32
    %add3A_325 = vector.broadcast %add3A_324 : f32 to vector<4096x1xf32>
    %add3A_326 = arith.addf %add3A_325, %sqrt3A_323 : vector<4096x1xf32>
    %div3A_327 = arith.divf %div3A_318, %add3A_326 : vector<4096x1xf32>
    %mul3A_328 = arith.mulf %div3A_327, %div3A_327 : vector<4096x1xf32>
    %div3A_329 = arith.constant 9.000000e+00 : f32
    %div3A_330 = vector.broadcast %div3A_329 : f32 to vector<4096x1xf32>
    %div3A_331 = arith.divf %mul3A_328, %div3A_330 : vector<4096x1xf32>
    %add3A_332 = arith.constant -0.142857149 : f32
    %add3A_333 = vector.broadcast %add3A_332 : f32 to vector<4096x1xf32>
    %add3A_334 = arith.addf %add3A_333, %div3A_331 : vector<4096x1xf32>
    %mul3A_335 = arith.mulf %mul3A_328, %add3A_334 : vector<4096x1xf32>
    %add3A_336 = arith.constant 2.000000e-01 : f32
    %add3A_337 = vector.broadcast %add3A_336 : f32 to vector<4096x1xf32>
    %add3A_338 = arith.addf %add3A_337, %mul3A_335 : vector<4096x1xf32>
    %mul3A_339 = arith.mulf %mul3A_328, %add3A_338 : vector<4096x1xf32>
    %add3A_340 = arith.constant -0.333333343 : f32
    %add3A_341 = vector.broadcast %add3A_340 : f32 to vector<4096x1xf32>
    %add3A_342 = arith.addf %add3A_341, %mul3A_339 : vector<4096x1xf32>
    %mul3A_343 = arith.mulf %mul3A_328, %add3A_342 : vector<4096x1xf32>
    %add3A_344 = arith.constant 1.000000e+00 : f32
    %add3A_345 = vector.broadcast %add3A_344 : f32 to vector<4096x1xf32>
    %add3A_346 = arith.addf %add3A_345, %mul3A_343 : vector<4096x1xf32>
    %mul3A_347 = arith.mulf %div3A_327, %add3A_346 : vector<4096x1xf32>
    %mul3A_348 = arith.constant 4.000000e+00 : f32
    %mul3A_349 = vector.broadcast %mul3A_348 : f32 to vector<4096x1xf32>
    %mul3A_350 = arith.mulf %mul3A_349, %mul3A_347 : vector<4096x1xf32>
    %sub3A_351 = arith.constant 1.57079637 : f32
    %sub3A_352 = vector.broadcast %sub3A_351 : f32 to vector<4096x1xf32>
    %sub3A_353 = arith.subf %sub3A_352, %mul3A_350 : vector<4096x1xf32>
    %select_n3A_354 = arith.select %gt3A_302, %sub3A_353, %mul3A_350 : vector<4096x1xi1>, vector<4096x1xf32>
    %mul3A_355 = arith.constant 2.000000e+00 : f32
    %mul3A_356 = vector.broadcast %mul3A_355 : f32 to vector<4096x1xf32>
    %mul3A_357 = arith.mulf %mul3A_356, %select_n3A_354 : vector<4096x1xf32>
    %div3A_358 = arith.constant 0.707106769 : f32
    %div3A_359 = vector.broadcast %div3A_358 : f32 to vector<4096x1xf32>
    %div3A_360 = arith.divf %mul3A_357, %div3A_359 : vector<4096x1xf32>
    %mul3A_361 = arith.constant 5.000000e-01 : f32
    %mul3A_362 = vector.broadcast %mul3A_361 : f32 to vector<4096x1xf32>
    %mul3A_363 = arith.mulf %mul3A_362, %div3A_360 : vector<4096x1xf32>
    %mul3A_364 = arith.mulf %mul3A_363, %div3A_360 : vector<4096x1xf32>
    %mul3A_365 = arith.mulf %mul3A_364, %mul3A_364 : vector<4096x1xf32>
    %reduce_sum3A_366 = vector.shape_cast %mul3A_365 : vector<4096x1xf32> to vector<1x4096x1xf32>
    %reduce_sum3A_367 = arith.constant dense<0.000000e+00> : vector<1xf32>
    %reduce_sum3A_368 = vector.multi_reduction <add>, %reduce_sum3A_366, %reduce_sum3A_367 [1, 2] : vector<1x4096x1xf32> to vector<1xf32>
    %reduce_sum3A_369 = vector.shape_cast %reduce_sum3A_368 : vector<1xf32> to vector<1x1x1xf32>
    %reduce_sum3A_370 = vector.extract %reduce_sum3A_369[0, 0, 0] : f32 from vector<1x1x1xf32>
    %sqrt3A_371 = math.sqrt %reduce_sum3A_370 : f32
    %div3A_372 = vector.broadcast %sqrt3A_371 : f32 to vector<4096x1xf32>
    %div3A_373 = arith.divf %mul3A_364, %div3A_372 : vector<4096x1xf32>
    %swap3A_374 = arith.constant 0 : index
    %swap3A_375 = arith.constant 0 : index
    %swap3A_376 = vector.load %arg18[%swap3A_374, %swap3A_375] : memref<4096x1xf32, #tpu.memory_space<vmem>>, vector<4096x1xf32>
    tpu.vector_store %arg18[%swap3A_374, %swap3A_375], %div3A_373 {strides = array<i32>} : memref<4096x1xf32, #tpu.memory_space<vmem>>, vector<4096x1xf32>,
    %mul3A_377 = arith.mulf %div3A_220, %div3A_220 : vector<4096x1xf32>
    %mul3A_378 = arith.mulf %div3A_373, %div3A_373 : vector<4096x1xf32>
    %add3A_379 = arith.addf %mul3A_377, %mul3A_378 : vector<4096x1xf32>
    %mul3A_380 = arith.constant 2.500000e-01 : f32
    %mul3A_381 = vector.broadcast %mul3A_380 : f32 to vector<4096x1xf32>
    %mul3A_382 = arith.mulf %mul3A_381, %add3A_379 : vector<4096x1xf32>
    %swap3A_383 = arith.constant 0 : index
    %swap3A_384 = arith.constant 0 : index
    %swap3A_385 = vector.load %arg16[%swap3A_383, %swap3A_384] : memref<4096x1xf32, #tpu.memory_space<vmem>>, vector<4096x1xf32>
    tpu.vector_store %arg16[%swap3A_383, %swap3A_384], %mul3A_382 {strides = array<i32>} : memref<4096x1xf32, #tpu.memory_space<vmem>>, vector<4096x1xf32>,
    return
  }
}

module attributes {stable_mosaic.version = 14 : i64} {
  func.func @_outer_body(%arg0: i32, %arg1: memref<512x1xf32, #tpu.memory_space<vmem>>, %arg2: memref<512x1xf32, #tpu.memory_space<vmem>>, %arg3: memref<512x1xf32, #tpu.memory_space<vmem>>, %arg4: memref<1x4096xf32, #tpu.memory_space<vmem>>, %arg5: memref<1x4096xf32, #tpu.memory_space<vmem>>, %arg6: memref<1x4096xf32, #tpu.memory_space<vmem>>, %arg7: memref<512x4096xf32, #tpu.memory_space<vmem>>) attributes {dimension_semantics = [#tpu.dimension_semantics<arbitrary>], iteration_bounds = array<i64: 8>, scalar_prefetch = 0 : i64, scratch_operands = 0 : i64, tpu.core_type = #tpu.core_type<tc>, window_params = [{transform_indices = @transform_0, window_bounds = array<i64: 512, 1>}, {transform_indices = @transform_1, window_bounds = array<i64: 512, 1>}, {transform_indices = @transform_2, window_bounds = array<i64: 512, 1>}, {pipeline_mode = #tpu.pipeline_mode<synchronous>, transform_indices = @transform_3, window_bounds = array<i64: 1, 4096>}, {pipeline_mode = #tpu.pipeline_mode<synchronous>, transform_indices = @transform_4, window_bounds = array<i64: 1, 4096>}, {pipeline_mode = #tpu.pipeline_mode<synchronous>, transform_indices = @transform_5, window_bounds = array<i64: 1, 4096>}, {transform_indices = @transform_6, window_bounds = array<i64: 512, 4096>}]} {
    %get3A = arith.constant 0 : index
    %get3A_0 = arith.constant 0 : index
    %get3A_1 = vector.load %arg1[%get3A, %get3A_0] : memref<512x1xf32, #tpu.memory_space<vmem>>, vector<512x1xf32>
    %get3A_2 = arith.constant 0 : index
    %get3A_3 = arith.constant 0 : index
    %get3A_4 = vector.load %arg4[%get3A_2, %get3A_3] : memref<1x4096xf32, #tpu.memory_space<vmem>>, vector<1x4096xf32>
    %add3A = vector.broadcast %get3A_1 : vector<512x1xf32> to vector<512x4096xf32>
    %add3A_5 = vector.broadcast %get3A_4 : vector<1x4096xf32> to vector<512x4096xf32>
    %add3A_6 = arith.addf %add3A, %add3A_5 : vector<512x4096xf32>
    %get3A_7 = arith.constant 0 : index
    %get3A_8 = arith.constant 0 : index
    %get3A_9 = vector.load %arg2[%get3A_7, %get3A_8] : memref<512x1xf32, #tpu.memory_space<vmem>>, vector<512x1xf32>
    %get3A_10 = arith.constant 0 : index
    %get3A_11 = arith.constant 0 : index
    %get3A_12 = vector.load %arg5[%get3A_10, %get3A_11] : memref<1x4096xf32, #tpu.memory_space<vmem>>, vector<1x4096xf32>
    %mul3A = vector.broadcast %get3A_9 : vector<512x1xf32> to vector<512x4096xf32>
    %mul3A_13 = vector.broadcast %get3A_12 : vector<1x4096xf32> to vector<512x4096xf32>
    %mul3A_14 = arith.mulf %mul3A, %mul3A_13 : vector<512x4096xf32>
    %add3A_15 = arith.addf %add3A_6, %mul3A_14 : vector<512x4096xf32>
    %get3A_16 = arith.constant 0 : index
    %get3A_17 = arith.constant 0 : index
    %get3A_18 = vector.load %arg3[%get3A_16, %get3A_17] : memref<512x1xf32, #tpu.memory_space<vmem>>, vector<512x1xf32>
    %get3A_19 = arith.constant 0 : index
    %get3A_20 = arith.constant 0 : index
    %get3A_21 = vector.load %arg6[%get3A_19, %get3A_20] : memref<1x4096xf32, #tpu.memory_space<vmem>>, vector<1x4096xf32>
    %mul3A_22 = vector.broadcast %get3A_18 : vector<512x1xf32> to vector<512x4096xf32>
    %mul3A_23 = vector.broadcast %get3A_21 : vector<1x4096xf32> to vector<512x4096xf32>
    %mul3A_24 = arith.mulf %mul3A_22, %mul3A_23 : vector<512x4096xf32>
    %add3A_25 = arith.addf %add3A_15, %mul3A_24 : vector<512x4096xf32>
    %swap3A = arith.constant 0 : index
    %swap3A_26 = arith.constant 0 : index
    %swap3A_27 = vector.load %arg7[%swap3A, %swap3A_26] : memref<512x4096xf32, #tpu.memory_space<vmem>>, vector<512x4096xf32>
    tpu.vector_store %arg7[%swap3A, %swap3A_26], %add3A_25 {strides = array<i32>} : memref<512x4096xf32, #tpu.memory_space<vmem>>, vector<512x4096xf32>,
    return
  }
  func.func @transform_0(%arg0: i32) -> (i32, i32) {
    %c0_i32 = arith.constant 0 : i32
    %c0_i32_0 = arith.constant 0 : i32
    return %arg0, %c0_i32 : i32, i32
  }
  func.func @transform_1(%arg0: i32) -> (i32, i32) {
    %c0_i32 = arith.constant 0 : i32
    %c0_i32_0 = arith.constant 0 : i32
    return %arg0, %c0_i32 : i32, i32
  }
  func.func @transform_2(%arg0: i32) -> (i32, i32) {
    %c0_i32 = arith.constant 0 : i32
    %c0_i32_0 = arith.constant 0 : i32
    return %arg0, %c0_i32 : i32, i32
  }
  func.func @transform_3(%arg0: i32) -> (i32, i32) {
    %c0_i32 = arith.constant 0 : i32
    %c0_i32_0 = arith.constant 0 : i32
    %c0_i32_1 = arith.constant 0 : i32
    return %c0_i32, %c0_i32_0 : i32, i32
  }
  func.func @transform_4(%arg0: i32) -> (i32, i32) {
    %c0_i32 = arith.constant 0 : i32
    %c0_i32_0 = arith.constant 0 : i32
    %c0_i32_1 = arith.constant 0 : i32
    return %c0_i32, %c0_i32_0 : i32, i32
  }
  func.func @transform_5(%arg0: i32) -> (i32, i32) {
    %c0_i32 = arith.constant 0 : i32
    %c0_i32_0 = arith.constant 0 : i32
    %c0_i32_1 = arith.constant 0 : i32
    return %c0_i32, %c0_i32_0 : i32, i32
  }
  func.func @transform_6(%arg0: i32) -> (i32, i32) {
    %c0_i32 = arith.constant 0 : i32
    %c0_i32_0 = arith.constant 0 : i32
    return %arg0, %c0_i32 : i32, i32
  }
}

</mosaic_0001>

<sc_bundles>
// kernel: kernel.6.cloned.1.call-start
scs
__scs_entry_jumppad:
0x0: {  	(pc) =	sbr.rel $0x88, $3  }
0x1: {  	(tag) =	ssettag $0x0;
	lr =	simm.s32 $0x1  }
0x2: {  	[smem:$0x3F94] =	sst lr;
	_ =	strace $0xD0000000  }
0x3: {  	_ = 	snop  }
0x4: {  	_ = 	snop  }
0x5: {  	_ = 	snop  }
0x6: {  	_ = 	snop  }
0x7: {  	_ = 	snop  }
__scs_overlays_trampoline_lowered:
0x8: {  	[smem:$0x3FA3] =	sst s0  }
0x9: {  	[smem:$0x3FA4] =	sst s1  }
0xa: {  	[smem:$0x3FA5] =	sst s2  }
0xb: {  	[smem:$0x3FA6] =	sst s3  }
0xc: {  	[smem:$0x3FA7] =	sst s4  }
0xd: {  	[smem:$0x3FA8] =	sst s5  }
0xe: {  	[smem:$0x3FA9] =	sst s6  }
0xf: {  	[smem:$0x3FAA] =	sst s7  }
0x10: {  	[smem:$0x3FAB] =	sst s8  }
0x11: {  	[smem:$0x3FAC] =	sst s9;
	s0 =	simm.s32 @!p0 $0x0  }
0x12: {  	s1 =	sld [smem:$0x3F92];
	s0 =	simm.s32 @p0 $0x1  }
0x13: {  	[smem:$0x3FAD] =	sst s0;
	s0 =	simm.s32 @!p1 $0x0  }
0x14: {  	s2 =	sld [smem:$0x3F91];
	s0 =	simm.s32 @p1 $0x1  }
0x15: {  	[smem:$0x3FAE] =	sst s0;
	s0 =	simm.s32 @!p2 $0x0  }
0x16: {  	s3 =	sld [smem:$0x3FDB];
	s0 =	simm.s32 @p2 $0x1  }
0x17: {  	s4 =	simm.s32 $0x1BF5;
	[smem:$0x3FB0] =	sst s0  }
0x18: {  	s0 =	sld [smem:$0x3F93];
	_ =	swait.ge [sflag:s4], $0x0  }
0x19: {  	s7 =	sld [smem:$0x3F94]  }
0x1a: {  	s8 =	sadd.s32 $0xFFFFE003, lr  }
0x1b: {  	s9 =	sadd.s32 $0xFFFFFEF7, lr;
	s5 =	simm.s32 $0xFFFFFFFF;
	p2 =	slt.u32 s8, $0xFFFFF086  }
0x1c: {  	p1 =	slt.u32 s9, $0xF7A;
	s5 =	simm.s32 @!p2 $0x0  }
0x1d: {  	s5 =	simm.s32 @p1 $0x1;
	p0 =	seq.s32 s7, s2  }
0x1e: {  	s7 =	smul.u32 @!p0 $0xF7A, s2;
	p2 =	seq.s32 @!p0 s5, $0x0  }
0x1f: {  	s9 =	smul.u32 $0xF7A, s1;
	s8 =	simm.s32 @!p0 $0x1BF5;
	p2 =	por !p2, p0  }
0x20: {  	[sflag:s8] =	ssyncset.s32 @!p0 $0xFFFFF086;
	s6 =	sadd.s32 @!p0 s3, s7;
	s7 =	simm.s32 @!p0 $0x108  }
0x21: {  	s3 =	sadd.s32 s3, s9;
	s6 =	sadd.s32 @!p0 $0x88, s6;
	s7 =	simm.s32 @p2 $0x1082  }
0x22: {  	[simem:s7], [sflag:s8] =	dma.local @!p0 [hbm:s6], $0xF7A  }
0x23: {  	s9 =	sor.u32 $0xD0000000, s2;
	s6 =	simm.s32 $0x108;
	_ =	swait.ge @!p0 [sflag:s8], $0x0  }
0x24: {  	s3 =	sadd.s32 $0x88, s3;
	s6 =	simm.s32 @!p1 $0x1082;
	[sflag:s4] =	ssyncset.s32 $0xFFFFF086  }
0x25: {  	[simem:s6], [sflag:s4] =	dma.local [hbm:s3], $0xF7A  }
0x26: {  	[smem:$0x3F94] =	sst s1;
	(tag) =	ssettag s2;
	_ =	strace s9  }
0x27: {  	s1 =	sld [smem:$0x3FA4]  }
0x28: {  	s2 =	sld [smem:$0x3FA5]  }
0x29: {  	s4 =	sld [smem:$0x3FA7]  }
0x2a: {  	p0 =	seq.s32 s5, $0x0;
	s5 =	sld [smem:$0x3FA8]  }
0x2b: {  	s6 =	sld [smem:$0x3FA9]  }
0x2c: {  	s7 =	sld [smem:$0x3FAA]  }
0x2d: {  	s3 =	simm.s32 $0x108;
	s8 =	sld [smem:$0x3FAB]  }
0x2e: {  	s3 =	simm.s32 @!p0 $0x1082;
	s9 =	sld [smem:$0x3FAC]  }
0x2f: {  	lr =	sadd.s32 s0, s3;
	s0 =	sld [smem:$0x3FA3]  }
0x30: {  	s3 =	sld [smem:$0x3FA6]  }
0x31: {  	[smem:$0x3FAF] =	sst s10  }
0x32: {  	s10 =	sld [smem:$0x3FAD];
	_ =	sdelay $0x3  }
0x33: {  	p0 =	seq.s32 s10, $0x1;
	s10 =	sld [smem:$0x3FAF];
	_ =	sdelay $0x3  }
0x34: {  	[smem:$0x3FAF] =	sst s10  }
0x35: {  	s10 =	sld [smem:$0x3FAE];
	_ =	sdelay $0x3  }
0x36: {  	p1 =	seq.s32 s10, $0x1;
	s10 =	sld [smem:$0x3FAF];
	_ =	sdelay $0x3  }
0x37: {  	[smem:$0x3FAF] =	sst s10  }
0x38: {  	s10 =	sld [smem:$0x3FB0]  }
0x39: {  	_ = 	snop;
	(pc) =	sbr.ind lr, $3  }
0x3a: {  	_ = 	snop  }
0x3b: {  	_ = 	snop  }
0x3c: {  	p2 =	seq.s32 s10, $0x1;
	s10 =	sld [smem:$0x3FAF]  }
0x3d: {  	_ =	shalt  }
0x3e: {  	_ =	shalt  }
0x3f: {  	_ =	shalt  }
0x40: {  	_ =	shalt  }
0x41: {  	_ =	shalt  }
0x42: {  	_ =	shalt  }
0x43: {  	_ =	shalt  }
0x44: {  	_ =	shalt  }
0x45: {  	_ =	shalt  }
0x46: {  	_ =	shalt  }
0x47: {  	_ =	shalt  }
0x48: {  	_ =	shalt  }
0x49: {  	_ =	shalt  }
0x4a: {  	_ =	shalt  }
0x4b: {  	_ =	shalt  }
0x4c: {  	_ =	shalt  }
0x4d: {  	_ =	shalt  }
0x4e: {  	_ =	shalt  }
0x4f: {  	_ =	shalt  }
0x50: {  	_ =	shalt  }
0x51: {  	_ =	shalt  }
0x52: {  	_ =	shalt  }
0x53: {  	_ =	shalt  }
0x54: {  	_ =	shalt  }
0x55: {  	_ =	shalt  }
0x56: {  	_ =	shalt  }
0x57: {  	_ =	shalt  }
0x58: {  	_ =	shalt  }
0x59: {  	_ =	shalt  }
0x5a: {  	_ =	shalt  }
0x5b: {  	_ =	shalt  }
0x5c: {  	_ =	shalt  }
0x5d: {  	_ =	shalt  }
0x5e: {  	_ =	shalt  }
0x5f: {  	_ =	shalt  }
0x60: {  	_ =	shalt  }
0x61: {  	_ =	shalt  }
0x62: {  	_ =	shalt  }
0x63: {  	_ =	shalt  }
0x64: {  	_ =	shalt  }
0x65: {  	_ =	shalt  }
0x66: {  	_ =	shalt  }
0x67: {  	_ =	shalt  }
0x68: {  	_ =	shalt  }
0x69: {  	_ =	shalt  }
0x6a: {  	_ =	shalt  }
0x6b: {  	_ =	shalt  }
0x6c: {  	_ =	shalt  }
0x6d: {  	_ =	shalt  }
0x6e: {  	_ =	shalt  }
0x6f: {  	_ =	shalt  }
0x70: {  	_ =	shalt  }
0x71: {  	_ =	shalt  }
0x72: {  	_ =	shalt  }
0x73: {  	_ =	shalt  }
0x74: {  	_ =	shalt  }
0x75: {  	_ =	shalt  }
0x76: {  	_ =	shalt  }
0x77: {  	_ =	shalt  }
0x78: {  	_ =	shalt  }
0x79: {  	_ =	shalt  }
0x7a: {  	_ =	shalt  }
0x7b: {  	_ =	shalt  }
0x7c: {  	_ =	shalt  }
0x7d: {  	_ =	shalt  }
0x7e: {  	_ =	shalt  }
0x7f: {  	_ =	shalt  }
0x80: {  	_ =	shalt  }
0x81: {  	_ =	shalt  }
0x82: {  	_ =	shalt  }
0x83: {  	_ =	shalt  }
0x84: {  	_ =	shalt  }
0x85: {  	_ =	shalt  }
0x86: {  	_ =	shalt  }
0x87: {  	_ =	shalt  }
.Lfunc_end0:
.L_simem_size_0:
called_computation_lowered:
.L_overlay_start_0:
0x88: {  	s2 =	sld [smem:$0x3FD9]  }
0x89: {  	s3 =	sld [smem:$0x3FFE];
	_ =	sdelay $0x1  }
0x8a: {  	s1 =	srdreg.scid  }
0x8b: {  	s0 =	sand.u32 $0x1, s1  }
0x8c: {  	s17 =	sshll.u32 s0, $0xA;
	s2 =	sadd.s32 s3, s2  }
0x8d: {  	s2 =	sadd.s32 s2, s17  }
0x8e: {  	[smem:$0x3FBB] =	sst s2  }
0x8f: {  	_ = 	snop  }
0x90: {  	s18 =	sld [smem:$0x3FC9]  }
0x91: {  	s4 =	sld [smem:$0x3FC8]  }
0x92: {  	s5 =	sld [smem:$0x3FD0];
	(tm) =	ssettm $0x1  }
0x93: {  	s19 =	sld [smem:$0x3FFB];
	_ =	sdelay $0x3  }
0x94: {  	_ =	strace s19  }
0x95: {  	s2 =	sld [smem:$0x3FFC];
	_ =	sdelay $0x3  }
0x96: {  	_ =	strace s2  }
0x97: {  	s2 =	sld [smem:$0x3FFD];
	_ =	sdelay $0x3  }
0x98: {  	_ =	strace s2  }
0x99: {  	_ =	strace $0x8FFFFFFF  }
0x9a: {  	s20 =	sld [smem:$0x3FDB];
	_ =	sdelay $0x1  }
0x9b: {  	s6 =	simm.s32 $_scs_section_size  }
0x9c: {  	s7 =	simm.s32 $_size__tile_overlayer_lowered;
	s8 =	simm.s32 $_tile_overlayer_lowered  }
0x9d: {  	s9 =	simm.s32 $0x1BFF;
	s21 =	sshll.u32 s8, $0x1;
	s6 =	sadd.s32 s6, s20  }
0x9e: {  	s22 =	simm.s32 $0x0;
	s7 =	sshll.u32 s7, $0x1;
	s8 =	sadd.s32 s21, s6  }
0x9f: {  	[timem:s22], [sflag:s9] =	dma.local [hbm:s8], s7  }
0xa0: {  	_ =	swait.ge [sflag:s9], s7  }
0xa1: {  	s7 =	ssub.s32 $0x0, s7;
	[sflag:s9] =	ssyncset.done $0x0  }
0xa2: {  	[sflag:s9] =	ssyncadd.s32 s7;
	_ =	sdelay $0x1  }
0xa3: {  	s23 =	simm.s32 $0x1B8B  }
0xa4: {  	_ =	swait.ge [sflag:s23], $0x1  }
0xa5: {  	[sflag:s23] =	ssyncset.done $0x0  }
0xa6: {  	[sflag:s23] =	ssyncadd.s32 $0xFFFFFFFF  }
0xa7: {  	s7 =	sld [smem:$0x0]  }
0xa8: {  	s8 =	sand.u32 $0xFFFFFFFE, s1  }
0xa9: {  	p0 =	sne.s32 s1, s8  }
0xaa: {  	s8 =	sshll.u32 @p0 s8, $0xE  }
0xab: {  	s8 =	sadd.s32 @p0 $0x11B8D, s8;
	s9 =	sshll.u32 @p0 s7, $0x11  }
0xac: {  	s8 =	sor.u32 @p0 s9, s8  }
0xad: {  	[sflag:s8] =	ssyncadd.remote.s32 @p0 $0x1;
	_ =	sdelay $0x1  }
0xae: {  	s8 =	simm.s32 @p0 $0x1B8D  }
0xaf: {  	_ =	swait.eq @p0 [sflag:s8], $0x1  }
0xb0: {  	[sflag:s8] =	ssyncadd.s32 @p0 $0xFFFFFFFF  }
0xb1: {  	s9 =	sshll.u32 @!p0 s1, $0xE  }
0xb2: {  	s9 =	sor.u32 @!p0 $0x4000, s9;
	s8 =	simm.s32 @!p0 $0x1B8D  }
0xb3: {  	s7 =	sshll.u32 @!p0 s7, $0x11;
	s9 =	sadd.s32 @!p0 $0x11B8D, s9;
	_ =	swait.eq @!p0 [sflag:s8], $0x1  }
0xb4: {  	s7 =	sor.u32 @!p0 s7, s9;
	[sflag:s8] =	ssyncadd.s32 @!p0 $0xFFFFFFFF  }
0xb5: {  	s25 =	simm.s32 $0x1B8E;
	s24 =	sld [smem:$0x3FFE];
	[sflag:s7] =	ssyncadd.remote.s32 @!p0 $0x1  }
0xb6: {  	s26 =	simm.s32 $execute0_lowered;
	[smem:$0x3FD2] =	sst s25  }
0xb7: {  	s8 =	sshll.u32 s26, $0x1;
	_ =	strace $0x80000049;
	[dreg:$0x1] =	wrdreg $0xFFFFFFFF  }
0xb8: {  	s28 =	simm.s32 $_size_execute0_lowered;
	s6 =	sadd.s32 s6, s8;
	[dreg:$0x0] =	wrdreg $0x0  }
0xb9: {  	s8 =	sshll.u32 s28, $0x1;
	[dreg:$0x2] =	wrdreg s6  }
0xba: {  	[dreg:$0x3] =	wrdreg s8  }
0xbb: {  	[dreg:$0x4] =	wrdreg $0xC0  }
0xbc: {  	_ =	task [dreg:s22], $0x5FFFF  }
0xbd: {  	[dreg:$0x1] =	wrdreg $0xFFFFFFFF  }
0xbe: {  	[dreg:$0x0] =	wrdreg $0x60  }
0xbf: {  	[dreg:$0x2] =	wrdreg s18  }
0xc0: {  	[dreg:$0x3] =	wrdreg s4  }
0xc1: {  	[dreg:$0x4] =	wrdreg s5  }
0xc2: {  	[dreg:$0x5] =	wrdreg s24  }
0xc3: {  	[dreg:$0x6] =	wrdreg $0x9  }
0xc4: {  	_ =	task.clear_ibuf [dreg:s22], $0x7FFFF;
	_ =	strace $0x90000049  }
0xc5: {  	s29 =	simm.s32 $0x9;
	_ =	strace $0x8000004B  }
0xc6: {  	_ =	swait.ge [sflag:s29], $0x1  }
0xc7: {  	[sflag:s29] =	ssyncadd.s32 $0xFFFFFFFF  }
0xc8: {  	_ =	strace $0x9000004B  }
0xc9: {  	_ =	sfence  }
0xca: {  	s30 =	sld [smem:$0x0];
	_ =	sdelay $0x2  }
0xcb: {  	s31 =	sshll.u32 s1, $0xD;
	s1 =	sshrl.u32 s1, $0x2  }
0xcc: {  	s4 =	sand.u32 $0x4000, s31;
	s1 =	sadd.s32 s1, s30  }
0xcd: {  	s0 =	sor.u32 s4, s0;
	s1 =	sshll.u32 s1, $0x11  }
0xce: {  	s0 =	sor.u32 s1, s0  }
0xcf: {  	s0 =	sadd.s32 $0x8F2B, s0  }
0xd0: {  	[sflag:s0] =	ssyncadd.remote.s32 $0x1  }
0xd1: {  	_ =	sfence.sel $0xFFFF  }
0xd2: {  	[dreg:$0x0] =	wrdreg $0xFFFFFFFF;
	(pc) =	sbr.abs _section_cstart, $3  }
0xd3: {  	[dreg:$0x1] =	wrdreg $0xFFFFFFFF  }
0xd4: {  	_ =	task.clear_ibuf [dreg:s22], $0x2FFFF;
	_ =	strace $0x9FFFFFFF  }
0xd5: {  	(tm) =	ssettm $0x7FFFFFFF  }
tec
execute0_lowered:
.L_overlay_start_1:
0x0: {  	(tag) =	ssettag $0x1  }
0x1: {  	s7 =	rddreg [dreg:$0x0]  }
0x2: {  	s9 =	rddreg [dreg:$0x1]  }
0x3: {  	s1 =	rddreg [dreg:$0x2]  }
0x4: {  	s8 =	rddreg [dreg:$0x3];
	s3 =	simm.s32 $0x0;
	s4 =	srdreg.scid  }
0x5: {  	s0 =	stileid.u32;
	s14 =	simm.s32 $0x2;
	s15 =	simm.s32 $0x1  }
0x6: {  	s16 =	simm.s32 $0x100;
	s17 =	simm.s32 $0x4100;
	s18 =	simm.s32 $0x8100  }
0x7: {  	s19 =	simm.s32 $0xC100;
	s20 =	simm.s32 $0x0;
	[smem:$0x7FF] =	sst s3  }
0x8: {  	s10 =	sand.u32 $0x1, s4;
	s6 =	sshll.u32 s0, $0x8;
	s4 =	sadd.s32 $0x1A400, s8  }
0x9: {  	s5 =	sadd.s32 $0x1A0E00, s8;
	_ =	strace $0x8000004A;
	s11 =	sshll.u32 s10, $0x7  }
0xa: {  	s10 =	ssub.s32 $0x2, s10;
	s11 =	sor.u32 s11, s6;
	s6 =	sadd.s32 $0x327800, s8  }
0xb: {  	s31 =	sshrl.u32 s10, $0x1;
	s12 =	sshll.u32 s11, $0x4;
	s11 =	sshrl.u32 s11, $0x3  }
0xc: {  	s13 =	ssub.s32 s10, s31;
	s12 =	sadd.s32 s12, s8;
	s7 =	sadd.s32 s7, s11  }
0xd: {  	s9 =	sadd.s32 s9, s11;
	s8 =	sadd.s32 $0x4AE200, s12;
	s10 =	sadd.s32 $0x4BE200, s12  }
0xe: {  	s13 =	smax.u32 s13, $0x1;
	s11 =	sadd.s32 $0x4CE200, s12;
	s12 =	sadd.s32 $0x4DE200, s12  }
.LBB2_1:
0xf: {  	[tilespmem:s3], [sflag:$0x2] =	stream.linear.gather [hbm4b:s7+s3], $0x80, $0x38;
	[tilespmem:$0x10100] =	vst v63  }
0x10: {  	_ =	swait.ge [sflag:s14], $0x80  }
0x11: {  	[sflag:s14] =	ssyncset.done $0x0  }
0x12: {  	s21 =	simm.s32 $0x80;
	[sflag:s14] =	ssyncadd.s32 $0xFFFFFF80  }
0x13: {  	[tilespmem:s21], [sflag:$0x2] =	stream.linear.gather [hbm4b:s9+s3], $0x80, $0x38;
	[tilespmem:$0x10100] =	vst v63  }
0x14: {  	_ =	swait.ge [sflag:s14], $0x80  }
0x15: {  	[sflag:s14] =	ssyncset.done $0x0  }
0x16: {  	[sflag:s14] =	ssyncadd.s32 $0xFFFFFF80  }
0x17: {  	v0 =	vld [tilespmem:s21+$0x0]  }
0x18: {  	v1 =	vld [tilespmem:s3+$0x0];
	_ =	sdelay $0x3  }
0x19: {  	v0 =	vshll.u32 v0, $0x4  }
0x1a: {  	v1 =	vshll.u32 v1, $0x4;
	(v2sf) =	vpush v0, $0x0  }
0x1b: {  	(v2sf) =	vpush v1, $0x0;
	_ =	sdelay $0x5  }
0x1c: {  	(v2sf) =	vpush v1, $0x1;
	_ =	sdelay $0x1  }
0x1d: {  	(v2sf) =	vpush v0, $0x1;
	_ =	sdelay $0x3  }
0x1e: {  	(v2sf) =	vpush v1, $0x2;
	_ =	sdelay $0x1  }
0x1f: {  	s22 =	spop (v2sf)  }
0x20: {  	s23 =	spop (v2sf)  }
0x21: {  	s24 =	simm.s32 $0x100;
	(v2sf) =	vpush v0, $0x2;
	s23 =	sand.u32 $0x1FFFFFF0, s23  }
0x22: {  	s2 =	simm.s32 $0x4100;
	s22 =	sand.u32 $0x1FFFFFF0, s22;
	s25 =	sadd.s32 s1, s23  }
0x23: {  	[tilespmem:s24], [sflag:$0x1] =	stream.linear.gather [hbm4b:s25+s3], $0x80, $0x38;
	[tilespmem:$0x10100] =	vst v63  }
0x24: {  	s30 =	simm.s32 $0xC100;
	s31 =	simm.s32 $0x180;
	s26 =	sadd.s32 s4, s22  }
0x25: {  	(v2sf) =	vpush v1, $0x3;
	[tilespmem:s2], [sflag:$0x1] =	stream.linear.gather [hbm4b:s26+s3], $0x80, $0x38;
	[tilespmem:$0x10100] =	vst v63  }
0x26: {  	s0 =	spop (v2sf);
	s23 =	sadd.s32 s5, s23;
	s26 =	simm.s32 $0x8100  }
0x27: {  	[tilespmem:s26], [sflag:$0x1] =	stream.linear.gather [hbm4b:s23+s3], $0x80, $0x38;
	[tilespmem:$0x10100] =	vst v63  }
0x28: {  	s22 =	sadd.s32 s6, s22;
	s29 =	spop (v2sf);
	s24 =	sand.u32 $0x1FFFFFF0, s0  }
0x29: {  	(v2sf) =	vpush v0, $0x3;
	[tilespmem:s30], [sflag:$0x1] =	stream.linear.gather [hbm4b:s22+s3], $0x80, $0x38;
	[tilespmem:$0x10100] =	vst v63  }
0x2a: {  	s25 =	simm.s32 $0x200;
	s0 =	sadd.s32 s1, s24;
	s22 =	sand.u32 $0x1FFFFFF0, s29  }
0x2b: {  	[tilespmem:s31], [sflag:$0x1] =	stream.linear.gather [hbm4b:s0+s3], $0x80, $0x38;
	[tilespmem:$0x10100] =	vst v63  }
0x2c: {  	s2 =	spop (v2sf);
	s29 =	simm.s32 $0x4180;
	s30 =	sadd.s32 s4, s22  }
0x2d: {  	(v2sf) =	vpush v1, $0x4;
	[tilespmem:s29], [sflag:$0x1] =	stream.linear.gather [hbm4b:s30+s3], $0x80, $0x38;
	[tilespmem:$0x10100] =	vst v63  }
0x2e: {  	s24 =	sadd.s32 s5, s24;
	s23 =	sand.u32 $0x1FFFFFF0, s2;
	s31 =	simm.s32 $0x8180  }
0x2f: {  	[tilespmem:s31], [sflag:$0x1] =	stream.linear.gather [hbm4b:s24+s3], $0x80, $0x38;
	[tilespmem:$0x10100] =	vst v63  }
0x30: {  	s2 =	simm.s32 $0xC180;
	s22 =	sadd.s32 s6, s22;
	s0 =	spop (v2sf)  }
0x31: {  	(v2sf) =	vpush v0, $0x4;
	[tilespmem:s2], [sflag:$0x1] =	stream.linear.gather [hbm4b:s22+s3], $0x80, $0x38;
	[tilespmem:$0x10100] =	vst v63  }
0x32: {  	s26 =	sadd.s32 s1, s23;
	s23 =	sadd.s32 s5, s23;
	s22 =	sand.u32 $0x1FFFFFF0, s0  }
0x33: {  	[tilespmem:s25], [sflag:$0x1] =	stream.linear.gather [hbm4b:s26+s3], $0x80, $0x38;
	[tilespmem:$0x10100] =	vst v63  }
0x34: {  	s30 =	simm.s32 $0x4200;
	s29 =	spop (v2sf);
	s31 =	sadd.s32 s4, s22  }
0x35: {  	(v2sf) =	vpush v1, $0x5;
	[tilespmem:s30], [sflag:$0x1] =	stream.linear.gather [hbm4b:s31+s3], $0x80, $0x38;
	[tilespmem:$0x10100] =	vst v63  }
0x36: {  	s24 =	sand.u32 $0x1FFFFFF0, s29;
	s29 =	simm.s32 $0x280;
	s0 =	simm.s32 $0x8200  }
0x37: {  	[tilespmem:s0], [sflag:$0x1] =	stream.linear.gather [hbm4b:s23+s3], $0x80, $0x38;
	[tilespmem:$0x10100] =	vst v63  }
0x38: {  	s2 =	spop (v2sf);
	s22 =	sadd.s32 s6, s22;
	s26 =	simm.s32 $0xC200  }
0x39: {  	(v2sf) =	vpush v0, $0x5;
	[tilespmem:s26], [sflag:$0x1] =	stream.linear.gather [hbm4b:s22+s3], $0x80, $0x38;
	[tilespmem:$0x10100] =	vst v63  }
0x3a: {  	s25 =	simm.s32 $0x380;
	s30 =	sadd.s32 s1, s24;
	s22 =	sand.u32 $0x1FFFFFF0, s2  }
0x3b: {  	[tilespmem:s29], [sflag:$0x1] =	stream.linear.gather [hbm4b:s30+s3], $0x80, $0x38;
	[tilespmem:$0x10100] =	vst v63  }
0x3c: {  	s31 =	spop (v2sf);
	s0 =	simm.s32 $0x4280;
	s2 =	sadd.s32 s4, s22  }
0x3d: {  	(v2sf) =	vpush v1, $0x6;
	[tilespmem:s0], [sflag:$0x1] =	stream.linear.gather [hbm4b:s2+s3], $0x80, $0x38;
	[tilespmem:$0x10100] =	vst v63  }
0x3e: {  	s24 =	sadd.s32 s5, s24;
	s23 =	sand.u32 $0x1FFFFFF0, s31;
	s26 =	simm.s32 $0x8280  }
0x3f: {  	[tilespmem:s26], [sflag:$0x1] =	stream.linear.gather [hbm4b:s24+s3], $0x80, $0x38;
	[tilespmem:$0x10100] =	vst v63  }
0x40: {  	s22 =	sadd.s32 s6, s22;
	s30 =	simm.s32 $0xC280;
	s29 =	spop (v2sf)  }
0x41: {  	(v2sf) =	vpush v0, $0x6;
	[tilespmem:s30], [sflag:$0x1] =	stream.linear.gather [hbm4b:s22+s3], $0x80, $0x38;
	[tilespmem:$0x10100] =	vst v63  }
0x42: {  	s31 =	simm.s32 $0x300;
	s0 =	sadd.s32 s1, s23;
	s22 =	sand.u32 $0x1FFFFFF0, s29  }
0x43: {  	[tilespmem:s31], [sflag:$0x1] =	stream.linear.gather [hbm4b:s0+s3], $0x80, $0x38;
	[tilespmem:$0x10100] =	vst v63  }
0x44: {  	s2 =	spop (v2sf);
	s29 =	simm.s32 $0x4300;
	s30 =	sadd.s32 s4, s22  }
0x45: {  	(v2sf) =	vpush v1, $0x7;
	[tilespmem:s29], [sflag:$0x1] =	stream.linear.gather [hbm4b:s30+s3], $0x80, $0x38;
	[tilespmem:$0x10100] =	vst v63  }
0x46: {  	s23 =	sadd.s32 s5, s23;
	s24 =	sand.u32 $0x1FFFFFF0, s2;
	s31 =	simm.s32 $0x8300  }
0x47: {  	[tilespmem:s31], [sflag:$0x1] =	stream.linear.gather [hbm4b:s23+s3], $0x80, $0x38;
	[tilespmem:$0x10100] =	vst v63  }
0x48: {  	s2 =	simm.s32 $0xC300;
	s22 =	sadd.s32 s6, s22;
	s0 =	spop (v2sf)  }
0x49: {  	(v2sf) =	vpush v0, $0x7;
	[tilespmem:s2], [sflag:$0x1] =	stream.linear.gather [hbm4b:s22+s3], $0x80, $0x38;
	[tilespmem:$0x10100] =	vst v63  }
0x4a: {  	s26 =	sadd.s32 s1, s24;
	s24 =	sadd.s32 s5, s24;
	s22 =	sand.u32 $0x1FFFFFF0, s0  }
0x4b: {  	[tilespmem:s25], [sflag:$0x1] =	stream.linear.gather [hbm4b:s26+s3], $0x80, $0x38;
	[tilespmem:$0x10100] =	vst v63  }
0x4c: {  	s29 =	spop (v2sf);
	s30 =	simm.s32 $0x4380;
	s31 =	sadd.s32 s4, s22  }
0x4d: {  	(v2sf) =	vpush v1, $0x8;
	[tilespmem:s30], [sflag:$0x1] =	stream.linear.gather [hbm4b:s31+s3], $0x80, $0x38;
	[tilespmem:$0x10100] =	vst v63  }
0x4e: {  	s23 =	sand.u32 $0x1FFFFFF0, s29;
	s29 =	simm.s32 $0x400;
	s0 =	simm.s32 $0x8380  }
0x4f: {  	[tilespmem:s0], [sflag:$0x1] =	stream.linear.gather [hbm4b:s24+s3], $0x80, $0x38;
	[tilespmem:$0x10100] =	vst v63  }
0x50: {  	s22 =	sadd.s32 s6, s22;
	s26 =	simm.s32 $0xC380;
	s2 =	spop (v2sf)  }
0x51: {  	(v2sf) =	vpush v0, $0x8;
	[tilespmem:s26], [sflag:$0x1] =	stream.linear.gather [hbm4b:s22+s3], $0x80, $0x38;
	[tilespmem:$0x10100] =	vst v63  }
0x52: {  	s25 =	simm.s32 $0x500;
	s30 =	sadd.s32 s1, s23;
	s22 =	sand.u32 $0x1FFFFFF0, s2  }
0x53: {  	[tilespmem:s29], [sflag:$0x1] =	stream.linear.gather [hbm4b:s30+s3], $0x80, $0x38;
	[tilespmem:$0x10100] =	vst v63  }
0x54: {  	s31 =	spop (v2sf);
	s0 =	simm.s32 $0x4400;
	s2 =	sadd.s32 s4, s22  }
0x55: {  	(v2sf) =	vpush v1, $0x9;
	[tilespmem:s0], [sflag:$0x1] =	stream.linear.gather [hbm4b:s2+s3], $0x80, $0x38;
	[tilespmem:$0x10100] =	vst v63  }
0x56: {  	s23 =	sadd.s32 s5, s23;
	s24 =	sand.u32 $0x1FFFFFF0, s31;
	s26 =	simm.s32 $0x8400  }
0x57: {  	[tilespmem:s26], [sflag:$0x1] =	stream.linear.gather [hbm4b:s23+s3], $0x80, $0x38;
	[tilespmem:$0x10100] =	vst v63  }
0x58: {  	s22 =	sadd.s32 s6, s22;
	s29 =	spop (v2sf);
	s30 =	simm.s32 $0xC400  }
0x59: {  	(v2sf) =	vpush v0, $0x9;
	[tilespmem:s30], [sflag:$0x1] =	stream.linear.gather [hbm4b:s22+s3], $0x80, $0x38;
	[tilespmem:$0x10100] =	vst v63  }
0x5a: {  	s31 =	simm.s32 $0x480;
	s0 =	sadd.s32 s1, s24;
	s22 =	sand.u32 $0x1FFFFFF0, s29  }
0x5b: {  	[tilespmem:s31], [sflag:$0x1] =	stream.linear.gather [hbm4b:s0+s3], $0x80, $0x38;
	[tilespmem:$0x10100] =	vst v63  }
0x5c: {  	s2 =	spop (v2sf);
	s29 =	simm.s32 $0x4480;
	s30 =	sadd.s32 s4, s22  }
0x5d: {  	(v2sf) =	vpush v1, $0xA;
	[tilespmem:s29], [sflag:$0x1] =	stream.linear.gather [hbm4b:s30+s3], $0x80, $0x38;
	[tilespmem:$0x10100] =	vst v63  }
0x5e: {  	s24 =	sadd.s32 s5, s24;
	s23 =	sand.u32 $0x1FFFFFF0, s2;
	s31 =	simm.s32 $0x8480  }
0x5f: {  	[tilespmem:s31], [sflag:$0x1] =	stream.linear.gather [hbm4b:s24+s3], $0x80, $0x38;
	[tilespmem:$0x10100] =	vst v63  }
0x60: {  	s2 =	simm.s32 $0xC480;
	s22 =	sadd.s32 s6, s22;
	s0 =	spop (v2sf)  }
0x61: {  	(v2sf) =	vpush v0, $0xA;
	[tilespmem:s2], [sflag:$0x1] =	stream.linear.gather [hbm4b:s22+s3], $0x80, $0x38;
	[tilespmem:$0x10100] =	vst v63  }
0x62: {  	s26 =	sadd.s32 s1, s23;
	s23 =	sadd.s32 s5, s23;
	s22 =	sand.u32 $0x1FFFFFF0, s0  }
0x63: {  	[tilespmem:s25], [sflag:$0x1] =	stream.linear.gather [hbm4b:s26+s3], $0x80, $0x38;
	[tilespmem:$0x10100] =	vst v63  }
0x64: {  	s29 =	spop (v2sf);
	s30 =	simm.s32 $0x4500;
	s31 =	sadd.s32 s4, s22  }
0x65: {  	(v2sf) =	vpush v1, $0xB;
	[tilespmem:s30], [sflag:$0x1] =	stream.linear.gather [hbm4b:s31+s3], $0x80, $0x38;
	[tilespmem:$0x10100] =	vst v63  }
0x66: {  	s24 =	sand.u32 $0x1FFFFFF0, s29;
	s29 =	simm.s32 $0x580;
	s0 =	simm.s32 $0x8500  }
0x67: {  	[tilespmem:s0], [sflag:$0x1] =	stream.linear.gather [hbm4b:s23+s3], $0x80, $0x38;
	[tilespmem:$0x10100] =	vst v63  }
0x68: {  	s2 =	spop (v2sf);
	s22 =	sadd.s32 s6, s22;
	s26 =	simm.s32 $0xC500  }
0x69: {  	(v2sf) =	vpush v0, $0xB;
	[tilespmem:s26], [sflag:$0x1] =	stream.linear.gather [hbm4b:s22+s3], $0x80, $0x38;
	[tilespmem:$0x10100] =	vst v63  }
0x6a: {  	s25 =	simm.s32 $0x680;
	s30 =	sadd.s32 s1, s24;
	s23 =	sand.u32 $0x1FFFFFF0, s2  }
0x6b: {  	[tilespmem:s29], [sflag:$0x1] =	stream.linear.gather [hbm4b:s30+s3], $0x80, $0x38;
	[tilespmem:$0x10100] =	vst v63  }
0x6c: {  	s31 =	spop (v2sf);
	s0 =	simm.s32 $0x4580;
	s2 =	sadd.s32 s4, s23  }
0x6d: {  	(v2sf) =	vpush v1, $0xC;
	[tilespmem:s0], [sflag:$0x1] =	stream.linear.gather [hbm4b:s2+s3], $0x80, $0x38;
	[tilespmem:$0x10100] =	vst v63  }
0x6e: {  	s24 =	sadd.s32 s5, s24;
	s23 =	sadd.s32 s6, s23;
	s26 =	simm.s32 $0x8580  }
0x6f: {  	[tilespmem:s26], [sflag:$0x1] =	stream.linear.gather [hbm4b:s24+s3], $0x80, $0x38;
	[tilespmem:$0x10100] =	vst v63  }
0x70: {  	s22 =	sand.u32 $0x1FFFFFF0, s31;
	s29 =	spop (v2sf);
	s30 =	simm.s32 $0xC580  }
0x71: {  	(v2sf) =	vpush v0, $0xC;
	[tilespmem:s30], [sflag:$0x1] =	stream.linear.gather [hbm4b:s23+s3], $0x80, $0x38;
	[tilespmem:$0x10100] =	vst v63  }
0x72: {  	s31 =	simm.s32 $0x600;
	s0 =	sadd.s32 s1, s22;
	s23 =	sand.u32 $0x1FFFFFF0, s29  }
0x73: {  	[tilespmem:s31], [sflag:$0x1] =	stream.linear.gather [hbm4b:s0+s3], $0x80, $0x38;
	[tilespmem:$0x10100] =	vst v63  }
0x74: {  	s2 =	spop (v2sf);
	s29 =	simm.s32 $0x4600;
	s30 =	sadd.s32 s4, s23  }
0x75: {  	(v2sf) =	vpush v1, $0xD;
	[tilespmem:s29], [sflag:$0x1] =	stream.linear.gather [hbm4b:s30+s3], $0x80, $0x38;
	[tilespmem:$0x10100] =	vst v63  }
0x76: {  	s22 =	sadd.s32 s5, s22;
	s24 =	sand.u32 $0x1FFFFFF0, s2;
	s31 =	simm.s32 $0x8600  }
0x77: {  	[tilespmem:s31], [sflag:$0x1] =	stream.linear.gather [hbm4b:s22+s3], $0x80, $0x38;
	[tilespmem:$0x10100] =	vst v63  }
0x78: {  	s2 =	simm.s32 $0xC600;
	s23 =	sadd.s32 s6, s23;
	s0 =	spop (v2sf)  }
0x79: {  	(v2sf) =	vpush v0, $0xD;
	[tilespmem:s2], [sflag:$0x1] =	stream.linear.gather [hbm4b:s23+s3], $0x80, $0x38;
	[tilespmem:$0x10100] =	vst v63  }
0x7a: {  	s26 =	sadd.s32 s1, s24;
	s24 =	sadd.s32 s5, s24;
	s22 =	sand.u32 $0x1FFFFFF0, s0  }
0x7b: {  	[tilespmem:s25], [sflag:$0x1] =	stream.linear.gather [hbm4b:s26+s3], $0x80, $0x38;
	[tilespmem:$0x10100] =	vst v63  }
0x7c: {  	s29 =	spop (v2sf);
	s30 =	simm.s32 $0x4680;
	s31 =	sadd.s32 s4, s22  }
0x7d: {  	(v2sf) =	vpush v1, $0xE;
	[tilespmem:s30], [sflag:$0x1] =	stream.linear.gather [hbm4b:s31+s3], $0x80, $0x38;
	[tilespmem:$0x10100] =	vst v63  }
0x7e: {  	s0 =	simm.s32 $0x8680;
	s22 =	sadd.s32 s6, s22;
	s23 =	sand.u32 $0x1FFFFFF0, s29  }
0x7f: {  	[tilespmem:s0], [sflag:$0x1] =	stream.linear.gather [hbm4b:s24+s3], $0x80, $0x38;
	[tilespmem:$0x10100] =	vst v63  }
0x80: {  	s29 =	simm.s32 $0x700;
	s2 =	spop (v2sf);
	s26 =	simm.s32 $0xC680  }
0x81: {  	(v2sf) =	vpush v0, $0xE;
	[tilespmem:s26], [sflag:$0x1] =	stream.linear.gather [hbm4b:s22+s3], $0x80, $0x38;
	[tilespmem:$0x10100] =	vst v63  }
0x82: {  	s25 =	simm.s32 $0x800;
	s30 =	sadd.s32 s1, s23;
	s24 =	sand.u32 $0x1FFFFFF0, s2  }
0x83: {  	[tilespmem:s29], [sflag:$0x1] =	stream.linear.gather [hbm4b:s30+s3], $0x80, $0x38;
	[tilespmem:$0x10100] =	vst v63  }
0x84: {  	s31 =	spop (v2sf);
	s0 =	simm.s32 $0x4700;
	s2 =	sadd.s32 s4, s24  }
0x85: {  	(v2sf) =	vpush v1, $0xF;
	[tilespmem:s0], [sflag:$0x1] =	stream.linear.gather [hbm4b:s2+s3], $0x80, $0x38;
	[tilespmem:$0x10100] =	vst v63  }
0x86: {  	s23 =	sadd.s32 s5, s23;
	s24 =	sadd.s32 s6, s24;
	s26 =	simm.s32 $0x8700  }
0x87: {  	[tilespmem:s26], [sflag:$0x1] =	stream.linear.gather [hbm4b:s23+s3], $0x80, $0x38;
	[tilespmem:$0x10100] =	vst v63  }
0x88: {  	s22 =	sand.u32 $0x1FFFFFF0, s31;
	s29 =	spop (v2sf);
	s30 =	simm.s32 $0xC700  }
0x89: {  	(v2sf) =	vpush v0, $0xF;
	[tilespmem:s30], [sflag:$0x1] =	stream.linear.gather [hbm4b:s24+s3], $0x80, $0x38;
	[tilespmem:$0x10100] =	vst v63  }
0x8a: {  	s31 =	simm.s32 $0x780;
	s0 =	sadd.s32 s1, s22;
	s23 =	sand.u32 $0x1FFFFFF0, s29  }
0x8b: {  	[tilespmem:s31], [sflag:$0x1] =	stream.linear.gather [hbm4b:s0+s3], $0x80, $0x38;
	[tilespmem:$0x10100] =	vst v63  }
0x8c: {  	s2 =	spop (v2sf);
	s29 =	simm.s32 $0x4780;
	s30 =	sadd.s32 s4, s23  }
0x8d: {  	[tilespmem:s29], [sflag:$0x1] =	stream.linear.gather [hbm4b:s30+s3], $0x80, $0x38;
	[tilespmem:$0x10100] =	vst v63  }
0x8e: {  	s22 =	sadd.s32 s5, s22;
	s24 =	sand.u32 $0x1FFFFFF0, s2;
	s31 =	simm.s32 $0x8780  }
0x8f: {  	[tilespmem:s31], [sflag:$0x1] =	stream.linear.gather [hbm4b:s22+s3], $0x80, $0x38;
	[tilespmem:$0x10100] =	vst v63  }
0x90: {  	s2 =	simm.s32 $0xC780;
	s23 =	sadd.s32 s6, s23;
	s0 =	spop (v2sf)  }
0x91: {  	[tilespmem:s2], [sflag:$0x1] =	stream.linear.gather [hbm4b:s23+s3], $0x80, $0x38;
	[tilespmem:$0x10100] =	vst v63  }
0x92: {  	s26 =	sadd.s32 s1, s24;
	s24 =	sadd.s32 s5, s24;
	s22 =	sand.u32 $0x1FFFFFF0, s0  }
0x93: {  	[tilespmem:s25], [sflag:$0x1] =	stream.linear.gather [hbm4b:s26+s3], $0x80, $0x38;
	[tilespmem:$0x10100] =	vst v63  }
0x94: {  	s29 =	spop (v2sf);
	s30 =	simm.s32 $0x4800;
	s31 =	sadd.s32 s4, s22  }
0x95: {  	[tilespmem:s30], [sflag:$0x1] =	stream.linear.gather [hbm4b:s31+s3], $0x80, $0x38;
	[tilespmem:$0x10100] =	vst v63  }
0x96: {  	s0 =	simm.s32 $0x8800;
	s22 =	sadd.s32 s6, s22;
	s23 =	sand.u32 $0x1FFFFFF0, s29  }
0x97: {  	[tilespmem:s0], [sflag:$0x1] =	stream.linear.gather [hbm4b:s24+s3], $0x80, $0x38;
	[tilespmem:$0x10100] =	vst v63  }
0x98: {  	s29 =	simm.s32 $0x880;
	s2 =	spop (v2sf);
	s26 =	simm.s32 $0xC800  }
0x99: {  	[tilespmem:s26], [sflag:$0x1] =	stream.linear.gather [hbm4b:s22+s3], $0x80, $0x38;
	[tilespmem:$0x10100] =	vst v63  }
0x9a: {  	s28 =	sand.u32 $0x1FFFFFF0, s2;
	s25 =	simm.s32 $0x8880;
	s30 =	sadd.s32 s1, s23  }
0x9b: {  	[tilespmem:s29], [sflag:$0x1] =	stream.linear.gather [hbm4b:s30+s3], $0x80, $0x38;
	[tilespmem:$0x10100] =	vst v63  }
0x9c: {  	s31 =	simm.s32 $0x4880;
	s24 =	sadd.s32 s4, s28;
	s22 =	simm.s32 $0x2000  }
0x9d: {  	[tilespmem:s31], [sflag:$0x1] =	stream.linear.gather [hbm4b:s24+s3], $0x80, $0x38;
	[tilespmem:$0x10100] =	vst v63  }
0x9e: {  	s26 =	sadd.s32 s5, s23;
	s23 =	simm.s32 $0x0;
	s24 =	simm.s32 $0x0  }
.LBB2_2:
0x9f: {  	p0 =	sne.s32 s22, $0xE000  }
0xa0: {  	s23 =	sadd.s32 $0x10, s23;
	s21 =	sadd.s32 $0x10, s21;
	s29 =	smov.u32 s22  }
0xa1: {  	[tilespmem:s25], [sflag:$0x1] =	stream.linear.gather [hbm4b:s26+s3], $0x80, $0x38;
	[tilespmem:$0x10100] =	vst v63  }
0xa2: {  	s22 =	sadd.s32 $0x2000, s22;
	s24 =	sadd.s32 $0xC880, s24;
	s25 =	sadd.s32 s6, s28  }
0xa3: {  	[tilespmem:s24], [sflag:$0x1] =	stream.linear.gather [hbm4b:s25+s3], $0x80, $0x38;
	[tilespmem:$0x10100] =	vst v63  }
0xa4: {  	v0 =	vld [tilespmem:s21+$0x0]  }
0xa5: {  	v1 =	vld [tilespmem:s23+$0x0];
	_ =	sdelay $0x3  }
0xa6: {  	v0 =	vshll.u32 v0, $0x4  }
0xa7: {  	v1 =	vshll.u32 v1, $0x4;
	(v2sf) =	vpush v0, $0x0  }
0xa8: {  	(v2sf) =	vpush v1, $0x0  }
0xa9: {  	(v2sf) =	vpush v1, $0x1;
	_ =	sdelay $0x2  }
0xaa: {  	(v2sf) =	vpush v0, $0x1;
	_ =	sdelay $0x1  }
0xab: {  	(v2sf) =	vpush v1, $0x2;
	_ =	sdelay $0x3  }
0xac: {  	(v2sf) =	vpush v0, $0x2;
	_ =	sdelay $0x2  }
0xad: {  	s24 =	sshra.s32 s29, $0x2  }
0xae: {  	s25 =	sadd.s32 $0x8880, s24;
	s26 =	spop (v2sf);
	(v2sf) =	vpush v1, $0x3  }
0xaf: {  	s28 =	sadd.s32 $0x100, s24;
	s26 =	sand.u32 $0x1FFFFFF0, s26;
	s29 =	spop (v2sf)  }
0xb0: {  	s29 =	sand.u32 $0x1FFFFFF0, s29;
	s30 =	spop (v2sf)  }
0xb1: {  	s0 =	sadd.s32 $0x4100, s24;
	s31 =	sadd.s32 s1, s29;
	s30 =	sand.u32 $0x1FFFFFF0, s30  }
0xb2: {  	[tilespmem:s28], [sflag:$0x1] =	stream.linear.gather [hbm4b:s31+s3], $0x80, $0x38;
	(v2sf) =	vpush v0, $0x3;
	[tilespmem:$0x10100] =	vst v63  }
0xb3: {  	s28 =	sadd.s32 s4, s26;
	s31 =	sadd.s32 $0x8100, s24;
	s2 =	spop (v2sf)  }
0xb4: {  	[tilespmem:s0], [sflag:$0x1] =	stream.linear.gather [hbm4b:s28+s3], $0x80, $0x38;
	[tilespmem:$0x10100] =	vst v63  }
0xb5: {  	s0 =	sadd.s32 s5, s29;
	s2 =	sand.u32 $0x1FFFFFF0, s2;
	s28 =	spop (v2sf)  }
0xb6: {  	[tilespmem:s31], [sflag:$0x1] =	stream.linear.gather [hbm4b:s0+s3], $0x80, $0x38;
	(v2sf) =	vpush v1, $0x4;
	[tilespmem:$0x10100] =	vst v63  }
0xb7: {  	s26 =	sadd.s32 s6, s26;
	s0 =	sadd.s32 $0xC100, s24;
	s28 =	sand.u32 $0x1FFFFFF0, s28  }
0xb8: {  	[tilespmem:s0], [sflag:$0x1] =	stream.linear.gather [hbm4b:s26+s3], $0x80, $0x38;
	[tilespmem:$0x10100] =	vst v63  }
0xb9: {  	s0 =	sadd.s32 $0x180, s24;
	s26 =	sadd.s32 s1, s30;
	s29 =	spop (v2sf)  }
0xba: {  	[tilespmem:s0], [sflag:$0x1] =	stream.linear.gather [hbm4b:s26+s3], $0x80, $0x38;
	(v2sf) =	vpush v0, $0x4;
	[tilespmem:$0x10100] =	vst v63  }
0xbb: {  	s0 =	sadd.s32 $0x4180, s24;
	s26 =	sadd.s32 s4, s2;
	s29 =	sand.u32 $0x1FFFFFF0, s29  }
0xbc: {  	[tilespmem:s0], [sflag:$0x1] =	stream.linear.gather [hbm4b:s26+s3], $0x80, $0x38;
	[tilespmem:$0x10100] =	vst v63  }
0xbd: {  	s0 =	sadd.s32 $0x8180, s24;
	s26 =	sadd.s32 s5, s30;
	s30 =	spop (v2sf)  }
0xbe: {  	[tilespmem:s0], [sflag:$0x1] =	stream.linear.gather [hbm4b:s26+s3], $0x80, $0x38;
	(v2sf) =	vpush v1, $0x5;
	[tilespmem:$0x10100] =	vst v63  }
0xbf: {  	s2 =	sadd.s32 s6, s2;
	s0 =	sadd.s32 $0xC180, s24;
	s26 =	sand.u32 $0x1FFFFFF0, s30  }
0xc0: {  	[tilespmem:s0], [sflag:$0x1] =	stream.linear.gather [hbm4b:s2+s3], $0x80, $0x38;
	[tilespmem:$0x10100] =	vst v63  }
0xc1: {  	s0 =	sadd.s32 $0x200, s24;
	s2 =	sadd.s32 s1, s28;
	s30 =	spop (v2sf)  }
0xc2: {  	[tilespmem:s0], [sflag:$0x1] =	stream.linear.gather [hbm4b:s2+s3], $0x80, $0x38;
	(v2sf) =	vpush v0, $0x5;
	[tilespmem:$0x10100] =	vst v63  }
0xc3: {  	s0 =	sadd.s32 $0x4200, s24;
	s2 =	sadd.s32 s4, s29;
	s30 =	sand.u32 $0x1FFFFFF0, s30  }
0xc4: {  	[tilespmem:s0], [sflag:$0x1] =	stream.linear.gather [hbm4b:s2+s3], $0x80, $0x38;
	[tilespmem:$0x10100] =	vst v63  }
0xc5: {  	s0 =	sadd.s32 $0x8200, s24;
	s2 =	sadd.s32 s5, s28;
	s28 =	spop (v2sf)  }
0xc6: {  	[tilespmem:s0], [sflag:$0x1] =	stream.linear.gather [hbm4b:s2+s3], $0x80, $0x38;
	(v2sf) =	vpush v1, $0x6;
	[tilespmem:$0x10100] =	vst v63  }
0xc7: {  	s0 =	sadd.s32 $0xC200, s24;
	s2 =	sadd.s32 s6, s29;
	s28 =	sand.u32 $0x1FFFFFF0, s28  }
0xc8: {  	[tilespmem:s0], [sflag:$0x1] =	stream.linear.gather [hbm4b:s2+s3], $0x80, $0x38;
	[tilespmem:$0x10100] =	vst v63  }
0xc9: {  	s0 =	sadd.s32 $0x280, s24;
	s2 =	sadd.s32 s1, s26;
	s29 =	spop (v2sf)  }
0xca: {  	[tilespmem:s0], [sflag:$0x1] =	stream.linear.gather [hbm4b:s2+s3], $0x80, $0x38;
	(v2sf) =	vpush v0, $0x6;
	[tilespmem:$0x10100] =	vst v63  }
0xcb: {  	s0 =	sadd.s32 $0x4280, s24;
	s2 =	sadd.s32 s4, s30;
	s29 =	sand.u32 $0x1FFFFFF0, s29  }
0xcc: {  	[tilespmem:s0], [sflag:$0x1] =	stream.linear.gather [hbm4b:s2+s3], $0x80, $0x38;
	[tilespmem:$0x10100] =	vst v63  }
0xcd: {  	s0 =	sadd.s32 $0x8280, s24;
	s2 =	sadd.s32 s5, s26;
	s26 =	spop (v2sf)  }
0xce: {  	[tilespmem:s0], [sflag:$0x1] =	stream.linear.gather [hbm4b:s2+s3], $0x80, $0x38;
	(v2sf) =	vpush v1, $0x7;
	[tilespmem:$0x10100] =	vst v63  }
0xcf: {  	s0 =	sadd.s32 $0xC280, s24;
	s2 =	sadd.s32 s6, s30;
	s26 =	sand.u32 $0x1FFFFFF0, s26  }
0xd0: {  	[tilespmem:s0], [sflag:$0x1] =	stream.linear.gather [hbm4b:s2+s3], $0x80, $0x38;
	[tilespmem:$0x10100] =	vst v63  }
0xd1: {  	s0 =	sadd.s32 $0x300, s24;
	s2 =	sadd.s32 s1, s28;
	s30 =	spop (v2sf)  }
0xd2: {  	[tilespmem:s0], [sflag:$0x1] =	stream.linear.gather [hbm4b:s2+s3], $0x80, $0x38;
	(v2sf) =	vpush v0, $0x7;
	[tilespmem:$0x10100] =	vst v63  }
0xd3: {  	s0 =	sadd.s32 $0x4300, s24;
	s2 =	sadd.s32 s4, s29;
	s30 =	sand.u32 $0x1FFFFFF0, s30  }
0xd4: {  	[tilespmem:s0], [sflag:$0x1] =	stream.linear.gather [hbm4b:s2+s3], $0x80, $0x38;
	[tilespmem:$0x10100] =	vst v63  }
0xd5: {  	s0 =	sadd.s32 $0x8300, s24;
	s2 =	sadd.s32 s5, s28;
	s28 =	spop (v2sf)  }
0xd6: {  	[tilespmem:s0], [sflag:$0x1] =	stream.linear.gather [hbm4b:s2+s3], $0x80, $0x38;
	(v2sf) =	vpush v1, $0x8;
	[tilespmem:$0x10100] =	vst v63  }
0xd7: {  	s0 =	sadd.s32 $0xC300, s24;
	s2 =	sadd.s32 s6, s29;
	s28 =	sand.u32 $0x1FFFFFF0, s28  }
0xd8: {  	[tilespmem:s0], [sflag:$0x1] =	stream.linear.gather [hbm4b:s2+s3], $0x80, $0x38;
	[tilespmem:$0x10100] =	vst v63  }
0xd9: {  	s0 =	sadd.s32 $0x380, s24;
	s2 =	sadd.s32 s1, s26;
	s29 =	spop (v2sf)  }
0xda: {  	[tilespmem:s0], [sflag:$0x1] =	stream.linear.gather [hbm4b:s2+s3], $0x80, $0x38;
	(v2sf) =	vpush v0, $0x8;
	[tilespmem:$0x10100] =	vst v63  }
0xdb: {  	s0 =	sadd.s32 $0x4380, s24;
	s2 =	sadd.s32 s4, s30;
	s29 =	sand.u32 $0x1FFFFFF0, s29  }
0xdc: {  	[tilespmem:s0], [sflag:$0x1] =	stream.linear.gather [hbm4b:s2+s3], $0x80, $0x38;
	[tilespmem:$0x10100] =	vst v63  }
0xdd: {  	s0 =	sadd.s32 $0x8380, s24;
	s2 =	sadd.s32 s5, s26;
	s26 =	spop (v2sf)  }
0xde: {  	[tilespmem:s0], [sflag:$0x1] =	stream.linear.gather [hbm4b:s2+s3], $0x80, $0x38;
	(v2sf) =	vpush v1, $0x9;
	[tilespmem:$0x10100] =	vst v63  }
0xdf: {  	s0 =	sadd.s32 $0xC380, s24;
	s2 =	sadd.s32 s6, s30;
	s26 =	sand.u32 $0x1FFFFFF0, s26  }
0xe0: {  	[tilespmem:s0], [sflag:$0x1] =	stream.linear.gather [hbm4b:s2+s3], $0x80, $0x38;
	[tilespmem:$0x10100] =	vst v63  }
0xe1: {  	s0 =	sadd.s32 $0x400, s24;
	s2 =	sadd.s32 s1, s28;
	s30 =	spop (v2sf)  }
0xe2: {  	[tilespmem:s0], [sflag:$0x1] =	stream.linear.gather [hbm4b:s2+s3], $0x80, $0x38;
	(v2sf) =	vpush v0, $0x9;
	[tilespmem:$0x10100] =	vst v63  }
0xe3: {  	s0 =	sadd.s32 $0x4400, s24;
	s2 =	sadd.s32 s4, s29;
	s30 =	sand.u32 $0x1FFFFFF0, s30  }
0xe4: {  	[tilespmem:s0], [sflag:$0x1] =	stream.linear.gather [hbm4b:s2+s3], $0x80, $0x38;
	(v2sf) =	vpush v1, $0xA;
	[tilespmem:$0x10100] =	vst v63  }
0xe5: {  	s0 =	sadd.s32 $0x8400, s24;
	s2 =	sadd.s32 s5, s28;
	s28 =	spop (v2sf)  }
0xe6: {  	[tilespmem:s0], [sflag:$0x1] =	stream.linear.gather [hbm4b:s2+s3], $0x80, $0x38;
	[tilespmem:$0x10100] =	vst v63  }
0xe7: {  	s0 =	sadd.s32 $0xC400, s24;
	s2 =	sadd.s32 s6, s29;
	s28 =	sand.u32 $0x1FFFFFF0, s28  }
0xe8: {  	[tilespmem:s0], [sflag:$0x1] =	stream.linear.gather [hbm4b:s2+s3], $0x80, $0x38;
	(v2sf) =	vpush v0, $0xA;
	[tilespmem:$0x10100] =	vst v63  }
0xe9: {  	s0 =	sadd.s32 $0x480, s24;
	s2 =	sadd.s32 s1, s26;
	s29 =	spop (v2sf)  }
0xea: {  	[tilespmem:s0], [sflag:$0x1] =	stream.linear.gather [hbm4b:s2+s3], $0x80, $0x38;
	[tilespmem:$0x10100] =	vst v63  }
0xeb: {  	s0 =	sadd.s32 $0x4480, s24;
	s2 =	sadd.s32 s4, s30;
	s29 =	sand.u32 $0x1FFFFFF0, s29  }
0xec: {  	[tilespmem:s0], [sflag:$0x1] =	stream.linear.gather [hbm4b:s2+s3], $0x80, $0x38;
	[tilespmem:$0x10100] =	vst v63  }
0xed: {  	s0 =	sadd.s32 $0x8480, s24;
	s2 =	sadd.s32 s5, s26;
	s26 =	spop (v2sf)  }
0xee: {  	[tilespmem:s0], [sflag:$0x1] =	stream.linear.gather [hbm4b:s2+s3], $0x80, $0x38;
	(v2sf) =	vpush v1, $0xB;
	[tilespmem:$0x10100] =	vst v63  }
0xef: {  	s0 =	sadd.s32 $0xC480, s24;
	s2 =	sadd.s32 s6, s30;
	s26 =	sand.u32 $0x1FFFFFF0, s26  }
0xf0: {  	[tilespmem:s0], [sflag:$0x1] =	stream.linear.gather [hbm4b:s2+s3], $0x80, $0x38;
	[tilespmem:$0x10100] =	vst v63  }
0xf1: {  	s0 =	sadd.s32 $0x500, s24;
	s2 =	sadd.s32 s1, s28;
	s30 =	spop (v2sf)  }
0xf2: {  	[tilespmem:s0], [sflag:$0x1] =	stream.linear.gather [hbm4b:s2+s3], $0x80, $0x38;
	(v2sf) =	vpush v0, $0xB;
	[tilespmem:$0x10100] =	vst v63  }
0xf3: {  	s0 =	sadd.s32 $0x4500, s24;
	s2 =	sadd.s32 s4, s29;
	s31 =	spop (v2sf)  }
0xf4: {  	[tilespmem:s0], [sflag:$0x1] =	stream.linear.gather [hbm4b:s2+s3], $0x80, $0x38;
	(v2sf) =	vpush v1, $0xC;
	[tilespmem:$0x10100] =	vst v63  }
0xf5: {  	s0 =	sadd.s32 $0x8500, s24;
	s2 =	sadd.s32 s5, s28;
	s28 =	sand.u32 $0x1FFFFFF0, s31  }
0xf6: {  	[tilespmem:s0], [sflag:$0x1] =	stream.linear.gather [hbm4b:s2+s3], $0x80, $0x38;
	[tilespmem:$0x10100] =	vst v63  }
0xf7: {  	s0 =	sadd.s32 $0xC500, s24;
	s2 =	sadd.s32 s6, s29;
	s29 =	spop (v2sf)  }
0xf8: {  	[tilespmem:s0], [sflag:$0x1] =	stream.linear.gather [hbm4b:s2+s3], $0x80, $0x38;
	(v2sf) =	vpush v0, $0xC;
	[tilespmem:$0x10100] =	vst v63  }
0xf9: {  	s30 =	sand.u32 $0x1FFFFFF0, s30;
	s0 =	sadd.s32 $0x580, s24;
	s2 =	sadd.s32 s1, s26  }
0xfa: {  	[tilespmem:s0], [sflag:$0x1] =	stream.linear.gather [hbm4b:s2+s3], $0x80, $0x38;
	[tilespmem:$0x10100] =	vst v63  }
0xfb: {  	s29 =	sand.u32 $0x1FFFFFF0, s29;
	s0 =	sadd.s32 $0x4580, s24;
	s2 =	sadd.s32 s4, s30  }
0xfc: {  	[tilespmem:s0], [sflag:$0x1] =	stream.linear.gather [hbm4b:s2+s3], $0x80, $0x38;
	(v2sf) =	vpush v1, $0xD;
	[tilespmem:$0x10100] =	vst v63  }
0xfd: {  	s0 =	sadd.s32 $0x8580, s24;
	s2 =	sadd.s32 s5, s26;
	s26 =	spop (v2sf)  }
0xfe: {  	[tilespmem:s0], [sflag:$0x1] =	stream.linear.gather [hbm4b:s2+s3], $0x80, $0x38;
	[tilespmem:$0x10100] =	vst v63  }
0xff: {  	s0 =	sadd.s32 $0xC580, s24;
	s2 =	sadd.s32 s6, s30;
	s26 =	sand.u32 $0x1FFFFFF0, s26  }
0x100: {  	[tilespmem:s0], [sflag:$0x1] =	stream.linear.gather [hbm4b:s2+s3], $0x80, $0x38;
	(v2sf) =	vpush v0, $0xD;
	[tilespmem:$0x10100] =	vst v63  }
0x101: {  	s0 =	sadd.s32 $0x600, s24;
	s2 =	sadd.s32 s1, s28;
	s30 =	spop (v2sf)  }
0x102: {  	[tilespmem:s0], [sflag:$0x1] =	stream.linear.gather [hbm4b:s2+s3], $0x80, $0x38;
	[tilespmem:$0x10100] =	vst v63  }
0x103: {  	s0 =	sadd.s32 $0x4600, s24;
	s2 =	sadd.s32 s4, s29;
	s31 =	spop (v2sf)  }
0x104: {  	[tilespmem:s0], [sflag:$0x1] =	stream.linear.gather [hbm4b:s2+s3], $0x80, $0x38;
	[tilespmem:$0x10100] =	vst v63  }
0x105: {  	s0 =	sadd.s32 $0x8600, s24;
	s2 =	sadd.s32 s5, s28;
	s28 =	sand.u32 $0x1FFFFFF0, s31  }
0x106: {  	[tilespmem:s0], [sflag:$0x1] =	stream.linear.gather [hbm4b:s2+s3], $0x80, $0x38;
	(v2sf) =	vpush v1, $0xE;
	[tilespmem:$0x10100] =	vst v63  }
0x107: {  	s0 =	sadd.s32 $0xC600, s24;
	s2 =	sadd.s32 s6, s29;
	s29 =	spop (v2sf)  }
0x108: {  	[tilespmem:s0], [sflag:$0x1] =	stream.linear.gather [hbm4b:s2+s3], $0x80, $0x38;
	[tilespmem:$0x10100] =	vst v63  }
0x109: {  	s30 =	sand.u32 $0x1FFFFFF0, s30;
	s0 =	sadd.s32 $0x680, s24;
	s2 =	sadd.s32 s1, s26  }
0x10a: {  	[tilespmem:s0], [sflag:$0x1] =	stream.linear.gather [hbm4b:s2+s3], $0x80, $0x38;
	(v2sf) =	vpush v0, $0xE;
	[tilespmem:$0x10100] =	vst v63  }
0x10b: {  	s0 =	sadd.s32 $0x4680, s24;
	s2 =	sadd.s32 s4, s30;
	s31 =	spop (v2sf)  }
0x10c: {  	[tilespmem:s0], [sflag:$0x1] =	stream.linear.gather [hbm4b:s2+s3], $0x80, $0x38;
	[tilespmem:$0x10100] =	vst v63  }
0x10d: {  	s0 =	sadd.s32 $0x8680, s24;
	s2 =	sadd.s32 s5, s26;
	s26 =	sand.u32 $0x1FFFFFF0, s31  }
0x10e: {  	[tilespmem:s0], [sflag:$0x1] =	stream.linear.gather [hbm4b:s2+s3], $0x80, $0x38;
	(v2sf) =	vpush v1, $0xF;
	[tilespmem:$0x10100] =	vst v63  }
0x10f: {  	s0 =	sadd.s32 $0xC680, s24;
	s2 =	sadd.s32 s6, s30;
	s30 =	spop (v2sf)  }
0x110: {  	[tilespmem:s0], [sflag:$0x1] =	stream.linear.gather [hbm4b:s2+s3], $0x80, $0x38;
	[tilespmem:$0x10100] =	vst v63  }
0x111: {  	s29 =	sand.u32 $0x1FFFFFF0, s29;
	s0 =	sadd.s32 $0x700, s24;
	s2 =	sadd.s32 s1, s28  }
0x112: {  	[tilespmem:s0], [sflag:$0x1] =	stream.linear.gather [hbm4b:s2+s3], $0x80, $0x38;
	(v2sf) =	vpush v0, $0xF;
	[tilespmem:$0x10100] =	vst v63  }
0x113: {  	s30 =	sand.u32 $0x1FFFFFF0, s30;
	s0 =	sadd.s32 $0x4700, s24;
	s2 =	sadd.s32 s4, s29  }
0x114: {  	[tilespmem:s0], [sflag:$0x1] =	stream.linear.gather [hbm4b:s2+s3], $0x80, $0x38;
	[tilespmem:$0x10100] =	vst v63  }
0x115: {  	s0 =	sadd.s32 $0x8700, s24;
	s2 =	sadd.s32 s5, s28;
	s28 =	spop (v2sf)  }
0x116: {  	[tilespmem:s0], [sflag:$0x1] =	stream.linear.gather [hbm4b:s2+s3], $0x80, $0x38;
	[tilespmem:$0x10100] =	vst v63  }
0x117: {  	s0 =	sadd.s32 $0xC700, s24;
	s2 =	sadd.s32 s6, s29;
	s28 =	sand.u32 $0x1FFFFFF0, s28  }
0x118: {  	[tilespmem:s0], [sflag:$0x1] =	stream.linear.gather [hbm4b:s2+s3], $0x80, $0x38;
	[tilespmem:$0x10100] =	vst v63  }
0x119: {  	s0 =	sadd.s32 $0x780, s24;
	s2 =	sadd.s32 s1, s26;
	s29 =	spop (v2sf)  }
0x11a: {  	[tilespmem:s0], [sflag:$0x1] =	stream.linear.gather [hbm4b:s2+s3], $0x80, $0x38;
	[tilespmem:$0x10100] =	vst v63  }
0x11b: {  	s0 =	sadd.s32 $0x4780, s24;
	s2 =	sadd.s32 s4, s30;
	s29 =	sand.u32 $0x1FFFFFF0, s29  }
0x11c: {  	[tilespmem:s0], [sflag:$0x1] =	stream.linear.gather [hbm4b:s2+s3], $0x80, $0x38;
	[tilespmem:$0x10100] =	vst v63  }
0x11d: {  	s0 =	sadd.s32 $0x8780, s24;
	s2 =	sadd.s32 s5, s26;
	s26 =	spop (v2sf)  }
0x11e: {  	[tilespmem:s0], [sflag:$0x1] =	stream.linear.gather [hbm4b:s2+s3], $0x80, $0x38;
	[tilespmem:$0x10100] =	vst v63  }
0x11f: {  	s0 =	sadd.s32 $0xC780, s24;
	s2 =	sadd.s32 s6, s30;
	s30 =	sand.u32 $0x1FFFFFF0, s26  }
0x120: {  	[tilespmem:s0], [sflag:$0x1] =	stream.linear.gather [hbm4b:s2+s3], $0x80, $0x38;
	[tilespmem:$0x10100] =	vst v63  }
0x121: {  	s0 =	sadd.s32 $0x800, s24;
	s2 =	sadd.s32 s1, s28;
	s31 =	spop (v2sf)  }
0x122: {  	[tilespmem:s0], [sflag:$0x1] =	stream.linear.gather [hbm4b:s2+s3], $0x80, $0x38;
	[tilespmem:$0x10100] =	vst v63  }
0x123: {  	s26 =	sadd.s32 s5, s30;
	s0 =	sadd.s32 $0x4800, s24;
	s2 =	sadd.s32 s4, s29  }
0x124: {  	[tilespmem:s0], [sflag:$0x1] =	stream.linear.gather [hbm4b:s2+s3], $0x80, $0x38;
	[tilespmem:$0x10100] =	vst v63  }
0x125: {  	s0 =	sadd.s32 $0x8800, s24;
	s2 =	sadd.s32 s5, s28  }
0x126: {  	[tilespmem:s0], [sflag:$0x1] =	stream.linear.gather [hbm4b:s2+s3], $0x80, $0x38;
	[tilespmem:$0x10100] =	vst v63  }
0x127: {  	s0 =	sadd.s32 $0xC800, s24;
	s2 =	sadd.s32 s6, s29  }
0x128: {  	[tilespmem:s0], [sflag:$0x1] =	stream.linear.gather [hbm4b:s2+s3], $0x80, $0x38;
	[tilespmem:$0x10100] =	vst v63  }
.Ltmp0:
0x129: {  	_ = 	snop;
	(pc) =	sbr.rel @p0 .LBB2_2-.Ltmp0, $4  }
0x12a: {  	s28 =	sand.u32 $0x1FFFFFF0, s31;
	s0 =	sadd.s32 $0x880, s24;
	s2 =	sadd.s32 s1, s30  }
0x12b: {  	[tilespmem:s0], [sflag:$0x1] =	stream.linear.gather [hbm4b:s2+s3], $0x80, $0x38;
	[tilespmem:$0x10100] =	vst v63  }
0x12c: {  	s0 =	sadd.s32 $0x4880, s24;
	s2 =	sadd.s32 s4, s28  }
0x12d: {  	[tilespmem:s0], [sflag:$0x1] =	stream.linear.gather [hbm4b:s2+s3], $0x80, $0x38;
	[tilespmem:$0x10100] =	vst v63  }
0x12e: {  	[tilespmem:s25], [sflag:$0x1] =	stream.linear.gather [hbm4b:s26+s3], $0x80, $0x38;
	[tilespmem:$0x10100] =	vst v63  }
0x12f: {  	s0 =	sadd.s32 $0xC880, s24;
	s2 =	sadd.s32 s6, s28  }
0x130: {  	[tilespmem:s0], [sflag:$0x1] =	stream.linear.gather [hbm4b:s2+s3], $0x80, $0x38;
	[tilespmem:$0x10100] =	vst v63  }
0x131: {  	_ =	swait.ge [sflag:s15], $0x4000  }
0x132: {  	[sflag:s15] =	ssyncset.done $0x0  }
0x133: {  	[sflag:s15] =	ssyncadd.s32 $0xFFFFC000  }
0x134: {  	_ =	swait.ge [sflag:s15], $0x4000  }
0x135: {  	[sflag:s15] =	ssyncset.done $0x0  }
0x136: {  	[sflag:s15] =	ssyncadd.s32 $0xFFFFC000  }
0x137: {  	_ =	swait.ge [sflag:s15], $0x4000  }
0x138: {  	[sflag:s15] =	ssyncset.done $0x0  }
0x139: {  	[sflag:s15] =	ssyncadd.s32 $0xFFFFC000  }
0x13a: {  	_ =	swait.ge [sflag:s15], $0x4000  }
0x13b: {  	[sflag:s15] =	ssyncset.done $0x0  }
0x13c: {  	[sflag:s15] =	ssyncadd.s32 $0xFFFFC000  }
0x13d: {  	[hbm4b:s8+s3] =	stream.linear.scatter [tilespmem:s16], [sflag:$0x2], $0x4000, $0x38;
	[tilespmem:$0x10100] =	vst v63  }
0x13e: {  	_ =	swait.ge [sflag:s14], $0x4000  }
0x13f: {  	[sflag:s14] =	ssyncset.done $0x0  }
0x140: {  	[sflag:s14] =	ssyncadd.s32 $0xFFFFC000  }
0x141: {  	[hbm4b:s10+s3] =	stream.linear.scatter [tilespmem:s17], [sflag:$0x2], $0x4000, $0x38;
	[tilespmem:$0x10100] =	vst v63  }
0x142: {  	_ =	swait.ge [sflag:s14], $0x4000  }
0x143: {  	[sflag:s14] =	ssyncset.done $0x0  }
0x144: {  	[sflag:s14] =	ssyncadd.s32 $0xFFFFC000  }
0x145: {  	[hbm4b:s11+s3] =	stream.linear.scatter [tilespmem:s18], [sflag:$0x2], $0x4000, $0x38;
	[tilespmem:$0x10100] =	vst v63  }
0x146: {  	s20 =	sadd.s32 $0x1, s20;
	_ =	swait.ge [sflag:s14], $0x4000  }
0x147: {  	p0 =	sne.s32 s20, s13;
	[sflag:s14] =	ssyncset.done $0x0  }
.Ltmp1:
0x148: {  	[sflag:s14] =	ssyncadd.s32 $0xFFFFC000;
	(pc) =	sbr.rel @p0 .LBB2_1-.Ltmp1, $4  }
0x149: {  	[hbm4b:s12+s3] =	stream.linear.scatter [tilespmem:s19], [sflag:$0x2], $0x4000, $0x38;
	[tilespmem:$0x10100] =	vst v63  }
0x14a: {  	_ =	swait.ge [sflag:s14], $0x4000  }
0x14b: {  	[sflag:s14] =	ssyncset.done $0x0  }
0x14c: {  	[sflag:s14] =	ssyncadd.s32 $0xFFFFC000  }
0x14d: {  	_ =	sfence.sel $0x180000  }
0x14e: {  	[bflag:$0x0] =	sbarrier.arrive $0xFFFF  }
0x14f: {  	_ =	strace $0x9000004A  }
0x150: {  	s0 =	stileid.u32;
	[bflag:$0x2] =	sbarrier.arrive $0xFFFF  }
0x151: {  	p0 =	sne.s32 s0, $0x0;
	s0 =	rddreg [dreg:$0x4]  }
0x152: {  	s0 =	sadd.s32 @!p0 $0x100000, s0  }
0x153: {  	[sflag:s0] =	ssyncadd.tile.s32 @!p0 $0x1;
	_ =	shalt  }
.Lfunc_end2:
_tile_overlayer_lowered:
.L_overlay_start_2:
0x154: {  	(tag) =	ssettag $0x2  }
0x155: {  	s0 =	rddreg [dreg:$0x0];
	s2 =	stileid.u32  }
0x156: {  	s1 =	rddreg [dreg:$0x1];
	p0 =	sne.s32 s2, $0x0  }
0x157: {  	s3 =	rddreg [dreg:$0x2];
	[bflag:$0x3] =	sbarrier.arrive $0xFFFF;
	s2 =	simm.s32 @!p0 $0x1C02  }
0x158: {  	[timem:s3], [sflag:s2] =	dma.local @!p0 [hbm:s0], s1  }
0x159: {  	s0 =	simm.s32 @!p0 $0x2  }
0x15a: {  	_ =	swait.ge @!p0 [sflag:s0], s1  }
0x15b: {  	s1 =	ssub.s32 @!p0 $0x0, s1;
	[sflag:s0] =	ssyncset.done @!p0 $0x0  }
0x15c: {  	[sflag:s0] =	ssyncadd.s32 @!p0 s1  }
0x15d: {  	[bflag:$0x3] =	sbarrier.arrive $0xFFFF  }
0x15e: {  	_ =	shalt  }

// kernel: kernel.9.cloned.1.call-start
scs
__scs_entry_jumppad:
0x0: {  	(pc) =	sbr.rel $0x88, $3  }
0x1: {  	(tag) =	ssettag $0x0;
	lr =	simm.s32 $0x1  }
0x2: {  	[smem:$0x3F94] =	sst lr;
	_ =	strace $0xD0000000  }
0x3: {  	_ = 	snop  }
0x4: {  	_ = 	snop  }
0x5: {  	_ = 	snop  }
0x6: {  	_ = 	snop  }
0x7: {  	_ = 	snop  }
__scs_overlays_trampoline_lowered:
0x8: {  	[smem:$0x3FA3] =	sst s0  }
0x9: {  	[smem:$0x3FA4] =	sst s1  }
0xa: {  	[smem:$0x3FA5] =	sst s2  }
0xb: {  	[smem:$0x3FA6] =	sst s3  }
0xc: {  	[smem:$0x3FA7] =	sst s4  }
0xd: {  	[smem:$0x3FA8] =	sst s5  }
0xe: {  	[smem:$0x3FA9] =	sst s6  }
0xf: {  	[smem:$0x3FAA] =	sst s7  }
0x10: {  	[smem:$0x3FAB] =	sst s8  }
0x11: {  	[smem:$0x3FAC] =	sst s9;
	s0 =	simm.s32 @!p0 $0x0  }
0x12: {  	s1 =	sld [smem:$0x3F92];
	s0 =	simm.s32 @p0 $0x1  }
0x13: {  	[smem:$0x3FAD] =	sst s0;
	s0 =	simm.s32 @!p1 $0x0  }
0x14: {  	s2 =	sld [smem:$0x3F91];
	s0 =	simm.s32 @p1 $0x1  }
0x15: {  	[smem:$0x3FAE] =	sst s0;
	s0 =	simm.s32 @!p2 $0x0  }
0x16: {  	s3 =	sld [smem:$0x3FDB];
	s0 =	simm.s32 @p2 $0x1  }
0x17: {  	s4 =	simm.s32 $0x1BF5;
	[smem:$0x3FB0] =	sst s0  }
0x18: {  	s0 =	sld [smem:$0x3F93];
	_ =	swait.ge [sflag:s4], $0x0  }
0x19: {  	s7 =	sld [smem:$0x3F94]  }
0x1a: {  	s8 =	sadd.s32 $0xFFFFE003, lr  }
0x1b: {  	s9 =	sadd.s32 $0xFFFFFEF7, lr;
	s5 =	simm.s32 $0xFFFFFFFF;
	p2 =	slt.u32 s8, $0xFFFFF086  }
0x1c: {  	p1 =	slt.u32 s9, $0xF7A;
	s5 =	simm.s32 @!p2 $0x0  }
0x1d: {  	s5 =	simm.s32 @p1 $0x1;
	p0 =	seq.s32 s7, s2  }
0x1e: {  	s7 =	smul.u32 @!p0 $0xF7A, s2;
	p2 =	seq.s32 @!p0 s5, $0x0  }
0x1f: {  	s9 =	smul.u32 $0xF7A, s1;
	s8 =	simm.s32 @!p0 $0x1BF5;
	p2 =	por !p2, p0  }
0x20: {  	[sflag:s8] =	ssyncset.s32 @!p0 $0xFFFFF086;
	s6 =	sadd.s32 @!p0 s3, s7;
	s7 =	simm.s32 @!p0 $0x108  }
0x21: {  	s3 =	sadd.s32 s3, s9;
	s6 =	sadd.s32 @!p0 $0x88, s6;
	s7 =	simm.s32 @p2 $0x1082  }
0x22: {  	[simem:s7], [sflag:s8] =	dma.local @!p0 [hbm:s6], $0xF7A  }
0x23: {  	s9 =	sor.u32 $0xD0000000, s2;
	s6 =	simm.s32 $0x108;
	_ =	swait.ge @!p0 [sflag:s8], $0x0  }
0x24: {  	s3 =	sadd.s32 $0x88, s3;
	s6 =	simm.s32 @!p1 $0x1082;
	[sflag:s4] =	ssyncset.s32 $0xFFFFF086  }
0x25: {  	[simem:s6], [sflag:s4] =	dma.local [hbm:s3], $0xF7A  }
0x26: {  	[smem:$0x3F94] =	sst s1;
	(tag) =	ssettag s2;
	_ =	strace s9  }
0x27: {  	s1 =	sld [smem:$0x3FA4]  }
0x28: {  	s2 =	sld [smem:$0x3FA5]  }
0x29: {  	s4 =	sld [smem:$0x3FA7]  }
0x2a: {  	p0 =	seq.s32 s5, $0x0;
	s5 =	sld [smem:$0x3FA8]  }
0x2b: {  	s6 =	sld [smem:$0x3FA9]  }
0x2c: {  	s7 =	sld [smem:$0x3FAA]  }
0x2d: {  	s3 =	simm.s32 $0x108;
	s8 =	sld [smem:$0x3FAB]  }
0x2e: {  	s3 =	simm.s32 @!p0 $0x1082;
	s9 =	sld [smem:$0x3FAC]  }
0x2f: {  	lr =	sadd.s32 s0, s3;
	s0 =	sld [smem:$0x3FA3]  }
0x30: {  	s3 =	sld [smem:$0x3FA6]  }
0x31: {  	[smem:$0x3FAF] =	sst s10  }
0x32: {  	s10 =	sld [smem:$0x3FAD];
	_ =	sdelay $0x3  }
0x33: {  	p0 =	seq.s32 s10, $0x1;
	s10 =	sld [smem:$0x3FAF];
	_ =	sdelay $0x3  }
0x34: {  	[smem:$0x3FAF] =	sst s10  }
0x35: {  	s10 =	sld [smem:$0x3FAE];
	_ =	sdelay $0x3  }
0x36: {  	p1 =	seq.s32 s10, $0x1;
	s10 =	sld [smem:$0x3FAF];
	_ =	sdelay $0x3  }
0x37: {  	[smem:$0x3FAF] =	sst s10  }
0x38: {  	s10 =	sld [smem:$0x3FB0]  }
0x39: {  	_ = 	snop;
	(pc) =	sbr.ind lr, $3  }
0x3a: {  	_ = 	snop  }
0x3b: {  	_ = 	snop  }
0x3c: {  	p2 =	seq.s32 s10, $0x1;
	s10 =	sld [smem:$0x3FAF]  }
0x3d: {  	_ =	shalt  }
0x3e: {  	_ =	shalt  }
0x3f: {  	_ =	shalt  }
0x40: {  	_ =	shalt  }
0x41: {  	_ =	shalt  }
0x42: {  	_ =	shalt  }
0x43: {  	_ =	shalt  }
0x44: {  	_ =	shalt  }
0x45: {  	_ =	shalt  }
0x46: {  	_ =	shalt  }
0x47: {  	_ =	shalt  }
0x48: {  	_ =	shalt  }
0x49: {  	_ =	shalt  }
0x4a: {  	_ =	shalt  }
0x4b: {  	_ =	shalt  }
0x4c: {  	_ =	shalt  }
0x4d: {  	_ =	shalt  }
0x4e: {  	_ =	shalt  }
0x4f: {  	_ =	shalt  }
0x50: {  	_ =	shalt  }
0x51: {  	_ =	shalt  }
0x52: {  	_ =	shalt  }
0x53: {  	_ =	shalt  }
0x54: {  	_ =	shalt  }
0x55: {  	_ =	shalt  }
0x56: {  	_ =	shalt  }
0x57: {  	_ =	shalt  }
0x58: {  	_ =	shalt  }
0x59: {  	_ =	shalt  }
0x5a: {  	_ =	shalt  }
0x5b: {  	_ =	shalt  }
0x5c: {  	_ =	shalt  }
0x5d: {  	_ =	shalt  }
0x5e: {  	_ =	shalt  }
0x5f: {  	_ =	shalt  }
0x60: {  	_ =	shalt  }
0x61: {  	_ =	shalt  }
0x62: {  	_ =	shalt  }
0x63: {  	_ =	shalt  }
0x64: {  	_ =	shalt  }
0x65: {  	_ =	shalt  }
0x66: {  	_ =	shalt  }
0x67: {  	_ =	shalt  }
0x68: {  	_ =	shalt  }
0x69: {  	_ =	shalt  }
0x6a: {  	_ =	shalt  }
0x6b: {  	_ =	shalt  }
0x6c: {  	_ =	shalt  }
0x6d: {  	_ =	shalt  }
0x6e: {  	_ =	shalt  }
0x6f: {  	_ =	shalt  }
0x70: {  	_ =	shalt  }
0x71: {  	_ =	shalt  }
0x72: {  	_ =	shalt  }
0x73: {  	_ =	shalt  }
0x74: {  	_ =	shalt  }
0x75: {  	_ =	shalt  }
0x76: {  	_ =	shalt  }
0x77: {  	_ =	shalt  }
0x78: {  	_ =	shalt  }
0x79: {  	_ =	shalt  }
0x7a: {  	_ =	shalt  }
0x7b: {  	_ =	shalt  }
0x7c: {  	_ =	shalt  }
0x7d: {  	_ =	shalt  }
0x7e: {  	_ =	shalt  }
0x7f: {  	_ =	shalt  }
0x80: {  	_ =	shalt  }
0x81: {  	_ =	shalt  }
0x82: {  	_ =	shalt  }
0x83: {  	_ =	shalt  }
0x84: {  	_ =	shalt  }
0x85: {  	_ =	shalt  }
0x86: {  	_ =	shalt  }
0x87: {  	_ =	shalt  }
.Lfunc_end0:
.L_simem_size_0:
called_computation.1_lowered:
.L_overlay_start_0:
0x88: {  	s2 =	sld [smem:$0x3FD9]  }
0x89: {  	s3 =	sld [smem:$0x3FFE];
	_ =	sdelay $0x1  }
0x8a: {  	s1 =	srdreg.scid  }
0x8b: {  	s0 =	sand.u32 $0x1, s1  }
0x8c: {  	s17 =	sshll.u32 s0, $0xA;
	s2 =	sadd.s32 s3, s2  }
0x8d: {  	s2 =	sadd.s32 s2, s17  }
0x8e: {  	[smem:$0x3FBB] =	sst s2  }
0x8f: {  	_ = 	snop  }
0x90: {  	s2 =	sld [smem:$0x3FC9]  }
0x91: {  	s18 =	sld [smem:$0x3FC8];
	(tm) =	ssettm $0x1  }
0x92: {  	s4 =	sld [smem:$0x3FFB];
	_ =	sdelay $0x3  }
0x93: {  	_ =	strace s4  }
0x94: {  	s4 =	sld [smem:$0x3FFC];
	_ =	sdelay $0x3  }
0x95: {  	_ =	strace s4  }
0x96: {  	s4 =	sld [smem:$0x3FFD];
	_ =	sdelay $0x3  }
0x97: {  	_ =	strace s4  }
0x98: {  	_ =	strace $0x8FFFFFFF  }
0x99: {  	s19 =	sld [smem:$0x3FDB];
	_ =	sdelay $0x1  }
0x9a: {  	s5 =	simm.s32 $_scs_section_size  }
0x9b: {  	s6 =	simm.s32 $_size__tile_overlayer_lowered;
	s7 =	simm.s32 $_tile_overlayer_lowered  }
0x9c: {  	s22 =	simm.s32 $0x1BFF;
	s21 =	sshll.u32 s7, $0x1;
	s4 =	sadd.s32 s5, s19  }
0x9d: {  	s8 =	simm.s32 $0x0;
	s20 =	sshll.u32 s6, $0x1;
	s6 =	sadd.s32 s21, s4  }
0x9e: {  	[timem:s8], [sflag:s22] =	dma.local [hbm:s6], s20  }
0x9f: {  	_ =	swait.ge [sflag:s22], s20  }
0xa0: {  	s5 =	ssub.s32 $0x0, s20;
	[sflag:s22] =	ssyncset.done $0x0  }
0xa1: {  	[sflag:s22] =	ssyncadd.s32 s5;
	_ =	sdelay $0x1  }
0xa2: {  	s23 =	simm.s32 $0x1B8B  }
0xa3: {  	_ =	swait.ge [sflag:s23], $0x1  }
0xa4: {  	[sflag:s23] =	ssyncset.done $0x0  }
0xa5: {  	s25 =	simm.s32 $0x1B8E;
	s24 =	sld [smem:$0x3FFE];
	[sflag:s23] =	ssyncadd.s32 $0xFFFFFFFF  }
0xa6: {  	s26 =	simm.s32 $execute0_lowered;
	[smem:$0x3FD2] =	sst s25  }
0xa7: {  	s6 =	sshll.u32 s26, $0x1;
	_ =	strace $0x80000046;
	[dreg:$0x1] =	wrdreg $0xFFFFFFFF  }
0xa8: {  	s28 =	simm.s32 $_size_execute0_lowered;
	s4 =	sadd.s32 s4, s6;
	[dreg:$0x0] =	wrdreg $0x0  }
0xa9: {  	s6 =	sshll.u32 s28, $0x1;
	[dreg:$0x2] =	wrdreg s4  }
0xaa: {  	[dreg:$0x3] =	wrdreg s6  }
0xab: {  	[dreg:$0x4] =	wrdreg $0xC0  }
0xac: {  	_ =	task [dreg:s8], $0x5FFFF  }
0xad: {  	[dreg:$0x1] =	wrdreg $0xFFFFFFFF  }
0xae: {  	[dreg:$0x0] =	wrdreg $0x60  }
0xaf: {  	[dreg:$0x2] =	wrdreg s2  }
0xb0: {  	[dreg:$0x3] =	wrdreg s18  }
0xb1: {  	[dreg:$0x4] =	wrdreg s24  }
0xb2: {  	[dreg:$0x5] =	wrdreg $0xA  }
0xb3: {  	_ =	task.clear_ibuf [dreg:s8], $0x6FFFF;
	_ =	strace $0x90000046  }
0xb4: {  	s29 =	simm.s32 $0xA;
	_ =	strace $0x80000048  }
0xb5: {  	_ =	swait.ge [sflag:s29], $0x1  }
0xb6: {  	[sflag:s29] =	ssyncadd.s32 $0xFFFFFFFF  }
0xb7: {  	_ =	strace $0x90000048  }
0xb8: {  	_ =	sfence  }
0xb9: {  	s30 =	sld [smem:$0x0];
	_ =	sdelay $0x2  }
0xba: {  	s31 =	sshll.u32 s1, $0xD;
	s1 =	sshrl.u32 s1, $0x2  }
0xbb: {  	s3 =	sand.u32 $0x4000, s31;
	s1 =	sadd.s32 s1, s30  }
0xbc: {  	s0 =	sor.u32 s3, s0;
	s1 =	sshll.u32 s1, $0x11  }
0xbd: {  	s0 =	sor.u32 s1, s0  }
0xbe: {  	s0 =	sadd.s32 $0x8F2B, s0  }
0xbf: {  	[sflag:s0] =	ssyncadd.remote.s32 $0x1  }
0xc0: {  	_ =	sfence.sel $0xFFFF  }
0xc1: {  	[dreg:$0x0] =	wrdreg $0xFFFFFFFF;
	(pc) =	sbr.abs _section_cstart, $3  }
0xc2: {  	[dreg:$0x1] =	wrdreg $0xFFFFFFFF  }
0xc3: {  	_ =	task.clear_ibuf [dreg:s8], $0x2FFFF;
	_ =	strace $0x9FFFFFFF  }
0xc4: {  	(tm) =	ssettm $0x7FFFFFFF  }
0xc5: {  	_ =	shalt  }
tec
execute0_lowered:
.L_overlay_start_1:
0x0: {  	(tag) =	ssettag $0x1  }
0x1: {  	s3 =	rddreg [dreg:$0x0];
	s1 =	srdreg.scid  }
0x2: {  	s5 =	rddreg [dreg:$0x1];
	s0 =	stileid.u32;
	s23 =	sand.u32 $0x1, s1  }
0x3: {  	s22 =	rddreg [dreg:$0x2];
	s4 =	sshll.u32 s0, $0x8;
	s6 =	sshll.u32 s23, $0x7  }
0x4: {  	s2 =	simm.s32 $0x0;
	s1 =	rddreg [dreg:$0x3];
	s24 =	sor.u32 s6, s4  }
0x5: {  	[smem:$0x7FF] =	sst s2;
	s6 =	sshrl.u32 s24, $0x3  }
0x6: {  	_ =	strace $0x80000047;
	s4 =	sadd.s32 s3, s6;
	s3 =	simm.s32 $0x2  }
0x7: {  	[tilespmem:s2], [sflag:$0x2] =	stream.linear.gather [hbm4b:s4+s2], $0x80, $0x38;
	[tilespmem:$0x1A00] =	vst v63  }
0x8: {  	_ =	swait.ge [sflag:s3], $0x80  }
0x9: {  	[sflag:s3] =	ssyncset.done $0x0  }
0xa: {  	s5 =	sadd.s32 s5, s6;
	s6 =	simm.s32 $0x80;
	[sflag:s3] =	ssyncadd.s32 $0xFFFFFF80  }
0xb: {  	[tilespmem:s6], [sflag:$0x2] =	stream.linear.gather [hbm4b:s5+s2], $0x80, $0x38;
	[tilespmem:$0x1A00] =	vst v63  }
0xc: {  	_ =	swait.ge [sflag:s3], $0x80  }
0xd: {  	[sflag:s3] =	ssyncset.done $0x0  }
0xe: {  	[sflag:s3] =	ssyncadd.s32 $0xFFFFFF80  }
0xf: {  	v0 =	vld [tilespmem:$0xF0]  }
0x10: {  	v1 =	vld [tilespmem:$0xD0]  }
0x11: {  	v2 =	vld [tilespmem:$0xE0]  }
0x12: {  	v3 =	vld [tilespmem:$0x60]  }
0x13: {  	v4 =	vld [tilespmem:$0x90]  }
0x14: {  	v5 =	vld [tilespmem:$0x50];
	v0 =	vshrl.u32 v0, $0x3  }
0x15: {  	v6 =	vld [tilespmem:$0xC0];
	v1 =	vshrl.u32 v1, $0x3;
	[tilespmem:$0x1F0] =	vst v0  }
0x16: {  	v50 =	vld [tilespmem:$0xB0];
	v49 =	vshrl.u32 v2, $0x3;
	[tilespmem:$0x1D0] =	vst v1  }
0x17: {  	v52 =	vld [tilespmem:$0x30];
	v3 =	vshrl.u32 v3, $0x3;
	[tilespmem:$0x1E0] =	vst v49  }
0x18: {  	v55 =	vld [tilespmem:$0x20];
	v51 =	vshrl.u32 v4, $0x3;
	[tilespmem:$0x160] =	vst v3  }
0x19: {  	v56 =	vld [tilespmem:$0x70];
	v54 =	vshrl.u32 v5, $0x3;
	[tilespmem:$0x190] =	vst v51  }
0x1a: {  	v57 =	vld [tilespmem:$0x10];
	v6 =	vshrl.u32 v6, $0x3;
	[tilespmem:$0x150] =	vst v54  }
0x1b: {  	v59 =	vld [tilespmem:$0x0];
	v2 =	vshrl.u32 v50, $0x3;
	[tilespmem:$0x1C0] =	vst v6  }
0x1c: {  	v48 =	vld [tilespmem:$0x40];
	v4 =	vshrl.u32 v52, $0x3;
	[tilespmem:$0x1B0] =	vst v2  }
0x1d: {  	v53 =	vld [tilespmem:$0xA0];
	v60 =	vshrl.u32 v55, $0x3;
	[tilespmem:$0x130] =	vst v4  }
0x1e: {  	v58 =	vld [tilespmem:$0x80];
	v61 =	vshrl.u32 v56, $0x3;
	[tilespmem:$0x120] =	vst v60  }
0x1f: {  	v62 =	vshrl.u32 v57, $0x3;
	[tilespmem:$0x170] =	vst v61  }
0x20: {  	v63 =	vshrl.u32 v59, $0x3;
	[tilespmem:$0x110] =	vst v62  }
0x21: {  	v0 =	vshrl.u32 v48, $0x3;
	[tilespmem:$0x100] =	vst v63  }
0x22: {  	v1 =	vshrl.u32 v53, $0x3;
	[tilespmem:$0x140] =	vst v0  }
0x23: {  	[tilespmem:$0x1A0] =	vst v1;
	v0 =	vshrl.u32 v58, $0x3  }
0x24: {  	s8 =	simm.s32 $0x100;
	s9 =	simm.s32 $0x200;
	s7 =	sadd.s32 $0x1800, s22;
	[tilespmem:$0x180] =	vst v0  }
0x25: {  	[tilespmem:s9], [sflag:$0x1] =	stream.indirect.gather [hbm4b:s7+s6], $0x8, s8, s6, $0xb8;
	[tilespmem:$0x1A00] =	vst v63  }
0x26: {  	s12 =	simm.s32 $0x180;
	s14 =	simm.s32 $0x600;
	s10 =	sadd.s32 $0x4A00, s22  }
0x27: {  	[tilespmem:s14], [sflag:$0x1] =	stream.indirect.gather [hbm4b:s10+s6], $0x8, s12, s6, $0xb8;
	[tilespmem:$0x1A00] =	vst v63  }
0x28: {  	s16 =	simm.s32 $0xA00;
	s17 =	sadd.s32 $0x7C00, s22  }
0x29: {  	[tilespmem:s16], [sflag:$0x1] =	stream.indirect.gather [hbm4b:s17+s6], $0x8, s8, s6, $0xb8;
	[tilespmem:$0x1A00] =	vst v63  }
0x2a: {  	s15 =	simm.s32 $0xE00;
	s18 =	sadd.s32 $0xAE00, s22  }
0x2b: {  	[tilespmem:s15], [sflag:$0x1] =	stream.indirect.gather [hbm4b:s18+s6], $0x8, s12, s6, $0xb8;
	[tilespmem:$0x1A00] =	vst v63  }
0x2c: {  	s13 =	simm.s32 $0x1200;
	s19 =	sadd.s32 $0xE000, s22  }
0x2d: {  	[tilespmem:s13], [sflag:$0x1] =	stream.indirect.gather [hbm4b:s19+s6], $0x8, s8, s6, $0xb8;
	[tilespmem:$0x1A00] =	vst v63  }
0x2e: {  	s11 =	simm.s32 $0x1600;
	s21 =	simm.s32 $0x1;
	s20 =	sadd.s32 $0x11200, s22  }
0x2f: {  	[tilespmem:s11], [sflag:$0x1] =	stream.indirect.gather [hbm4b:s20+s6], $0x8, s12, s6, $0xb8;
	[tilespmem:$0x1A00] =	vst v63  }
0x30: {  	_ =	swait.ge [sflag:s21], $0x400  }
0x31: {  	[sflag:s21] =	ssyncset.done $0x0  }
0x32: {  	[sflag:s21] =	ssyncadd.s32 $0xFFFFFC00  }
0x33: {  	_ =	swait.ge [sflag:s21], $0x400  }
0x34: {  	[sflag:s21] =	ssyncset.done $0x0  }
0x35: {  	[sflag:s21] =	ssyncadd.s32 $0xFFFFFC00  }
0x36: {  	_ =	swait.ge [sflag:s21], $0x400  }
0x37: {  	[sflag:s21] =	ssyncset.done $0x0  }
0x38: {  	[sflag:s21] =	ssyncadd.s32 $0xFFFFFC00  }
0x39: {  	_ =	swait.ge [sflag:s21], $0x400  }
0x3a: {  	[sflag:s21] =	ssyncset.done $0x0  }
0x3b: {  	[sflag:s21] =	ssyncadd.s32 $0xFFFFFC00  }
0x3c: {  	_ =	swait.ge [sflag:s21], $0x400  }
0x3d: {  	[sflag:s21] =	ssyncset.done $0x0  }
0x3e: {  	[sflag:s21] =	ssyncadd.s32 $0xFFFFFC00  }
0x3f: {  	s23 =	ssub.s32 $0x2, s23;
	_ =	swait.ge [sflag:s21], $0x400  }
0x40: {  	s31 =	sshrl.u32 s23, $0x1;
	s29 =	sadd.s32 s24, s22;
	[sflag:s21] =	ssyncset.done $0x0  }
0x41: {  	s23 =	ssub.s32 s23, s31;
	s22 =	sadd.s32 $0x14400, s29;
	[sflag:s21] =	ssyncadd.s32 $0xFFFFFC00  }
0x42: {  	[hbm4b:s22+s2] =	stream.linear.scatter [tilespmem:s9], [sflag:$0x2], $0x400, $0x38;
	[tilespmem:$0x1A00] =	vst v63  }
0x43: {  	s30 =	smax.u32 s23, $0x1;
	_ =	swait.ge [sflag:s3], $0x400  }
0x44: {  	p0 =	sne.s32 s30, $0x1;
	[sflag:s3] =	ssyncset.done $0x0  }
.Ltmp0:
0x45: {  	s25 =	sadd.s32 $0x15400, s29;
	[sflag:s3] =	ssyncadd.s32 $0xFFFFFC00;
	(pc) =	sbr.rel @!p0 .LBB2_2-.Ltmp0, $4  }
0x46: {  	[hbm4b:s25+s2] =	stream.linear.scatter [tilespmem:s14], [sflag:$0x2], $0x400, $0x38;
	[tilespmem:$0x1A00] =	vst v63  }
0x47: {  	s28 =	sadd.s32 $0x16400, s29;
	_ =	swait.ge [sflag:s3], $0x400  }
0x48: {  	s26 =	sadd.s32 $0x17400, s29;
	s24 =	sadd.s32 $0x18400, s29;
	[sflag:s3] =	ssyncset.done $0x0  }
0x49: {  	s23 =	sadd.s32 $0x19400, s29;
	s29 =	sadd.s32 $0xFFFFFFFF, s30;
	[sflag:s3] =	ssyncadd.s32 $0xFFFFFC00  }
.LBB2_1:
0x4a: {  	[hbm4b:s28+s2] =	stream.linear.scatter [tilespmem:s16], [sflag:$0x2], $0x400, $0x38;
	[tilespmem:$0x1A00] =	vst v63  }
0x4b: {  	p0 =	sne.s32 s29, $0x1;
	s29 =	sadd.s32 $0xFFFFFFFF, s29;
	_ =	swait.ge [sflag:s3], $0x400  }
0x4c: {  	[sflag:s3] =	ssyncset.done $0x0  }
0x4d: {  	[sflag:s3] =	ssyncadd.s32 $0xFFFFFC00  }
0x4e: {  	[hbm4b:s26+s2] =	stream.linear.scatter [tilespmem:s15], [sflag:$0x2], $0x400, $0x38;
	[tilespmem:$0x1A00] =	vst v63  }
0x4f: {  	_ =	swait.ge [sflag:s3], $0x400  }
0x50: {  	[sflag:s3] =	ssyncset.done $0x0  }
0x51: {  	[sflag:s3] =	ssyncadd.s32 $0xFFFFFC00  }
0x52: {  	[hbm4b:s24+s2] =	stream.linear.scatter [tilespmem:s13], [sflag:$0x2], $0x400, $0x38;
	[tilespmem:$0x1A00] =	vst v63  }
0x53: {  	_ =	swait.ge [sflag:s3], $0x400  }
0x54: {  	[sflag:s3] =	ssyncset.done $0x0  }
0x55: {  	[sflag:s3] =	ssyncadd.s32 $0xFFFFFC00  }
0x56: {  	[hbm4b:s23+s2] =	stream.linear.scatter [tilespmem:s11], [sflag:$0x2], $0x400, $0x38;
	[tilespmem:$0x1A00] =	vst v63  }
0x57: {  	_ =	swait.ge [sflag:s3], $0x400  }
0x58: {  	[sflag:s3] =	ssyncset.done $0x0  }
0x59: {  	[sflag:s3] =	ssyncadd.s32 $0xFFFFFC00  }
0x5a: {  	[tilespmem:s2], [sflag:$0x2] =	stream.linear.gather [hbm4b:s4+s2], $0x80, $0x38;
	[tilespmem:$0x1A00] =	vst v63  }
0x5b: {  	_ =	swait.ge [sflag:s3], $0x80  }
0x5c: {  	[sflag:s3] =	ssyncset.done $0x0  }
0x5d: {  	[sflag:s3] =	ssyncadd.s32 $0xFFFFFF80  }
0x5e: {  	[tilespmem:s6], [sflag:$0x2] =	stream.linear.gather [hbm4b:s5+s2], $0x80, $0x38;
	[tilespmem:$0x1A00] =	vst v63  }
0x5f: {  	_ =	swait.ge [sflag:s3], $0x80  }
0x60: {  	[sflag:s3] =	ssyncset.done $0x0  }
0x61: {  	[sflag:s3] =	ssyncadd.s32 $0xFFFFFF80  }
0x62: {  	v0 =	vld [tilespmem:$0xF0]  }
0x63: {  	v1 =	vld [tilespmem:$0xD0]  }
0x64: {  	v2 =	vld [tilespmem:$0xE0]  }
0x65: {  	v3 =	vld [tilespmem:$0x60]  }
0x66: {  	v4 =	vld [tilespmem:$0x90]  }
0x67: {  	v5 =	vld [tilespmem:$0x50];
	v0 =	vshrl.u32 v0, $0x3  }
0x68: {  	v6 =	vld [tilespmem:$0xC0];
	v1 =	vshrl.u32 v1, $0x3;
	[tilespmem:$0x1F0] =	vst v0  }
0x69: {  	v0 =	vld [tilespmem:$0x40];
	[tilespmem:$0x1D0] =	vst v1;
	v1 =	vshrl.u32 v2, $0x3  }
0x6a: {  	v2 =	vld [tilespmem:$0xB0];
	v3 =	vshrl.u32 v3, $0x3;
	[tilespmem:$0x1E0] =	vst v1  }
0x6b: {  	v1 =	vshrl.u32 v4, $0x3;
	v4 =	vld [tilespmem:$0x30];
	[tilespmem:$0x160] =	vst v3  }
0x6c: {  	[tilespmem:$0x190] =	vst v1;
	v1 =	vld [tilespmem:$0xA0];
	v3 =	vshrl.u32 v5, $0x3  }
0x6d: {  	v5 =	vld [tilespmem:$0x20];
	v6 =	vshrl.u32 v6, $0x3;
	[tilespmem:$0x150] =	vst v3  }
0x6e: {  	v0 =	vshrl.u32 v0, $0x3;
	[tilespmem:$0x1C0] =	vst v6;
	v3 =	vld [tilespmem:$0x70]  }
0x6f: {  	v6 =	vld [tilespmem:$0x10];
	v2 =	vshrl.u32 v2, $0x3;
	[tilespmem:$0x140] =	vst v0  }
0x70: {  	v0 =	vld [tilespmem:$0x80];
	v4 =	vshrl.u32 v4, $0x3;
	[tilespmem:$0x1B0] =	vst v2  }
0x71: {  	v2 =	vld [tilespmem:$0x0];
	v1 =	vshrl.u32 v1, $0x3;
	[tilespmem:$0x130] =	vst v4  }
0x72: {  	v4 =	vshrl.u32 v5, $0x3;
	[tilespmem:$0x1A0] =	vst v1  }
0x73: {  	[tilespmem:$0x120] =	vst v4;
	v1 =	vshrl.u32 v3, $0x3  }
0x74: {  	v3 =	vshrl.u32 v6, $0x3;
	[tilespmem:$0x170] =	vst v1  }
0x75: {  	v0 =	vshrl.u32 v0, $0x3;
	[tilespmem:$0x110] =	vst v3  }
0x76: {  	v1 =	vshrl.u32 v2, $0x3;
	[tilespmem:$0x180] =	vst v0  }
0x77: {  	[tilespmem:$0x100] =	vst v1  }
0x78: {  	[tilespmem:s9], [sflag:$0x1] =	stream.indirect.gather [hbm4b:s7+s6], $0x8, s8, s6, $0xb8;
	[tilespmem:$0x1A00] =	vst v63  }
0x79: {  	_ = 	snop  }
0x7a: {  	[tilespmem:s14], [sflag:$0x1] =	stream.indirect.gather [hbm4b:s10+s6], $0x8, s12, s6, $0xb8;
	[tilespmem:$0x1A00] =	vst v63  }
0x7b: {  	_ = 	snop  }
0x7c: {  	[tilespmem:s16], [sflag:$0x1] =	stream.indirect.gather [hbm4b:s17+s6], $0x8, s8, s6, $0xb8;
	[tilespmem:$0x1A00] =	vst v63  }
0x7d: {  	_ = 	snop  }
0x7e: {  	[tilespmem:s15], [sflag:$0x1] =	stream.indirect.gather [hbm4b:s18+s6], $0x8, s12, s6, $0xb8;
	[tilespmem:$0x1A00] =	vst v63  }
0x7f: {  	_ = 	snop  }
0x80: {  	[tilespmem:s13], [sflag:$0x1] =	stream.indirect.gather [hbm4b:s19+s6], $0x8, s8, s6, $0xb8;
	[tilespmem:$0x1A00] =	vst v63  }
0x81: {  	_ = 	snop  }
0x82: {  	[tilespmem:s11], [sflag:$0x1] =	stream.indirect.gather [hbm4b:s20+s6], $0x8, s12, s6, $0xb8;
	[tilespmem:$0x1A00] =	vst v63  }
0x83: {  	_ =	swait.ge [sflag:s21], $0x400  }
0x84: {  	[sflag:s21] =	ssyncset.done $0x0  }
0x85: {  	[sflag:s21] =	ssyncadd.s32 $0xFFFFFC00  }
0x86: {  	_ =	swait.ge [sflag:s21], $0x400  }
0x87: {  	[sflag:s21] =	ssyncset.done $0x0  }
0x88: {  	[sflag:s21] =	ssyncadd.s32 $0xFFFFFC00  }
0x89: {  	_ =	swait.ge [sflag:s21], $0x400  }
0x8a: {  	[sflag:s21] =	ssyncset.done $0x0  }
0x8b: {  	[sflag:s21] =	ssyncadd.s32 $0xFFFFFC00  }
0x8c: {  	_ =	swait.ge [sflag:s21], $0x400  }
0x8d: {  	[sflag:s21] =	ssyncset.done $0x0  }
0x8e: {  	[sflag:s21] =	ssyncadd.s32 $0xFFFFFC00  }
0x8f: {  	_ =	swait.ge [sflag:s21], $0x400  }
0x90: {  	[sflag:s21] =	ssyncset.done $0x0  }
0x91: {  	[sflag:s21] =	ssyncadd.s32 $0xFFFFFC00  }
0x92: {  	_ =	swait.ge [sflag:s21], $0x400  }
0x93: {  	[sflag:s21] =	ssyncset.done $0x0  }
0x94: {  	[sflag:s21] =	ssyncadd.s32 $0xFFFFFC00  }
0x95: {  	[hbm4b:s22+s2] =	stream.linear.scatter [tilespmem:s9], [sflag:$0x2], $0x400, $0x38;
	[tilespmem:$0x1A00] =	vst v63  }
0x96: {  	_ =	swait.ge [sflag:s3], $0x400  }
0x97: {  	[sflag:s3] =	ssyncset.done $0x0  }
.Ltmp1:
0x98: {  	[sflag:s3] =	ssyncadd.s32 $0xFFFFFC00;
	(pc) =	sbr.rel @p0 .LBB2_1-.Ltmp1, $4  }
0x99: {  	[hbm4b:s25+s2] =	stream.linear.scatter [tilespmem:s14], [sflag:$0x2], $0x400, $0x38;
	[tilespmem:$0x1A00] =	vst v63  }
0x9a: {  	_ =	swait.ge [sflag:s3], $0x400  }
0x9b: {  	[sflag:s3] =	ssyncset.done $0x0  }
0x9c: {  	[sflag:s3] =	ssyncadd.s32 $0xFFFFFC00  }
.LBB2_2:
0x9d: {  	[hbm4b:s28+s2] =	stream.linear.scatter [tilespmem:s16], [sflag:$0x2], $0x400, $0x38;
	[tilespmem:$0x1A00] =	vst v63  }
0x9e: {  	_ =	swait.ge [sflag:s3], $0x400  }
0x9f: {  	[sflag:s3] =	ssyncset.done $0x0  }
0xa0: {  	[sflag:s3] =	ssyncadd.s32 $0xFFFFFC00  }
0xa1: {  	[hbm4b:s26+s2] =	stream.linear.scatter [tilespmem:s15], [sflag:$0x2], $0x400, $0x38;
	[tilespmem:$0x1A00] =	vst v63  }
0xa2: {  	_ =	swait.ge [sflag:s3], $0x400  }
0xa3: {  	[sflag:s3] =	ssyncset.done $0x0  }
0xa4: {  	[sflag:s3] =	ssyncadd.s32 $0xFFFFFC00  }
0xa5: {  	[hbm4b:s24+s2] =	stream.linear.scatter [tilespmem:s13], [sflag:$0x2], $0x400, $0x38;
	[tilespmem:$0x1A00] =	vst v63  }
0xa6: {  	_ =	swait.ge [sflag:s3], $0x400  }
0xa7: {  	[sflag:s3] =	ssyncset.done $0x0  }
0xa8: {  	[sflag:s3] =	ssyncadd.s32 $0xFFFFFC00  }
0xa9: {  	[hbm4b:s23+s2] =	stream.linear.scatter [tilespmem:s11], [sflag:$0x2], $0x400, $0x38;
	[tilespmem:$0x1A00] =	vst v63  }
0xaa: {  	_ =	swait.ge [sflag:s3], $0x400  }
0xab: {  	[sflag:s3] =	ssyncset.done $0x0  }
0xac: {  	[sflag:s3] =	ssyncadd.s32 $0xFFFFFC00  }
0xad: {  	_ =	sfence.sel $0x180000  }
0xae: {  	[bflag:$0x0] =	sbarrier.arrive $0xFFFF  }
0xaf: {  	p0 =	sne.s32 s0, $0x0;
	_ =	strace $0x90000047  }
0xb0: {  	s0 =	sadd.s32 @!p0 $0x100000, s1;
	[bflag:$0x2] =	sbarrier.arrive $0xFFFF  }
0xb1: {  	[sflag:s0] =	ssyncadd.tile.s32 @!p0 $0x1;
	_ =	shalt  }
.Lfunc_end2:
_tile_overlayer_lowered:
.L_overlay_start_2:
0xb2: {  	(tag) =	ssettag $0x2  }
0xb3: {  	s0 =	rddreg [dreg:$0x0];
	s2 =	stileid.u32  }
0xb4: {  	s1 =	rddreg [dreg:$0x1];
	p0 =	sne.s32 s2, $0x0  }
0xb5: {  	s3 =	rddreg [dreg:$0x2];
	[bflag:$0x3] =	sbarrier.arrive $0xFFFF;
	s2 =	simm.s32 @!p0 $0x1C02  }
0xb6: {  	[timem:s3], [sflag:s2] =	dma.local @!p0 [hbm:s0], s1  }
0xb7: {  	s0 =	simm.s32 @!p0 $0x2  }
0xb8: {  	_ =	swait.ge @!p0 [sflag:s0], s1  }
0xb9: {  	s1 =	ssub.s32 @!p0 $0x0, s1;
	[sflag:s0] =	ssyncset.done @!p0 $0x0  }
0xba: {  	[sflag:s0] =	ssyncadd.s32 @!p0 s1  }
0xbb: {  	[bflag:$0x3] =	sbarrier.arrive $0xFFFF  }
0xbc: {  	_ =	shalt  }

</sc_bundles>
